<compile_context>
chip_gen: v7x
topology: tpu7x:2x2x1
jax: 0.10.2.dev20260603
libtpu: 0.0.44.dev20260713+nightly
codegen_flags: <defaults>
</compile_context>

<pallas_src>
import functools

import jax
import jax.numpy as jnp
from jax import lax
from jax.experimental import pallas as pl
from jax.experimental.pallas import tpu as pltpu
from jax.experimental.pallas import tpu_sc as plsc

_U = 25000
_N = 50000
_D = 64
_H = 32
_NSUB = 16
_NCORE = 2
_CHUNK = 128
_FCH = 400
_NFL = _N // _FCH


def _pad_edges(rows, cols, vals, ep):
    e = rows.shape[0]
    pad = ep - e
    if pad:
        rows = jnp.concatenate([rows, jnp.zeros((pad,), rows.dtype)])
        cols = jnp.concatenate([cols, jnp.zeros((pad,), cols.dtype)])
        vals = jnp.concatenate([vals, jnp.zeros((pad,), vals.dtype)])
    return rows, cols, vals


def _sc_spmm2(ego_lo, ego_hi, ra, ca, va, rb, cb, vb, ep):
    epw = ep // _NSUB
    nch = epw // _CHUNK
    mesh = plsc.VectorSubcoreMesh(core_axis_name="c", subcore_axis_name="s")

    @functools.partial(
        pl.kernel,
        mesh=mesh,
        compiler_params=pltpu.CompilerParams(use_tc_tiling_on_sc=False),
        out_type=(
            jax.ShapeDtypeStruct((_NCORE, _N, _H), jnp.float32),
            jax.ShapeDtypeStruct((_NCORE, _N, _H), jnp.float32),
        ),
        scratch_types=[
            pltpu.VMEM_SHARED((_N, _H), jnp.float32),
            pltpu.VMEM((_CHUNK,), jnp.int32),
            pltpu.VMEM((_CHUNK,), jnp.int32),
            pltpu.VMEM((_CHUNK,), jnp.float32),
            pltpu.VMEM((_CHUNK, _H), jnp.float32),
            pltpu.VMEM((_FCH, _H), jnp.float32),
            pltpu.SemaphoreType.DMA,
        ],
    )
    def run(lo_hbm, hi_hbm, ra_h, ca_h, va_h, rb_h, cb_h, vb_h,
            outa_h, outb_h, acc, rows_v, cols_v, vals_v, gath, zbuf, sem):
        c = lax.axis_index("c")
        s = lax.axis_index("s")

        def fill_zbuf():
            def zrow(i, carry):
                zbuf[i, pl.ds(0, 16)] = jnp.zeros((16,), jnp.float32)
                zbuf[i, pl.ds(16, 16)] = jnp.zeros((16,), jnp.float32)
                return carry
            lax.fori_loop(0, _FCH, zrow, 0)

        def each_owned_chunk(fn):
            def body(k, carry):
                idx = s + k * _NSUB
                @pl.when(idx < _NFL)
                def _():
                    fn(idx * _FCH)
                return carry
            lax.fori_loop(0, (_NFL + _NSUB - 1) // _NSUB, body, 0)

        def zero_acc():
            def zchunk(r0):
                pltpu.sync_copy(zbuf, acc.at[pl.ds(r0, _FCH)])
            each_owned_chunk(zchunk)

        def accumulate(tab_h, r_h, c_h, v_h):
            def chunk(g, carry):
                base = s * epw + g * _CHUNK
                pltpu.sync_copy(c_h.at[pl.ds(base, _CHUNK)], cols_v)
                pltpu.sync_copy(r_h.at[pl.ds(base, _CHUNK)], rows_v)
                pltpu.sync_copy(v_h.at[pl.ds(base, _CHUNK)], vals_v)
                pltpu.async_copy(tab_h.at[cols_v], gath, sem).wait()

                def sgroup(j16, icarry):
                    vv = vals_v[pl.ds(j16 * 16, 16)]
                    base_r = j16 * 16
                    for j in range(16):
                        vbj = jnp.broadcast_to(lax.slice(vv, (j,), (j + 1,)),
                                               (16,))
                        r = base_r + j
                        gath[r, pl.ds(0, 16)] = gath[r, pl.ds(0, 16)] * vbj
                        gath[r, pl.ds(16, 16)] = gath[r, pl.ds(16, 16)] * vbj
                    return icarry
                lax.fori_loop(0, _CHUNK // 16, sgroup, 0)
                pltpu.sync_copy(gath, acc.at[rows_v], add=True)
                return carry
            lax.fori_loop(0, nch, chunk, 0)

        def flush(out_h):
            def fchunk(r0):
                pltpu.sync_copy(acc.at[pl.ds(r0, _FCH)],
                                out_h.at[c, pl.ds(r0, _FCH)])
            each_owned_chunk(fchunk)

        def phase(tab_h, r_h, c_h, v_h, out_h):
            zero_acc()
            plsc.subcore_barrier()
            accumulate(tab_h, r_h, c_h, v_h)
            plsc.subcore_barrier()
            flush(out_h)
            plsc.subcore_barrier()

        fill_zbuf()

        @pl.when(c == 0)
        def _():
            phase(lo_hbm, ra_h, ca_h, va_h, outa_h)
            phase(lo_hbm, rb_h, cb_h, vb_h, outb_h)

        @pl.when(c == 1)
        def _():
            phase(hi_hbm, ra_h, ca_h, va_h, outa_h)
            phase(hi_hbm, rb_h, cb_h, vb_h, outb_h)

    return run(ego_lo, ego_hi, ra, ca, va, rb, cb, vb)


def kernel(user_emb, item_emb, edge_index, edge_vals,
           rand_edge_index, rand_edge_vals):
    ego = jnp.concatenate([user_emb, item_emb], axis=0)
    e = edge_vals.shape[0]
    step = _NSUB * _CHUNK
    ep = ((e + step - 1) // step) * step
    ra, ca, va = _pad_edges(edge_index[0], edge_index[1], edge_vals, ep)
    rb, cb, vb = _pad_edges(rand_edge_index[0], rand_edge_index[1],
                            rand_edge_vals, ep)
    a2, b2 = _sc_spmm2(ego[:, :_H], ego[:, _H:], ra, ca, va, rb, cb, vb, ep)
    agg = a2.transpose(1, 0, 2).reshape(_N, _D)
    rnd = b2.transpose(1, 0, 2).reshape(_N, _D)
    mean = 0.25 * ego + 0.75 * agg
    stack1 = jnp.stack([ego, agg, agg, agg], axis=1)
    stack2 = jnp.stack([ego, rnd, rnd, rnd], axis=1)
    return mean[:_U], mean[_U:], stack1, stack2

# --- scband reference (transcript-rebuilt; emitter-appended) ---
"""Pipeline reference for scband-lgcn-encoder-7095285973816 (READ-ONLY COPY).

The authoritative reference and input builder live on the scoring server;
editing this copy changes nothing except your own understanding.
"""

import jax, jax.numpy as jnp
import numpy as np

U = 25000
I = 25000
N = U + I
E = 800000
D = 64
L = 3


def _spmm(rows, cols, vals, x, n):
    # sparse (COO) matrix @ dense:  out[r] += vals[e] * x[cols[e]] for each edge e with rows[e]==r
    return jax.ops.segment_sum(vals[:, None] * x[cols], rows, num_segments=n)


def setup_inputs(seed: int = 0) -> dict:
    key = jax.random.key(seed)
    k1, k2, k3, k4, k5, k6 = jax.random.split(key, 6)
    user_emb = jax.random.normal(k1, (U, D), dtype=jnp.float32) * 0.1
    item_emb = jax.random.normal(k2, (I, D), dtype=jnp.float32) * 0.1
    edge_index = jax.random.randint(k3, (2, E), 0, N, dtype=jnp.int32)
    edge_vals = jax.random.uniform(k4, (E,), dtype=jnp.float32) * (1.0 / 16.0)
    rand_edge_index = jax.random.randint(k5, (2, E), 0, N, dtype=jnp.int32)
    rand_edge_vals = jax.random.uniform(k6, (E,), dtype=jnp.float32) * (1.0 / 16.0)
    return {
        "user_emb": user_emb,
        "item_emb": item_emb,
        "edge_index": edge_index,
        "edge_vals": edge_vals,
        "rand_edge_index": rand_edge_index,
        "rand_edge_vals": rand_edge_vals,
    }


def reference(user_emb, item_emb, edge_index, edge_vals, rand_edge_index, rand_edge_vals):
    # Faithful translation of LGCN_Encoder.forward():
    # note the original never reassigns ego_embeddings inside the loop,
    # so every layer propagates from the layer-0 embeddings.
    ego_embeddings = jnp.concatenate([user_emb, item_emb], axis=0)
    all_embeddings = [ego_embeddings]
    all_path_embeddings = [ego_embeddings]
    for k in range(L):
        ego_embeddings1 = _spmm(edge_index[0], edge_index[1], edge_vals, ego_embeddings, N)
        ego_embeddings4 = _spmm(rand_edge_index[0], rand_edge_index[1], rand_edge_vals, ego_embeddings, N)
        all_embeddings.append(ego_embeddings1)
        all_path_embeddings.append(ego_embeddings4)
    lgcn_all_embeddings = jnp.stack(all_embeddings, axis=1)
    lgcn_all_embeddings = jnp.mean(lgcn_all_embeddings, axis=1)
    user_all_embeddings = lgcn_all_embeddings[:U]
    item_all_embeddings = lgcn_all_embeddings[U:]
    return (
        user_all_embeddings,
        item_all_embeddings,
        jnp.stack(all_embeddings, axis=1),
        jnp.stack(all_path_embeddings, axis=1),
    )

if __name__ == "__main__":
    import jax
    _d = setup_inputs()
    print(jax.jit(kernel)(*tuple(_d.values())))

</pallas_src>

<mosaic_0001>
#map = affine_map<(d0, d1) -> (0, 0)>
#map1 = affine_map<(d0, d1) -> (0)>
#map2 = affine_map<(d0, d1) -> (0, 0, 0)>
module attributes {stable_mosaic.version = 14 : i64} {
  func.func @run(%arg0: i32, %arg1: i32, %arg2: memref<50000x32xf32, #tpu.memory_space<hbm>>, %arg3: memref<50000x32xf32, #tpu.memory_space<hbm>>, %arg4: memref<800768xi32, #tpu.memory_space<hbm>>, %arg5: memref<800768xi32, #tpu.memory_space<hbm>>, %arg6: memref<800768xf32, #tpu.memory_space<hbm>>, %arg7: memref<800768xi32, #tpu.memory_space<hbm>>, %arg8: memref<800768xi32, #tpu.memory_space<hbm>>, %arg9: memref<800768xf32, #tpu.memory_space<hbm>>, %arg10: memref<2x50000x32xf32, #tpu.memory_space<hbm>>, %arg11: memref<2x50000x32xf32, #tpu.memory_space<hbm>>, %arg12: memref<50000x32xf32, #tpu.memory_space<vmem_shared>>, %arg13: memref<128xi32, #tpu.memory_space<vmem>>, %arg14: memref<128xi32, #tpu.memory_space<vmem>>, %arg15: memref<128xf32, #tpu.memory_space<vmem>>, %arg16: memref<128x32xf32, #tpu.memory_space<vmem>>, %arg17: memref<400x32xf32, #tpu.memory_space<vmem>>, %arg18: memref<!tpu.dma_semaphore, #tpu.memory_space<semaphore_mem>>) attributes {dimension_semantics = [#tpu.dimension_semantics<core_parallel>, #tpu.dimension_semantics<subcore_parallel>], iteration_bounds = array<i64: 2, 16>, scalar_prefetch = 0 : i64, scratch_operands = 7 : i64, tpu.core_type = #tpu.core_type<sc_vector_subcore>, window_params = [{transform_indices = #map}, {transform_indices = #map}, {transform_indices = #map1}, {transform_indices = #map1}, {transform_indices = #map1}, {transform_indices = #map1}, {transform_indices = #map1}, {transform_indices = #map1}, {transform_indices = #map2}, {transform_indices = #map2}]} {
    %scan3A = arith.constant 0 : i32
    %scan3A_0 = arith.constant 0 : i32
    %scan3A_1 = arith.constant 400 : i32
    %scan3A_2 = arith.addi %scan3A_0, %scan3A_1 : i32
    %scan3A_3 = arith.constant 1 : i32
    scf.for %scan3A_12 = %scan3A_0 to %scan3A_2 step %scan3A_3  : i32 {
      %broadcast_in_dim3A = arith.constant 0.000000e+00 : f32
      %broadcast_in_dim3A_13 = vector.broadcast %broadcast_in_dim3A : f32 to vector<16xf32>
      %swap3A = arith.index_cast %scan3A_12 : i32 to index
      %swap3A_14 = arith.constant 0 : index
      %swap3A_15 = tpu.vector_load %arg17[%swap3A, %swap3A_14] {strides = array<i32>} : memref<400x32xf32, #tpu.memory_space<vmem>>, vector<1x16xf32>,
      %swap3A_16 = vector.shape_cast %swap3A_15 : vector<1x16xf32> to vector<16xf32>
      %swap3A_17 = vector.shape_cast %broadcast_in_dim3A_13 : vector<16xf32> to vector<1x16xf32>
      tpu.vector_store %arg17[%swap3A, %swap3A_14], %swap3A_17 {strides = array<i32>} : memref<400x32xf32, #tpu.memory_space<vmem>>, vector<1x16xf32>,
      %broadcast_in_dim3A_18 = arith.constant 0.000000e+00 : f32
      %broadcast_in_dim3A_19 = vector.broadcast %broadcast_in_dim3A_18 : f32 to vector<16xf32>
      %swap3A_20 = arith.index_cast %scan3A_12 : i32 to index
      %swap3A_21 = arith.constant 16 : index
      %swap3A_22 = tpu.vector_load %arg17[%swap3A_20, %swap3A_21] {strides = array<i32>} : memref<400x32xf32, #tpu.memory_space<vmem>>, vector<1x16xf32>,
      %swap3A_23 = vector.shape_cast %swap3A_22 : vector<1x16xf32> to vector<16xf32>
      %swap3A_24 = vector.shape_cast %broadcast_in_dim3A_19 : vector<16xf32> to vector<1x16xf32>
      tpu.vector_store %arg17[%swap3A_20, %swap3A_21], %swap3A_24 {strides = array<i32>} : memref<400x32xf32, #tpu.memory_space<vmem>>, vector<1x16xf32>,
    }
    %scan3A_4 = arith.constant 400 : i32
    %eq3A = arith.constant 0 : i32
    %eq3A_5 = arith.cmpi eq, %arg0, %eq3A : i32
    %convert_element_type3A = arith.extui %eq3A_5 : i1 to i32
    %cond3A = arith.constant 0 : i32
    %cond3A_6 = arith.cmpi ne, %convert_element_type3A, %cond3A : i32
    scf.if %cond3A_6 {
      %scan3A_12 = arith.constant 0 : i32
      %scan3A_13 = arith.constant 0 : i32
      %scan3A_14 = arith.constant 8 : i32
      %scan3A_15 = arith.addi %scan3A_13, %scan3A_14 : i32
      %scan3A_16 = arith.constant 1 : i32
      scf.for %scan3A_53 = %scan3A_13 to %scan3A_15 step %scan3A_16  : i32 {
        %mul3A = arith.constant 16 : i32
        %mul3A_54 = arith.muli %scan3A_53, %mul3A : i32
        %add3A = arith.addi %arg1, %mul3A_54 : i32
        %lt3A = arith.constant 125 : i32
        %lt3A_55 = arith.cmpi slt, %add3A, %lt3A : i32
        %convert_element_type3A_56 = arith.extui %lt3A_55 : i1 to i32
        %cond3A_57 = arith.constant 0 : i32
        %cond3A_58 = arith.cmpi ne, %convert_element_type3A_56, %cond3A_57 : i32
        scf.if %cond3A_58 {
          %mul3A_59 = arith.constant 400 : i32
          %mul3A_60 = arith.muli %add3A, %mul3A_59 : i32
          "tpu.region"() ({
            %run_scoped3A = tpu.sem_alloc : memref<!tpu.dma_semaphore, #tpu.memory_space<semaphore_mem>>
            %dma_start3A = arith.constant 0 : i32
            %dma_start3A_61 = tpu.memref_slice %arg12[%mul3A_60, %dma_start3A] : memref<50000x32xf32, #tpu.memory_space<vmem_shared>> -> memref<400x32xf32, #tpu.memory_space<vmem_shared>>
            %dma_start3A_62 = arith.constant 0 : i32
            %dma_start3A_63 = tpu.memref_slice %arg12[%mul3A_60, %dma_start3A_62] : memref<50000x32xf32, #tpu.memory_space<vmem_shared>> -> memref<400x32xf32, #tpu.memory_space<vmem_shared>>
            tpu.enqueue_dma source(%arg17 : memref<400x32xf32, #tpu.memory_space<vmem>>) target(%dma_start3A_63 : memref<400x32xf32, #tpu.memory_space<vmem_shared>>) target_semaphore(%run_scoped3A : memref<!tpu.dma_semaphore, #tpu.memory_space<semaphore_mem>>)
            %dma_wait3A = arith.constant 0 : i32
            %dma_wait3A_64 = tpu.memref_slice %arg12[%mul3A_60, %dma_wait3A] : memref<50000x32xf32, #tpu.memory_space<vmem_shared>> -> memref<400x32xf32, #tpu.memory_space<vmem_shared>>
            %dma_wait3A_65 = arith.constant 0 : i32
            %dma_wait3A_66 = tpu.memref_slice %arg12[%mul3A_60, %dma_wait3A_65] : memref<50000x32xf32, #tpu.memory_space<vmem_shared>> -> memref<400x32xf32, #tpu.memory_space<vmem_shared>>
            tpu.wait_dma2 semaphore(%run_scoped3A : memref<!tpu.dma_semaphore, #tpu.memory_space<semaphore_mem>>) src(%arg17 : memref<400x32xf32, #tpu.memory_space<vmem>>) dst(%dma_wait3A_66 : memref<400x32xf32, #tpu.memory_space<vmem_shared>>)
            tpu.yield
          }) : () -> ()
        } else {
        }
      }
      %scan3A_17 = arith.constant 8 : i32
      %barrier3A = arith.constant 0 : index
      tpu.barrier barrier_id(%barrier3A)
      %scan3A_18 = arith.constant 0 : i32
      %scan3A_19 = arith.constant 0 : i32
      %scan3A_20 = arith.constant 391 : i32
      %scan3A_21 = arith.addi %scan3A_19, %scan3A_20 : i32
      %scan3A_22 = arith.constant 1 : i32
      scf.for %scan3A_53 = %scan3A_19 to %scan3A_21 step %scan3A_22  : i32 {
        %mul3A = arith.constant 50048 : i32
        %mul3A_54 = arith.muli %arg1, %mul3A : i32
        %mul3A_55 = arith.constant 128 : i32
        %mul3A_56 = arith.muli %scan3A_53, %mul3A_55 : i32
        %add3A = arith.addi %mul3A_54, %mul3A_56 : i32
        "tpu.region"() ({
          %run_scoped3A = tpu.sem_alloc : memref<!tpu.dma_semaphore, #tpu.memory_space<semaphore_mem>>
          %dma_start3A_67 = tpu.memref_slice %arg5[%add3A] : memref<800768xi32, #tpu.memory_space<hbm>> -> memref<128xi32, #tpu.memory_space<hbm>>
          %dma_start3A_68 = tpu.memref_slice %arg5[%add3A] : memref<800768xi32, #tpu.memory_space<hbm>> -> memref<128xi32, #tpu.memory_space<hbm>>
          tpu.enqueue_dma source(%dma_start3A_68 : memref<128xi32, #tpu.memory_space<hbm>>) target(%arg14 : memref<128xi32, #tpu.memory_space<vmem>>) target_semaphore(%run_scoped3A : memref<!tpu.dma_semaphore, #tpu.memory_space<semaphore_mem>>)
          %dma_wait3A_69 = tpu.memref_slice %arg5[%add3A] : memref<800768xi32, #tpu.memory_space<hbm>> -> memref<128xi32, #tpu.memory_space<hbm>>
          %dma_wait3A_70 = tpu.memref_slice %arg5[%add3A] : memref<800768xi32, #tpu.memory_space<hbm>> -> memref<128xi32, #tpu.memory_space<hbm>>
          tpu.wait_dma2 semaphore(%run_scoped3A : memref<!tpu.dma_semaphore, #tpu.memory_space<semaphore_mem>>) src(%dma_wait3A_70 : memref<128xi32, #tpu.memory_space<hbm>>) dst(%arg14 : memref<128xi32, #tpu.memory_space<vmem>>)
          tpu.yield
        }) : () -> ()
        "tpu.region"() ({
          %run_scoped3A = tpu.sem_alloc : memref<!tpu.dma_semaphore, #tpu.memory_space<semaphore_mem>>
          %dma_start3A_67 = tpu.memref_slice %arg4[%add3A] : memref<800768xi32, #tpu.memory_space<hbm>> -> memref<128xi32, #tpu.memory_space<hbm>>
          %dma_start3A_68 = tpu.memref_slice %arg4[%add3A] : memref<800768xi32, #tpu.memory_space<hbm>> -> memref<128xi32, #tpu.memory_space<hbm>>
          tpu.enqueue_dma source(%dma_start3A_68 : memref<128xi32, #tpu.memory_space<hbm>>) target(%arg13 : memref<128xi32, #tpu.memory_space<vmem>>) target_semaphore(%run_scoped3A : memref<!tpu.dma_semaphore, #tpu.memory_space<semaphore_mem>>)
          %dma_wait3A_69 = tpu.memref_slice %arg4[%add3A] : memref<800768xi32, #tpu.memory_space<hbm>> -> memref<128xi32, #tpu.memory_space<hbm>>
          %dma_wait3A_70 = tpu.memref_slice %arg4[%add3A] : memref<800768xi32, #tpu.memory_space<hbm>> -> memref<128xi32, #tpu.memory_space<hbm>>
          tpu.wait_dma2 semaphore(%run_scoped3A : memref<!tpu.dma_semaphore, #tpu.memory_space<semaphore_mem>>) src(%dma_wait3A_70 : memref<128xi32, #tpu.memory_space<hbm>>) dst(%arg13 : memref<128xi32, #tpu.memory_space<vmem>>)
          tpu.yield
        }) : () -> ()
        "tpu.region"() ({
          %run_scoped3A = tpu.sem_alloc : memref<!tpu.dma_semaphore, #tpu.memory_space<semaphore_mem>>
          %dma_start3A_67 = tpu.memref_slice %arg6[%add3A] : memref<800768xf32, #tpu.memory_space<hbm>> -> memref<128xf32, #tpu.memory_space<hbm>>
          %dma_start3A_68 = tpu.memref_slice %arg6[%add3A] : memref<800768xf32, #tpu.memory_space<hbm>> -> memref<128xf32, #tpu.memory_space<hbm>>
          tpu.enqueue_dma source(%dma_start3A_68 : memref<128xf32, #tpu.memory_space<hbm>>) target(%arg15 : memref<128xf32, #tpu.memory_space<vmem>>) target_semaphore(%run_scoped3A : memref<!tpu.dma_semaphore, #tpu.memory_space<semaphore_mem>>)
          %dma_wait3A_69 = tpu.memref_slice %arg6[%add3A] : memref<800768xf32, #tpu.memory_space<hbm>> -> memref<128xf32, #tpu.memory_space<hbm>>
          %dma_wait3A_70 = tpu.memref_slice %arg6[%add3A] : memref<800768xf32, #tpu.memory_space<hbm>> -> memref<128xf32, #tpu.memory_space<hbm>>
          tpu.wait_dma2 semaphore(%run_scoped3A : memref<!tpu.dma_semaphore, #tpu.memory_space<semaphore_mem>>) src(%dma_wait3A_70 : memref<128xf32, #tpu.memory_space<hbm>>) dst(%arg15 : memref<128xf32, #tpu.memory_space<vmem>>)
          tpu.yield
        }) : () -> ()
        %dma_start3A = arith.constant 0 : i32
        %dma_start3A_57 = arith.constant 0 : i32
        %dma_start3A_58 = tpu.memref_slice %arg2[%dma_start3A, %dma_start3A_57] : memref<50000x32xf32, #tpu.memory_space<hbm>> -> memref<50000x32xf32, #tpu.memory_space<hbm>>
        tpu.enqueue_indirect_dma source(%dma_start3A_58 : memref<50000x32xf32, #tpu.memory_space<hbm>>) target(%arg16 : memref<128x32xf32, #tpu.memory_space<vmem>>) offsets(%arg14 : memref<128xi32, #tpu.memory_space<vmem>>) semaphore(%arg18 : memref<!tpu.dma_semaphore, #tpu.memory_space<semaphore_mem>>)
        %dma_wait3A = arith.constant 0 : i32
        %dma_wait3A_59 = arith.constant 0 : i32
        %dma_wait3A_60 = tpu.memref_slice %arg2[%dma_wait3A, %dma_wait3A_59] : memref<50000x32xf32, #tpu.memory_space<hbm>> -> memref<50000x32xf32, #tpu.memory_space<hbm>>
        tpu.wait_indirect_dma semaphore(%arg18 : memref<!tpu.dma_semaphore, #tpu.memory_space<semaphore_mem>>) src(%dma_wait3A_60 : memref<50000x32xf32, #tpu.memory_space<hbm>>) dst(%arg16 : memref<128x32xf32, #tpu.memory_space<vmem>>)
        %scan3A_61 = arith.constant 0 : i32
        %scan3A_62 = arith.constant 0 : i32
        %scan3A_63 = arith.constant 8 : i32
        %scan3A_64 = arith.addi %scan3A_62, %scan3A_63 : i32
        %scan3A_65 = arith.constant 1 : i32
        scf.for %scan3A_67 = %scan3A_62 to %scan3A_64 step %scan3A_65  : i32 {
          %mul3A_68 = arith.constant 16 : i32
          %mul3A_69 = arith.muli %scan3A_67, %mul3A_68 : i32
          %get3A = arith.index_cast %mul3A_69 : i32 to index
          %get3A_70 = tpu.vector_load %arg15[%get3A] {strides = array<i32>} : memref<128xf32, #tpu.memory_space<vmem>>, vector<16xf32>,
          %get3A_71 = vector.shape_cast %get3A_70 : vector<16xf32> to vector<16xf32>
          %mul3A_72 = arith.constant 16 : i32
          %mul3A_73 = arith.muli %scan3A_67, %mul3A_72 : i32
          %slice3A = vector.extract_strided_slice %get3A_71 {offsets = [0], sizes = [1], strides = [1]} : vector<16xf32> to vector<1xf32>
          %broadcast_in_dim3A = vector.shape_cast %slice3A : vector<1xf32> to vector<1xf32>
          %broadcast_in_dim3A_74 = vector.broadcast %broadcast_in_dim3A : vector<1xf32> to vector<16xf32>
          %add3A_75 = arith.constant 0 : i32
          %add3A_76 = arith.addi %mul3A_73, %add3A_75 : i32
          %get3A_77 = arith.index_cast %add3A_76 : i32 to index
          %get3A_78 = arith.constant 0 : index
          %get3A_79 = tpu.vector_load %arg16[%get3A_77, %get3A_78] {strides = array<i32>} : memref<128x32xf32, #tpu.memory_space<vmem>>, vector<1x16xf32>,
          %get3A_80 = vector.shape_cast %get3A_79 : vector<1x16xf32> to vector<16xf32>
          %mul3A_81 = arith.mulf %get3A_80, %broadcast_in_dim3A_74 : vector<16xf32>
          %swap3A = arith.index_cast %add3A_76 : i32 to index
          %swap3A_82 = arith.constant 0 : index
          %swap3A_83 = tpu.vector_load %arg16[%swap3A, %swap3A_82] {strides = array<i32>} : memref<128x32xf32, #tpu.memory_space<vmem>>, vector<1x16xf32>,
          %swap3A_84 = vector.shape_cast %swap3A_83 : vector<1x16xf32> to vector<16xf32>
          %swap3A_85 = vector.shape_cast %mul3A_81 : vector<16xf32> to vector<1x16xf32>
          tpu.vector_store %arg16[%swap3A, %swap3A_82], %swap3A_85 {strides = array<i32>} : memref<128x32xf32, #tpu.memory_space<vmem>>, vector<1x16xf32>,
          %get3A_86 = arith.index_cast %add3A_76 : i32 to index
          %get3A_87 = arith.constant 16 : index
          %get3A_88 = tpu.vector_load %arg16[%get3A_86, %get3A_87] {strides = array<i32>} : memref<128x32xf32, #tpu.memory_space<vmem>>, vector<1x16xf32>,
          %get3A_89 = vector.shape_cast %get3A_88 : vector<1x16xf32> to vector<16xf32>
          %mul3A_90 = arith.mulf %get3A_89, %broadcast_in_dim3A_74 : vector<16xf32>
          %swap3A_91 = arith.index_cast %add3A_76 : i32 to index
          %swap3A_92 = arith.constant 16 : index
          %swap3A_93 = tpu.vector_load %arg16[%swap3A_91, %swap3A_92] {strides = array<i32>} : memref<128x32xf32, #tpu.memory_space<vmem>>, vector<1x16xf32>,
          %swap3A_94 = vector.shape_cast %swap3A_93 : vector<1x16xf32> to vector<16xf32>
          %swap3A_95 = vector.shape_cast %mul3A_90 : vector<16xf32> to vector<1x16xf32>
          tpu.vector_store %arg16[%swap3A_91, %swap3A_92], %swap3A_95 {strides = array<i32>} : memref<128x32xf32, #tpu.memory_space<vmem>>, vector<1x16xf32>,
          %slice3A_96 = vector.extract_strided_slice %get3A_71 {offsets = [1], sizes = [1], strides = [1]} : vector<16xf32> to vector<1xf32>
          %broadcast_in_dim3A_97 = vector.shape_cast %slice3A_96 : vector<1xf32> to vector<1xf32>
          %broadcast_in_dim3A_98 = vector.broadcast %broadcast_in_dim3A_97 : vector<1xf32> to vector<16xf32>
          %add3A_99 = arith.constant 1 : i32
          %add3A_100 = arith.addi %mul3A_73, %add3A_99 : i32
          %get3A_101 = arith.index_cast %add3A_100 : i32 to index
          %get3A_102 = arith.constant 0 : index
          %get3A_103 = tpu.vector_load %arg16[%get3A_101, %get3A_102] {strides = array<i32>} : memref<128x32xf32, #tpu.memory_space<vmem>>, vector<1x16xf32>,
          %get3A_104 = vector.shape_cast %get3A_103 : vector<1x16xf32> to vector<16xf32>
          %mul3A_105 = arith.mulf %get3A_104, %broadcast_in_dim3A_98 : vector<16xf32>
          %swap3A_106 = arith.index_cast %add3A_100 : i32 to index
          %swap3A_107 = arith.constant 0 : index
          %swap3A_108 = tpu.vector_load %arg16[%swap3A_106, %swap3A_107] {strides = array<i32>} : memref<128x32xf32, #tpu.memory_space<vmem>>, vector<1x16xf32>,
          %swap3A_109 = vector.shape_cast %swap3A_108 : vector<1x16xf32> to vector<16xf32>
          %swap3A_110 = vector.shape_cast %mul3A_105 : vector<16xf32> to vector<1x16xf32>
          tpu.vector_store %arg16[%swap3A_106, %swap3A_107], %swap3A_110 {strides = array<i32>} : memref<128x32xf32, #tpu.memory_space<vmem>>, vector<1x16xf32>,
          %get3A_111 = arith.index_cast %add3A_100 : i32 to index
          %get3A_112 = arith.constant 16 : index
          %get3A_113 = tpu.vector_load %arg16[%get3A_111, %get3A_112] {strides = array<i32>} : memref<128x32xf32, #tpu.memory_space<vmem>>, vector<1x16xf32>,
          %get3A_114 = vector.shape_cast %get3A_113 : vector<1x16xf32> to vector<16xf32>
          %mul3A_115 = arith.mulf %get3A_114, %broadcast_in_dim3A_98 : vector<16xf32>
          %swap3A_116 = arith.index_cast %add3A_100 : i32 to index
          %swap3A_117 = arith.constant 16 : index
          %swap3A_118 = tpu.vector_load %arg16[%swap3A_116, %swap3A_117] {strides = array<i32>} : memref<128x32xf32, #tpu.memory_space<vmem>>, vector<1x16xf32>,
          %swap3A_119 = vector.shape_cast %swap3A_118 : vector<1x16xf32> to vector<16xf32>
          %swap3A_120 = vector.shape_cast %mul3A_115 : vector<16xf32> to vector<1x16xf32>
          tpu.vector_store %arg16[%swap3A_116, %swap3A_117], %swap3A_120 {strides = array<i32>} : memref<128x32xf32, #tpu.memory_space<vmem>>, vector<1x16xf32>,
          %slice3A_121 = vector.extract_strided_slice %get3A_71 {offsets = [2], sizes = [1], strides = [1]} : vector<16xf32> to vector<1xf32>
          %broadcast_in_dim3A_122 = vector.shape_cast %slice3A_121 : vector<1xf32> to vector<1xf32>
          %broadcast_in_dim3A_123 = vector.broadcast %broadcast_in_dim3A_122 : vector<1xf32> to vector<16xf32>
          %add3A_124 = arith.constant 2 : i32
          %add3A_125 = arith.addi %mul3A_73, %add3A_124 : i32
          %get3A_126 = arith.index_cast %add3A_125 : i32 to index
          %get3A_127 = arith.constant 0 : index
          %get3A_128 = tpu.vector_load %arg16[%get3A_126, %get3A_127] {strides = array<i32>} : memref<128x32xf32, #tpu.memory_space<vmem>>, vector<1x16xf32>,
          %get3A_129 = vector.shape_cast %get3A_128 : vector<1x16xf32> to vector<16xf32>
          %mul3A_130 = arith.mulf %get3A_129, %broadcast_in_dim3A_123 : vector<16xf32>
          %swap3A_131 = arith.index_cast %add3A_125 : i32 to index
          %swap3A_132 = arith.constant 0 : index
          %swap3A_133 = tpu.vector_load %arg16[%swap3A_131, %swap3A_132] {strides = array<i32>} : memref<128x32xf32, #tpu.memory_space<vmem>>, vector<1x16xf32>,
          %swap3A_134 = vector.shape_cast %swap3A_133 : vector<1x16xf32> to vector<16xf32>
          %swap3A_135 = vector.shape_cast %mul3A_130 : vector<16xf32> to vector<1x16xf32>
          tpu.vector_store %arg16[%swap3A_131, %swap3A_132], %swap3A_135 {strides = array<i32>} : memref<128x32xf32, #tpu.memory_space<vmem>>, vector<1x16xf32>,
          %get3A_136 = arith.index_cast %add3A_125 : i32 to index
          %get3A_137 = arith.constant 16 : index
          %get3A_138 = tpu.vector_load %arg16[%get3A_136, %get3A_137] {strides = array<i32>} : memref<128x32xf32, #tpu.memory_space<vmem>>, vector<1x16xf32>,
          %get3A_139 = vector.shape_cast %get3A_138 : vector<1x16xf32> to vector<16xf32>
          %mul3A_140 = arith.mulf %get3A_139, %broadcast_in_dim3A_123 : vector<16xf32>
          %swap3A_141 = arith.index_cast %add3A_125 : i32 to index
          %swap3A_142 = arith.constant 16 : index
          %swap3A_143 = tpu.vector_load %arg16[%swap3A_141, %swap3A_142] {strides = array<i32>} : memref<128x32xf32, #tpu.memory_space<vmem>>, vector<1x16xf32>,
          %swap3A_144 = vector.shape_cast %swap3A_143 : vector<1x16xf32> to vector<16xf32>
          %swap3A_145 = vector.shape_cast %mul3A_140 : vector<16xf32> to vector<1x16xf32>
          tpu.vector_store %arg16[%swap3A_141, %swap3A_142], %swap3A_145 {strides = array<i32>} : memref<128x32xf32, #tpu.memory_space<vmem>>, vector<1x16xf32>,
          %slice3A_146 = vector.extract_strided_slice %get3A_71 {offsets = [3], sizes = [1], strides = [1]} : vector<16xf32> to vector<1xf32>
          %broadcast_in_dim3A_147 = vector.shape_cast %slice3A_146 : vector<1xf32> to vector<1xf32>
          %broadcast_in_dim3A_148 = vector.broadcast %broadcast_in_dim3A_147 : vector<1xf32> to vector<16xf32>
          %add3A_149 = arith.constant 3 : i32
          %add3A_150 = arith.addi %mul3A_73, %add3A_149 : i32
          %get3A_151 = arith.index_cast %add3A_150 : i32 to index
          %get3A_152 = arith.constant 0 : index
          %get3A_153 = tpu.vector_load %arg16[%get3A_151, %get3A_152] {strides = array<i32>} : memref<128x32xf32, #tpu.memory_space<vmem>>, vector<1x16xf32>,
          %get3A_154 = vector.shape_cast %get3A_153 : vector<1x16xf32> to vector<16xf32>
          %mul3A_155 = arith.mulf %get3A_154, %broadcast_in_dim3A_148 : vector<16xf32>
          %swap3A_156 = arith.index_cast %add3A_150 : i32 to index
          %swap3A_157 = arith.constant 0 : index
          %swap3A_158 = tpu.vector_load %arg16[%swap3A_156, %swap3A_157] {strides = array<i32>} : memref<128x32xf32, #tpu.memory_space<vmem>>, vector<1x16xf32>,
          %swap3A_159 = vector.shape_cast %swap3A_158 : vector<1x16xf32> to vector<16xf32>
          %swap3A_160 = vector.shape_cast %mul3A_155 : vector<16xf32> to vector<1x16xf32>
          tpu.vector_store %arg16[%swap3A_156, %swap3A_157], %swap3A_160 {strides = array<i32>} : memref<128x32xf32, #tpu.memory_space<vmem>>, vector<1x16xf32>,
          %get3A_161 = arith.index_cast %add3A_150 : i32 to index
          %get3A_162 = arith.constant 16 : index
          %get3A_163 = tpu.vector_load %arg16[%get3A_161, %get3A_162] {strides = array<i32>} : memref<128x32xf32, #tpu.memory_space<vmem>>, vector<1x16xf32>,
          %get3A_164 = vector.shape_cast %get3A_163 : vector<1x16xf32> to vector<16xf32>
          %mul3A_165 = arith.mulf %get3A_164, %broadcast_in_dim3A_148 : vector<16xf32>
          %swap3A_166 = arith.index_cast %add3A_150 : i32 to index
          %swap3A_167 = arith.constant 16 : index
          %swap3A_168 = tpu.vector_load %arg16[%swap3A_166, %swap3A_167] {strides = array<i32>} : memref<128x32xf32, #tpu.memory_space<vmem>>, vector<1x16xf32>,
          %swap3A_169 = vector.shape_cast %swap3A_168 : vector<1x16xf32> to vector<16xf32>
          %swap3A_170 = vector.shape_cast %mul3A_165 : vector<16xf32> to vector<1x16xf32>
          tpu.vector_store %arg16[%swap3A_166, %swap3A_167], %swap3A_170 {strides = array<i32>} : memref<128x32xf32, #tpu.memory_space<vmem>>, vector<1x16xf32>,
          %slice3A_171 = vector.extract_strided_slice %get3A_71 {offsets = [4], sizes = [1], strides = [1]} : vector<16xf32> to vector<1xf32>
          %broadcast_in_dim3A_172 = vector.shape_cast %slice3A_171 : vector<1xf32> to vector<1xf32>
          %broadcast_in_dim3A_173 = vector.broadcast %broadcast_in_dim3A_172 : vector<1xf32> to vector<16xf32>
          %add3A_174 = arith.constant 4 : i32
          %add3A_175 = arith.addi %mul3A_73, %add3A_174 : i32
          %get3A_176 = arith.index_cast %add3A_175 : i32 to index
          %get3A_177 = arith.constant 0 : index
          %get3A_178 = tpu.vector_load %arg16[%get3A_176, %get3A_177] {strides = array<i32>} : memref<128x32xf32, #tpu.memory_space<vmem>>, vector<1x16xf32>,
          %get3A_179 = vector.shape_cast %get3A_178 : vector<1x16xf32> to vector<16xf32>
          %mul3A_180 = arith.mulf %get3A_179, %broadcast_in_dim3A_173 : vector<16xf32>
          %swap3A_181 = arith.index_cast %add3A_175 : i32 to index
          %swap3A_182 = arith.constant 0 : index
          %swap3A_183 = tpu.vector_load %arg16[%swap3A_181, %swap3A_182] {strides = array<i32>} : memref<128x32xf32, #tpu.memory_space<vmem>>, vector<1x16xf32>,
          %swap3A_184 = vector.shape_cast %swap3A_183 : vector<1x16xf32> to vector<16xf32>
          %swap3A_185 = vector.shape_cast %mul3A_180 : vector<16xf32> to vector<1x16xf32>
          tpu.vector_store %arg16[%swap3A_181, %swap3A_182], %swap3A_185 {strides = array<i32>} : memref<128x32xf32, #tpu.memory_space<vmem>>, vector<1x16xf32>,
          %get3A_186 = arith.index_cast %add3A_175 : i32 to index
          %get3A_187 = arith.constant 16 : index
          %get3A_188 = tpu.vector_load %arg16[%get3A_186, %get3A_187] {strides = array<i32>} : memref<128x32xf32, #tpu.memory_space<vmem>>, vector<1x16xf32>,
          %get3A_189 = vector.shape_cast %get3A_188 : vector<1x16xf32> to vector<16xf32>
          %mul3A_190 = arith.mulf %get3A_189, %broadcast_in_dim3A_173 : vector<16xf32>
          %swap3A_191 = arith.index_cast %add3A_175 : i32 to index
          %swap3A_192 = arith.constant 16 : index
          %swap3A_193 = tpu.vector_load %arg16[%swap3A_191, %swap3A_192] {strides = array<i32>} : memref<128x32xf32, #tpu.memory_space<vmem>>, vector<1x16xf32>,
          %swap3A_194 = vector.shape_cast %swap3A_193 : vector<1x16xf32> to vector<16xf32>
          %swap3A_195 = vector.shape_cast %mul3A_190 : vector<16xf32> to vector<1x16xf32>
          tpu.vector_store %arg16[%swap3A_191, %swap3A_192], %swap3A_195 {strides = array<i32>} : memref<128x32xf32, #tpu.memory_space<vmem>>, vector<1x16xf32>,
          %slice3A_196 = vector.extract_strided_slice %get3A_71 {offsets = [5], sizes = [1], strides = [1]} : vector<16xf32> to vector<1xf32>
          %broadcast_in_dim3A_197 = vector.shape_cast %slice3A_196 : vector<1xf32> to vector<1xf32>
          %broadcast_in_dim3A_198 = vector.broadcast %broadcast_in_dim3A_197 : vector<1xf32> to vector<16xf32>
          %add3A_199 = arith.constant 5 : i32
          %add3A_200 = arith.addi %mul3A_73, %add3A_199 : i32
          %get3A_201 = arith.index_cast %add3A_200 : i32 to index
          %get3A_202 = arith.constant 0 : index
          %get3A_203 = tpu.vector_load %arg16[%get3A_201, %get3A_202] {strides = array<i32>} : memref<128x32xf32, #tpu.memory_space<vmem>>, vector<1x16xf32>,
          %get3A_204 = vector.shape_cast %get3A_203 : vector<1x16xf32> to vector<16xf32>
          %mul3A_205 = arith.mulf %get3A_204, %broadcast_in_dim3A_198 : vector<16xf32>
          %swap3A_206 = arith.index_cast %add3A_200 : i32 to index
          %swap3A_207 = arith.constant 0 : index
          %swap3A_208 = tpu.vector_load %arg16[%swap3A_206, %swap3A_207] {strides = array<i32>} : memref<128x32xf32, #tpu.memory_space<vmem>>, vector<1x16xf32>,
          %swap3A_209 = vector.shape_cast %swap3A_208 : vector<1x16xf32> to vector<16xf32>
          %swap3A_210 = vector.shape_cast %mul3A_205 : vector<16xf32> to vector<1x16xf32>
          tpu.vector_store %arg16[%swap3A_206, %swap3A_207], %swap3A_210 {strides = array<i32>} : memref<128x32xf32, #tpu.memory_space<vmem>>, vector<1x16xf32>,
          %get3A_211 = arith.index_cast %add3A_200 : i32 to index
          %get3A_212 = arith.constant 16 : index
          %get3A_213 = tpu.vector_load %arg16[%get3A_211, %get3A_212] {strides = array<i32>} : memref<128x32xf32, #tpu.memory_space<vmem>>, vector<1x16xf32>,
          %get3A_214 = vector.shape_cast %get3A_213 : vector<1x16xf32> to vector<16xf32>
          %mul3A_215 = arith.mulf %get3A_214, %broadcast_in_dim3A_198 : vector<16xf32>
          %swap3A_216 = arith.index_cast %add3A_200 : i32 to index
          %swap3A_217 = arith.constant 16 : index
          %swap3A_218 = tpu.vector_load %arg16[%swap3A_216, %swap3A_217] {strides = array<i32>} : memref<128x32xf32, #tpu.memory_space<vmem>>, vector<1x16xf32>,
          %swap3A_219 = vector.shape_cast %swap3A_218 : vector<1x16xf32> to vector<16xf32>
          %swap3A_220 = vector.shape_cast %mul3A_215 : vector<16xf32> to vector<1x16xf32>
          tpu.vector_store %arg16[%swap3A_216, %swap3A_217], %swap3A_220 {strides = array<i32>} : memref<128x32xf32, #tpu.memory_space<vmem>>, vector<1x16xf32>,
          %slice3A_221 = vector.extract_strided_slice %get3A_71 {offsets = [6], sizes = [1], strides = [1]} : vector<16xf32> to vector<1xf32>
          %broadcast_in_dim3A_222 = vector.shape_cast %slice3A_221 : vector<1xf32> to vector<1xf32>
          %broadcast_in_dim3A_223 = vector.broadcast %broadcast_in_dim3A_222 : vector<1xf32> to vector<16xf32>
          %add3A_224 = arith.constant 6 : i32
          %add3A_225 = arith.addi %mul3A_73, %add3A_224 : i32
          %get3A_226 = arith.index_cast %add3A_225 : i32 to index
          %get3A_227 = arith.constant 0 : index
          %get3A_228 = tpu.vector_load %arg16[%get3A_226, %get3A_227] {strides = array<i32>} : memref<128x32xf32, #tpu.memory_space<vmem>>, vector<1x16xf32>,
          %get3A_229 = vector.shape_cast %get3A_228 : vector<1x16xf32> to vector<16xf32>
          %mul3A_230 = arith.mulf %get3A_229, %broadcast_in_dim3A_223 : vector<16xf32>
          %swap3A_231 = arith.index_cast %add3A_225 : i32 to index
          %swap3A_232 = arith.constant 0 : index
          %swap3A_233 = tpu.vector_load %arg16[%swap3A_231, %swap3A_232] {strides = array<i32>} : memref<128x32xf32, #tpu.memory_space<vmem>>, vector<1x16xf32>,
          %swap3A_234 = vector.shape_cast %swap3A_233 : vector<1x16xf32> to vector<16xf32>
          %swap3A_235 = vector.shape_cast %mul3A_230 : vector<16xf32> to vector<1x16xf32>
          tpu.vector_store %arg16[%swap3A_231, %swap3A_232], %swap3A_235 {strides = array<i32>} : memref<128x32xf32, #tpu.memory_space<vmem>>, vector<1x16xf32>,
          %get3A_236 = arith.index_cast %add3A_225 : i32 to index
          %get3A_237 = arith.constant 16 : index
          %get3A_238 = tpu.vector_load %arg16[%get3A_236, %get3A_237] {strides = array<i32>} : memref<128x32xf32, #tpu.memory_space<vmem>>, vector<1x16xf32>,
          %get3A_239 = vector.shape_cast %get3A_238 : vector<1x16xf32> to vector<16xf32>
          %mul3A_240 = arith.mulf %get3A_239, %broadcast_in_dim3A_223 : vector<16xf32>
          %swap3A_241 = arith.index_cast %add3A_225 : i32 to index
          %swap3A_242 = arith.constant 16 : index
          %swap3A_243 = tpu.vector_load %arg16[%swap3A_241, %swap3A_242] {strides = array<i32>} : memref<128x32xf32, #tpu.memory_space<vmem>>, vector<1x16xf32>,
          %swap3A_244 = vector.shape_cast %swap3A_243 : vector<1x16xf32> to vector<16xf32>
          %swap3A_245 = vector.shape_cast %mul3A_240 : vector<16xf32> to vector<1x16xf32>
          tpu.vector_store %arg16[%swap3A_241, %swap3A_242], %swap3A_245 {strides = array<i32>} : memref<128x32xf32, #tpu.memory_space<vmem>>, vector<1x16xf32>,
          %slice3A_246 = vector.extract_strided_slice %get3A_71 {offsets = [7], sizes = [1], strides = [1]} : vector<16xf32> to vector<1xf32>
          %broadcast_in_dim3A_247 = vector.shape_cast %slice3A_246 : vector<1xf32> to vector<1xf32>
          %broadcast_in_dim3A_248 = vector.broadcast %broadcast_in_dim3A_247 : vector<1xf32> to vector<16xf32>
          %add3A_249 = arith.constant 7 : i32
          %add3A_250 = arith.addi %mul3A_73, %add3A_249 : i32
          %get3A_251 = arith.index_cast %add3A_250 : i32 to index
          %get3A_252 = arith.constant 0 : index
          %get3A_253 = tpu.vector_load %arg16[%get3A_251, %get3A_252] {strides = array<i32>} : memref<128x32xf32, #tpu.memory_space<vmem>>, vector<1x16xf32>,
          %get3A_254 = vector.shape_cast %get3A_253 : vector<1x16xf32> to vector<16xf32>
          %mul3A_255 = arith.mulf %get3A_254, %broadcast_in_dim3A_248 : vector<16xf32>
          %swap3A_256 = arith.index_cast %add3A_250 : i32 to index
          %swap3A_257 = arith.constant 0 : index
          %swap3A_258 = tpu.vector_load %arg16[%swap3A_256, %swap3A_257] {strides = array<i32>} : memref<128x32xf32, #tpu.memory_space<vmem>>, vector<1x16xf32>,
          %swap3A_259 = vector.shape_cast %swap3A_258 : vector<1x16xf32> to vector<16xf32>
          %swap3A_260 = vector.shape_cast %mul3A_255 : vector<16xf32> to vector<1x16xf32>
          tpu.vector_store %arg16[%swap3A_256, %swap3A_257], %swap3A_260 {strides = array<i32>} : memref<128x32xf32, #tpu.memory_space<vmem>>, vector<1x16xf32>,
          %get3A_261 = arith.index_cast %add3A_250 : i32 to index
          %get3A_262 = arith.constant 16 : index
          %get3A_263 = tpu.vector_load %arg16[%get3A_261, %get3A_262] {strides = array<i32>} : memref<128x32xf32, #tpu.memory_space<vmem>>, vector<1x16xf32>,
          %get3A_264 = vector.shape_cast %get3A_263 : vector<1x16xf32> to vector<16xf32>
          %mul3A_265 = arith.mulf %get3A_264, %broadcast_in_dim3A_248 : vector<16xf32>
          %swap3A_266 = arith.index_cast %add3A_250 : i32 to index
          %swap3A_267 = arith.constant 16 : index
          %swap3A_268 = tpu.vector_load %arg16[%swap3A_266, %swap3A_267] {strides = array<i32>} : memref<128x32xf32, #tpu.memory_space<vmem>>, vector<1x16xf32>,
          %swap3A_269 = vector.shape_cast %swap3A_268 : vector<1x16xf32> to vector<16xf32>
          %swap3A_270 = vector.shape_cast %mul3A_265 : vector<16xf32> to vector<1x16xf32>
          tpu.vector_store %arg16[%swap3A_266, %swap3A_267], %swap3A_270 {strides = array<i32>} : memref<128x32xf32, #tpu.memory_space<vmem>>, vector<1x16xf32>,
          %slice3A_271 = vector.extract_strided_slice %get3A_71 {offsets = [8], sizes = [1], strides = [1]} : vector<16xf32> to vector<1xf32>
          %broadcast_in_dim3A_272 = vector.shape_cast %slice3A_271 : vector<1xf32> to vector<1xf32>
          %broadcast_in_dim3A_273 = vector.broadcast %broadcast_in_dim3A_272 : vector<1xf32> to vector<16xf32>
          %add3A_274 = arith.constant 8 : i32
          %add3A_275 = arith.addi %mul3A_73, %add3A_274 : i32
          %get3A_276 = arith.index_cast %add3A_275 : i32 to index
          %get3A_277 = arith.constant 0 : index
          %get3A_278 = tpu.vector_load %arg16[%get3A_276, %get3A_277] {strides = array<i32>} : memref<128x32xf32, #tpu.memory_space<vmem>>, vector<1x16xf32>,
          %get3A_279 = vector.shape_cast %get3A_278 : vector<1x16xf32> to vector<16xf32>
          %mul3A_280 = arith.mulf %get3A_279, %broadcast_in_dim3A_273 : vector<16xf32>
          %swap3A_281 = arith.index_cast %add3A_275 : i32 to index
          %swap3A_282 = arith.constant 0 : index
          %swap3A_283 = tpu.vector_load %arg16[%swap3A_281, %swap3A_282] {strides = array<i32>} : memref<128x32xf32, #tpu.memory_space<vmem>>, vector<1x16xf32>,
          %swap3A_284 = vector.shape_cast %swap3A_283 : vector<1x16xf32> to vector<16xf32>
          %swap3A_285 = vector.shape_cast %mul3A_280 : vector<16xf32> to vector<1x16xf32>
          tpu.vector_store %arg16[%swap3A_281, %swap3A_282], %swap3A_285 {strides = array<i32>} : memref<128x32xf32, #tpu.memory_space<vmem>>, vector<1x16xf32>,
          %get3A_286 = arith.index_cast %add3A_275 : i32 to index
          %get3A_287 = arith.constant 16 : index
          %get3A_288 = tpu.vector_load %arg16[%get3A_286, %get3A_287] {strides = array<i32>} : memref<128x32xf32, #tpu.memory_space<vmem>>, vector<1x16xf32>,
          %get3A_289 = vector.shape_cast %get3A_288 : vector<1x16xf32> to vector<16xf32>
          %mul3A_290 = arith.mulf %get3A_289, %broadcast_in_dim3A_273 : vector<16xf32>
          %swap3A_291 = arith.index_cast %add3A_275 : i32 to index
          %swap3A_292 = arith.constant 16 : index
          %swap3A_293 = tpu.vector_load %arg16[%swap3A_291, %swap3A_292] {strides = array<i32>} : memref<128x32xf32, #tpu.memory_space<vmem>>, vector<1x16xf32>,
          %swap3A_294 = vector.shape_cast %swap3A_293 : vector<1x16xf32> to vector<16xf32>
          %swap3A_295 = vector.shape_cast %mul3A_290 : vector<16xf32> to vector<1x16xf32>
          tpu.vector_store %arg16[%swap3A_291, %swap3A_292], %swap3A_295 {strides = array<i32>} : memref<128x32xf32, #tpu.memory_space<vmem>>, vector<1x16xf32>,
          %slice3A_296 = vector.extract_strided_slice %get3A_71 {offsets = [9], sizes = [1], strides = [1]} : vector<16xf32> to vector<1xf32>
          %broadcast_in_dim3A_297 = vector.shape_cast %slice3A_296 : vector<1xf32> to vector<1xf32>
          %broadcast_in_dim3A_298 = vector.broadcast %broadcast_in_dim3A_297 : vector<1xf32> to vector<16xf32>
          %add3A_299 = arith.constant 9 : i32
          %add3A_300 = arith.addi %mul3A_73, %add3A_299 : i32
          %get3A_301 = arith.index_cast %add3A_300 : i32 to index
          %get3A_302 = arith.constant 0 : index
          %get3A_303 = tpu.vector_load %arg16[%get3A_301, %get3A_302] {strides = array<i32>} : memref<128x32xf32, #tpu.memory_space<vmem>>, vector<1x16xf32>,
          %get3A_304 = vector.shape_cast %get3A_303 : vector<1x16xf32> to vector<16xf32>
          %mul3A_305 = arith.mulf %get3A_304, %broadcast_in_dim3A_298 : vector<16xf32>
          %swap3A_306 = arith.index_cast %add3A_300 : i32 to index
          %swap3A_307 = arith.constant 0 : index
          %swap3A_308 = tpu.vector_load %arg16[%swap3A_306, %swap3A_307] {strides = array<i32>} : memref<128x32xf32, #tpu.memory_space<vmem>>, vector<1x16xf32>,
          %swap3A_309 = vector.shape_cast %swap3A_308 : vector<1x16xf32> to vector<16xf32>
          %swap3A_310 = vector.shape_cast %mul3A_305 : vector<16xf32> to vector<1x16xf32>
          tpu.vector_store %arg16[%swap3A_306, %swap3A_307], %swap3A_310 {strides = array<i32>} : memref<128x32xf32, #tpu.memory_space<vmem>>, vector<1x16xf32>,
          %get3A_311 = arith.index_cast %add3A_300 : i32 to index
          %get3A_312 = arith.constant 16 : index
          %get3A_313 = tpu.vector_load %arg16[%get3A_311, %get3A_312] {strides = array<i32>} : memref<128x32xf32, #tpu.memory_space<vmem>>, vector<1x16xf32>,
          %get3A_314 = vector.shape_cast %get3A_313 : vector<1x16xf32> to vector<16xf32>
          %mul3A_315 = arith.mulf %get3A_314, %broadcast_in_dim3A_298 : vector<16xf32>
          %swap3A_316 = arith.index_cast %add3A_300 : i32 to index
          %swap3A_317 = arith.constant 16 : index
          %swap3A_318 = tpu.vector_load %arg16[%swap3A_316, %swap3A_317] {strides = array<i32>} : memref<128x32xf32, #tpu.memory_space<vmem>>, vector<1x16xf32>,
          %swap3A_319 = vector.shape_cast %swap3A_318 : vector<1x16xf32> to vector<16xf32>
          %swap3A_320 = vector.shape_cast %mul3A_315 : vector<16xf32> to vector<1x16xf32>
          tpu.vector_store %arg16[%swap3A_316, %swap3A_317], %swap3A_320 {strides = array<i32>} : memref<128x32xf32, #tpu.memory_space<vmem>>, vector<1x16xf32>,
          %slice3A_321 = vector.extract_strided_slice %get3A_71 {offsets = [10], sizes = [1], strides = [1]} : vector<16xf32> to vector<1xf32>
          %broadcast_in_dim3A_322 = vector.shape_cast %slice3A_321 : vector<1xf32> to vector<1xf32>
          %broadcast_in_dim3A_323 = vector.broadcast %broadcast_in_dim3A_322 : vector<1xf32> to vector<16xf32>
          %add3A_324 = arith.constant 10 : i32
          %add3A_325 = arith.addi %mul3A_73, %add3A_324 : i32
          %get3A_326 = arith.index_cast %add3A_325 : i32 to index
          %get3A_327 = arith.constant 0 : index
          %get3A_328 = tpu.vector_load %arg16[%get3A_326, %get3A_327] {strides = array<i32>} : memref<128x32xf32, #tpu.memory_space<vmem>>, vector<1x16xf32>,
          %get3A_329 = vector.shape_cast %get3A_328 : vector<1x16xf32> to vector<16xf32>
          %mul3A_330 = arith.mulf %get3A_329, %broadcast_in_dim3A_323 : vector<16xf32>
          %swap3A_331 = arith.index_cast %add3A_325 : i32 to index
          %swap3A_332 = arith.constant 0 : index
          %swap3A_333 = tpu.vector_load %arg16[%swap3A_331, %swap3A_332] {strides = array<i32>} : memref<128x32xf32, #tpu.memory_space<vmem>>, vector<1x16xf32>,
          %swap3A_334 = vector.shape_cast %swap3A_333 : vector<1x16xf32> to vector<16xf32>
          %swap3A_335 = vector.shape_cast %mul3A_330 : vector<16xf32> to vector<1x16xf32>
          tpu.vector_store %arg16[%swap3A_331, %swap3A_332], %swap3A_335 {strides = array<i32>} : memref<128x32xf32, #tpu.memory_space<vmem>>, vector<1x16xf32>,
          %get3A_336 = arith.index_cast %add3A_325 : i32 to index
          %get3A_337 = arith.constant 16 : index
          %get3A_338 = tpu.vector_load %arg16[%get3A_336, %get3A_337] {strides = array<i32>} : memref<128x32xf32, #tpu.memory_space<vmem>>, vector<1x16xf32>,
          %get3A_339 = vector.shape_cast %get3A_338 : vector<1x16xf32> to vector<16xf32>
          %mul3A_340 = arith.mulf %get3A_339, %broadcast_in_dim3A_323 : vector<16xf32>
          %swap3A_341 = arith.index_cast %add3A_325 : i32 to index
          %swap3A_342 = arith.constant 16 : index
          %swap3A_343 = tpu.vector_load %arg16[%swap3A_341, %swap3A_342] {strides = array<i32>} : memref<128x32xf32, #tpu.memory_space<vmem>>, vector<1x16xf32>,
          %swap3A_344 = vector.shape_cast %swap3A_343 : vector<1x16xf32> to vector<16xf32>
          %swap3A_345 = vector.shape_cast %mul3A_340 : vector<16xf32> to vector<1x16xf32>
          tpu.vector_store %arg16[%swap3A_341, %swap3A_342], %swap3A_345 {strides = array<i32>} : memref<128x32xf32, #tpu.memory_space<vmem>>, vector<1x16xf32>,
          %slice3A_346 = vector.extract_strided_slice %get3A_71 {offsets = [11], sizes = [1], strides = [1]} : vector<16xf32> to vector<1xf32>
          %broadcast_in_dim3A_347 = vector.shape_cast %slice3A_346 : vector<1xf32> to vector<1xf32>
          %broadcast_in_dim3A_348 = vector.broadcast %broadcast_in_dim3A_347 : vector<1xf32> to vector<16xf32>
          %add3A_349 = arith.constant 11 : i32
          %add3A_350 = arith.addi %mul3A_73, %add3A_349 : i32
          %get3A_351 = arith.index_cast %add3A_350 : i32 to index
          %get3A_352 = arith.constant 0 : index
          %get3A_353 = tpu.vector_load %arg16[%get3A_351, %get3A_352] {strides = array<i32>} : memref<128x32xf32, #tpu.memory_space<vmem>>, vector<1x16xf32>,
          %get3A_354 = vector.shape_cast %get3A_353 : vector<1x16xf32> to vector<16xf32>
          %mul3A_355 = arith.mulf %get3A_354, %broadcast_in_dim3A_348 : vector<16xf32>
          %swap3A_356 = arith.index_cast %add3A_350 : i32 to index
          %swap3A_357 = arith.constant 0 : index
          %swap3A_358 = tpu.vector_load %arg16[%swap3A_356, %swap3A_357] {strides = array<i32>} : memref<128x32xf32, #tpu.memory_space<vmem>>, vector<1x16xf32>,
          %swap3A_359 = vector.shape_cast %swap3A_358 : vector<1x16xf32> to vector<16xf32>
          %swap3A_360 = vector.shape_cast %mul3A_355 : vector<16xf32> to vector<1x16xf32>
          tpu.vector_store %arg16[%swap3A_356, %swap3A_357], %swap3A_360 {strides = array<i32>} : memref<128x32xf32, #tpu.memory_space<vmem>>, vector<1x16xf32>,
          %get3A_361 = arith.index_cast %add3A_350 : i32 to index
          %get3A_362 = arith.constant 16 : index
          %get3A_363 = tpu.vector_load %arg16[%get3A_361, %get3A_362] {strides = array<i32>} : memref<128x32xf32, #tpu.memory_space<vmem>>, vector<1x16xf32>,
          %get3A_364 = vector.shape_cast %get3A_363 : vector<1x16xf32> to vector<16xf32>
          %mul3A_365 = arith.mulf %get3A_364, %broadcast_in_dim3A_348 : vector<16xf32>
          %swap3A_366 = arith.index_cast %add3A_350 : i32 to index
          %swap3A_367 = arith.constant 16 : index
          %swap3A_368 = tpu.vector_load %arg16[%swap3A_366, %swap3A_367] {strides = array<i32>} : memref<128x32xf32, #tpu.memory_space<vmem>>, vector<1x16xf32>,
          %swap3A_369 = vector.shape_cast %swap3A_368 : vector<1x16xf32> to vector<16xf32>
          %swap3A_370 = vector.shape_cast %mul3A_365 : vector<16xf32> to vector<1x16xf32>
          tpu.vector_store %arg16[%swap3A_366, %swap3A_367], %swap3A_370 {strides = array<i32>} : memref<128x32xf32, #tpu.memory_space<vmem>>, vector<1x16xf32>,
          %slice3A_371 = vector.extract_strided_slice %get3A_71 {offsets = [12], sizes = [1], strides = [1]} : vector<16xf32> to vector<1xf32>
          %broadcast_in_dim3A_372 = vector.shape_cast %slice3A_371 : vector<1xf32> to vector<1xf32>
          %broadcast_in_dim3A_373 = vector.broadcast %broadcast_in_dim3A_372 : vector<1xf32> to vector<16xf32>
          %add3A_374 = arith.constant 12 : i32
          %add3A_375 = arith.addi %mul3A_73, %add3A_374 : i32
          %get3A_376 = arith.index_cast %add3A_375 : i32 to index
          %get3A_377 = arith.constant 0 : index
          %get3A_378 = tpu.vector_load %arg16[%get3A_376, %get3A_377] {strides = array<i32>} : memref<128x32xf32, #tpu.memory_space<vmem>>, vector<1x16xf32>,
          %get3A_379 = vector.shape_cast %get3A_378 : vector<1x16xf32> to vector<16xf32>
          %mul3A_380 = arith.mulf %get3A_379, %broadcast_in_dim3A_373 : vector<16xf32>
          %swap3A_381 = arith.index_cast %add3A_375 : i32 to index
          %swap3A_382 = arith.constant 0 : index
          %swap3A_383 = tpu.vector_load %arg16[%swap3A_381, %swap3A_382] {strides = array<i32>} : memref<128x32xf32, #tpu.memory_space<vmem>>, vector<1x16xf32>,
          %swap3A_384 = vector.shape_cast %swap3A_383 : vector<1x16xf32> to vector<16xf32>
          %swap3A_385 = vector.shape_cast %mul3A_380 : vector<16xf32> to vector<1x16xf32>
          tpu.vector_store %arg16[%swap3A_381, %swap3A_382], %swap3A_385 {strides = array<i32>} : memref<128x32xf32, #tpu.memory_space<vmem>>, vector<1x16xf32>,
          %get3A_386 = arith.index_cast %add3A_375 : i32 to index
          %get3A_387 = arith.constant 16 : index
          %get3A_388 = tpu.vector_load %arg16[%get3A_386, %get3A_387] {strides = array<i32>} : memref<128x32xf32, #tpu.memory_space<vmem>>, vector<1x16xf32>,
          %get3A_389 = vector.shape_cast %get3A_388 : vector<1x16xf32> to vector<16xf32>
          %mul3A_390 = arith.mulf %get3A_389, %broadcast_in_dim3A_373 : vector<16xf32>
          %swap3A_391 = arith.index_cast %add3A_375 : i32 to index
          %swap3A_392 = arith.constant 16 : index
          %swap3A_393 = tpu.vector_load %arg16[%swap3A_391, %swap3A_392] {strides = array<i32>} : memref<128x32xf32, #tpu.memory_space<vmem>>, vector<1x16xf32>,
          %swap3A_394 = vector.shape_cast %swap3A_393 : vector<1x16xf32> to vector<16xf32>
          %swap3A_395 = vector.shape_cast %mul3A_390 : vector<16xf32> to vector<1x16xf32>
          tpu.vector_store %arg16[%swap3A_391, %swap3A_392], %swap3A_395 {strides = array<i32>} : memref<128x32xf32, #tpu.memory_space<vmem>>, vector<1x16xf32>,
          %slice3A_396 = vector.extract_strided_slice %get3A_71 {offsets = [13], sizes = [1], strides = [1]} : vector<16xf32> to vector<1xf32>
          %broadcast_in_dim3A_397 = vector.shape_cast %slice3A_396 : vector<1xf32> to vector<1xf32>
          %broadcast_in_dim3A_398 = vector.broadcast %broadcast_in_dim3A_397 : vector<1xf32> to vector<16xf32>
          %add3A_399 = arith.constant 13 : i32
          %add3A_400 = arith.addi %mul3A_73, %add3A_399 : i32
          %get3A_401 = arith.index_cast %add3A_400 : i32 to index
          %get3A_402 = arith.constant 0 : index
          %get3A_403 = tpu.vector_load %arg16[%get3A_401, %get3A_402] {strides = array<i32>} : memref<128x32xf32, #tpu.memory_space<vmem>>, vector<1x16xf32>,
          %get3A_404 = vector.shape_cast %get3A_403 : vector<1x16xf32> to vector<16xf32>
          %mul3A_405 = arith.mulf %get3A_404, %broadcast_in_dim3A_398 : vector<16xf32>
          %swap3A_406 = arith.index_cast %add3A_400 : i32 to index
          %swap3A_407 = arith.constant 0 : index
          %swap3A_408 = tpu.vector_load %arg16[%swap3A_406, %swap3A_407] {strides = array<i32>} : memref<128x32xf32, #tpu.memory_space<vmem>>, vector<1x16xf32>,
          %swap3A_409 = vector.shape_cast %swap3A_408 : vector<1x16xf32> to vector<16xf32>
          %swap3A_410 = vector.shape_cast %mul3A_405 : vector<16xf32> to vector<1x16xf32>
          tpu.vector_store %arg16[%swap3A_406, %swap3A_407], %swap3A_410 {strides = array<i32>} : memref<128x32xf32, #tpu.memory_space<vmem>>, vector<1x16xf32>,
          %get3A_411 = arith.index_cast %add3A_400 : i32 to index
          %get3A_412 = arith.constant 16 : index
          %get3A_413 = tpu.vector_load %arg16[%get3A_411, %get3A_412] {strides = array<i32>} : memref<128x32xf32, #tpu.memory_space<vmem>>, vector<1x16xf32>,
          %get3A_414 = vector.shape_cast %get3A_413 : vector<1x16xf32> to vector<16xf32>
          %mul3A_415 = arith.mulf %get3A_414, %broadcast_in_dim3A_398 : vector<16xf32>
          %swap3A_416 = arith.index_cast %add3A_400 : i32 to index
          %swap3A_417 = arith.constant 16 : index
          %swap3A_418 = tpu.vector_load %arg16[%swap3A_416, %swap3A_417] {strides = array<i32>} : memref<128x32xf32, #tpu.memory_space<vmem>>, vector<1x16xf32>,
          %swap3A_419 = vector.shape_cast %swap3A_418 : vector<1x16xf32> to vector<16xf32>
          %swap3A_420 = vector.shape_cast %mul3A_415 : vector<16xf32> to vector<1x16xf32>
          tpu.vector_store %arg16[%swap3A_416, %swap3A_417], %swap3A_420 {strides = array<i32>} : memref<128x32xf32, #tpu.memory_space<vmem>>, vector<1x16xf32>,
          %slice3A_421 = vector.extract_strided_slice %get3A_71 {offsets = [14], sizes = [1], strides = [1]} : vector<16xf32> to vector<1xf32>
          %broadcast_in_dim3A_422 = vector.shape_cast %slice3A_421 : vector<1xf32> to vector<1xf32>
          %broadcast_in_dim3A_423 = vector.broadcast %broadcast_in_dim3A_422 : vector<1xf32> to vector<16xf32>
          %add3A_424 = arith.constant 14 : i32
          %add3A_425 = arith.addi %mul3A_73, %add3A_424 : i32
          %get3A_426 = arith.index_cast %add3A_425 : i32 to index
          %get3A_427 = arith.constant 0 : index
          %get3A_428 = tpu.vector_load %arg16[%get3A_426, %get3A_427] {strides = array<i32>} : memref<128x32xf32, #tpu.memory_space<vmem>>, vector<1x16xf32>,
          %get3A_429 = vector.shape_cast %get3A_428 : vector<1x16xf32> to vector<16xf32>
          %mul3A_430 = arith.mulf %get3A_429, %broadcast_in_dim3A_423 : vector<16xf32>
          %swap3A_431 = arith.index_cast %add3A_425 : i32 to index
          %swap3A_432 = arith.constant 0 : index
          %swap3A_433 = tpu.vector_load %arg16[%swap3A_431, %swap3A_432] {strides = array<i32>} : memref<128x32xf32, #tpu.memory_space<vmem>>, vector<1x16xf32>,
          %swap3A_434 = vector.shape_cast %swap3A_433 : vector<1x16xf32> to vector<16xf32>
          %swap3A_435 = vector.shape_cast %mul3A_430 : vector<16xf32> to vector<1x16xf32>
          tpu.vector_store %arg16[%swap3A_431, %swap3A_432], %swap3A_435 {strides = array<i32>} : memref<128x32xf32, #tpu.memory_space<vmem>>, vector<1x16xf32>,
          %get3A_436 = arith.index_cast %add3A_425 : i32 to index
          %get3A_437 = arith.constant 16 : index
          %get3A_438 = tpu.vector_load %arg16[%get3A_436, %get3A_437] {strides = array<i32>} : memref<128x32xf32, #tpu.memory_space<vmem>>, vector<1x16xf32>,
          %get3A_439 = vector.shape_cast %get3A_438 : vector<1x16xf32> to vector<16xf32>
          %mul3A_440 = arith.mulf %get3A_439, %broadcast_in_dim3A_423 : vector<16xf32>
          %swap3A_441 = arith.index_cast %add3A_425 : i32 to index
          %swap3A_442 = arith.constant 16 : index
          %swap3A_443 = tpu.vector_load %arg16[%swap3A_441, %swap3A_442] {strides = array<i32>} : memref<128x32xf32, #tpu.memory_space<vmem>>, vector<1x16xf32>,
          %swap3A_444 = vector.shape_cast %swap3A_443 : vector<1x16xf32> to vector<16xf32>
          %swap3A_445 = vector.shape_cast %mul3A_440 : vector<16xf32> to vector<1x16xf32>
          tpu.vector_store %arg16[%swap3A_441, %swap3A_442], %swap3A_445 {strides = array<i32>} : memref<128x32xf32, #tpu.memory_space<vmem>>, vector<1x16xf32>,
          %slice3A_446 = vector.extract_strided_slice %get3A_71 {offsets = [15], sizes = [1], strides = [1]} : vector<16xf32> to vector<1xf32>
          %broadcast_in_dim3A_447 = vector.shape_cast %slice3A_446 : vector<1xf32> to vector<1xf32>
          %broadcast_in_dim3A_448 = vector.broadcast %broadcast_in_dim3A_447 : vector<1xf32> to vector<16xf32>
          %add3A_449 = arith.constant 15 : i32
          %add3A_450 = arith.addi %mul3A_73, %add3A_449 : i32
          %get3A_451 = arith.index_cast %add3A_450 : i32 to index
          %get3A_452 = arith.constant 0 : index
          %get3A_453 = tpu.vector_load %arg16[%get3A_451, %get3A_452] {strides = array<i32>} : memref<128x32xf32, #tpu.memory_space<vmem>>, vector<1x16xf32>,
          %get3A_454 = vector.shape_cast %get3A_453 : vector<1x16xf32> to vector<16xf32>
          %mul3A_455 = arith.mulf %get3A_454, %broadcast_in_dim3A_448 : vector<16xf32>
          %swap3A_456 = arith.index_cast %add3A_450 : i32 to index
          %swap3A_457 = arith.constant 0 : index
          %swap3A_458 = tpu.vector_load %arg16[%swap3A_456, %swap3A_457] {strides = array<i32>} : memref<128x32xf32, #tpu.memory_space<vmem>>, vector<1x16xf32>,
          %swap3A_459 = vector.shape_cast %swap3A_458 : vector<1x16xf32> to vector<16xf32>
          %swap3A_460 = vector.shape_cast %mul3A_455 : vector<16xf32> to vector<1x16xf32>
          tpu.vector_store %arg16[%swap3A_456, %swap3A_457], %swap3A_460 {strides = array<i32>} : memref<128x32xf32, #tpu.memory_space<vmem>>, vector<1x16xf32>,
          %get3A_461 = arith.index_cast %add3A_450 : i32 to index
          %get3A_462 = arith.constant 16 : index
          %get3A_463 = tpu.vector_load %arg16[%get3A_461, %get3A_462] {strides = array<i32>} : memref<128x32xf32, #tpu.memory_space<vmem>>, vector<1x16xf32>,
          %get3A_464 = vector.shape_cast %get3A_463 : vector<1x16xf32> to vector<16xf32>
          %mul3A_465 = arith.mulf %get3A_464, %broadcast_in_dim3A_448 : vector<16xf32>
          %swap3A_466 = arith.index_cast %add3A_450 : i32 to index
          %swap3A_467 = arith.constant 16 : index
          %swap3A_468 = tpu.vector_load %arg16[%swap3A_466, %swap3A_467] {strides = array<i32>} : memref<128x32xf32, #tpu.memory_space<vmem>>, vector<1x16xf32>,
          %swap3A_469 = vector.shape_cast %swap3A_468 : vector<1x16xf32> to vector<16xf32>
          %swap3A_470 = vector.shape_cast %mul3A_465 : vector<16xf32> to vector<1x16xf32>
          tpu.vector_store %arg16[%swap3A_466, %swap3A_467], %swap3A_470 {strides = array<i32>} : memref<128x32xf32, #tpu.memory_space<vmem>>, vector<1x16xf32>,
        }
        %scan3A_66 = arith.constant 8 : i32
        "tpu.region"() ({
          %run_scoped3A = tpu.sem_alloc : memref<!tpu.dma_semaphore, #tpu.memory_space<semaphore_mem>>
          %dma_start3A_67 = arith.constant 0 : i32
          %dma_start3A_68 = arith.constant 0 : i32
          %dma_start3A_69 = tpu.memref_slice %arg12[%dma_start3A_67, %dma_start3A_68] : memref<50000x32xf32, #tpu.memory_space<vmem_shared>> -> memref<50000x32xf32, #tpu.memory_space<vmem_shared>>
          tpu.enqueue_indirect_dma source(%arg16 : memref<128x32xf32, #tpu.memory_space<vmem>>) target(%dma_start3A_69 : memref<50000x32xf32, #tpu.memory_space<vmem_shared>>) offsets(%arg13 : memref<128xi32, #tpu.memory_space<vmem>>) semaphore(%run_scoped3A : memref<!tpu.dma_semaphore, #tpu.memory_space<semaphore_mem>>) {add = true}
          %dma_wait3A_70 = arith.constant 0 : i32
          %dma_wait3A_71 = arith.constant 0 : i32
          %dma_wait3A_72 = tpu.memref_slice %arg12[%dma_wait3A_70, %dma_wait3A_71] : memref<50000x32xf32, #tpu.memory_space<vmem_shared>> -> memref<50000x32xf32, #tpu.memory_space<vmem_shared>>
          tpu.wait_indirect_dma semaphore(%run_scoped3A : memref<!tpu.dma_semaphore, #tpu.memory_space<semaphore_mem>>) src(%arg16 : memref<128x32xf32, #tpu.memory_space<vmem>>) dst(%dma_wait3A_72 : memref<50000x32xf32, #tpu.memory_space<vmem_shared>>)
          tpu.yield
        }) : () -> ()
      }
      %scan3A_23 = arith.constant 391 : i32
      %barrier3A_24 = arith.constant 0 : index
      tpu.barrier barrier_id(%barrier3A_24)
      %scan3A_25 = arith.constant 0 : i32
      %scan3A_26 = arith.constant 0 : i32
      %scan3A_27 = arith.constant 8 : i32
      %scan3A_28 = arith.addi %scan3A_26, %scan3A_27 : i32
      %scan3A_29 = arith.constant 1 : i32
      scf.for %scan3A_53 = %scan3A_26 to %scan3A_28 step %scan3A_29  : i32 {
        %mul3A = arith.constant 16 : i32
        %mul3A_54 = arith.muli %scan3A_53, %mul3A : i32
        %add3A = arith.addi %arg1, %mul3A_54 : i32
        %lt3A = arith.constant 125 : i32
        %lt3A_55 = arith.cmpi slt, %add3A, %lt3A : i32
        %convert_element_type3A_56 = arith.extui %lt3A_55 : i1 to i32
        %cond3A_57 = arith.constant 0 : i32
        %cond3A_58 = arith.cmpi ne, %convert_element_type3A_56, %cond3A_57 : i32
        scf.if %cond3A_58 {
          %mul3A_59 = arith.constant 400 : i32
          %mul3A_60 = arith.muli %add3A, %mul3A_59 : i32
          "tpu.region"() ({
            %run_scoped3A = tpu.sem_alloc : memref<!tpu.dma_semaphore, #tpu.memory_space<semaphore_mem>>
            %dma_start3A = arith.constant 0 : i32
            %dma_start3A_61 = tpu.memref_slice %arg10[%arg0, %mul3A_60, %dma_start3A] : memref<2x50000x32xf32, #tpu.memory_space<hbm>> -> memref<1x400x32xf32, #tpu.memory_space<hbm>>
            %dma_start3A_62 = tpu.memref_squeeze %dma_start3A_61 : memref<1x400x32xf32, #tpu.memory_space<hbm>> -> memref<400x32xf32, #tpu.memory_space<hbm>>
            %dma_start3A_63 = arith.constant 0 : i32
            %dma_start3A_64 = tpu.memref_slice %arg12[%mul3A_60, %dma_start3A_63] : memref<50000x32xf32, #tpu.memory_space<vmem_shared>> -> memref<400x32xf32, #tpu.memory_space<vmem_shared>>
            tpu.enqueue_dma source(%dma_start3A_64 : memref<400x32xf32, #tpu.memory_space<vmem_shared>>) target(%dma_start3A_62 : memref<400x32xf32, #tpu.memory_space<hbm>>) target_semaphore(%run_scoped3A : memref<!tpu.dma_semaphore, #tpu.memory_space<semaphore_mem>>)
            %dma_wait3A = arith.constant 0 : i32
            %dma_wait3A_65 = tpu.memref_slice %arg10[%arg0, %mul3A_60, %dma_wait3A] : memref<2x50000x32xf32, #tpu.memory_space<hbm>> -> memref<1x400x32xf32, #tpu.memory_space<hbm>>
            %dma_wait3A_66 = tpu.memref_squeeze %dma_wait3A_65 : memref<1x400x32xf32, #tpu.memory_space<hbm>> -> memref<400x32xf32, #tpu.memory_space<hbm>>
            %dma_wait3A_67 = arith.constant 0 : i32
            %dma_wait3A_68 = tpu.memref_slice %arg12[%mul3A_60, %dma_wait3A_67] : memref<50000x32xf32, #tpu.memory_space<vmem_shared>> -> memref<400x32xf32, #tpu.memory_space<vmem_shared>>
            tpu.wait_dma2 semaphore(%run_scoped3A : memref<!tpu.dma_semaphore, #tpu.memory_space<semaphore_mem>>) src(%dma_wait3A_68 : memref<400x32xf32, #tpu.memory_space<vmem_shared>>) dst(%dma_wait3A_66 : memref<400x32xf32, #tpu.memory_space<hbm>>)
            tpu.yield
          }) : () -> ()
        } else {
        }
      }
      %scan3A_30 = arith.constant 8 : i32
      %barrier3A_31 = arith.constant 0 : index
      tpu.barrier barrier_id(%barrier3A_31)
      %scan3A_32 = arith.constant 0 : i32
      %scan3A_33 = arith.constant 0 : i32
      %scan3A_34 = arith.constant 8 : i32
      %scan3A_35 = arith.addi %scan3A_33, %scan3A_34 : i32
      %scan3A_36 = arith.constant 1 : i32
      scf.for %scan3A_53 = %scan3A_33 to %scan3A_35 step %scan3A_36  : i32 {
        %mul3A = arith.constant 16 : i32
        %mul3A_54 = arith.muli %scan3A_53, %mul3A : i32
        %add3A = arith.addi %arg1, %mul3A_54 : i32
        %lt3A = arith.constant 125 : i32
        %lt3A_55 = arith.cmpi slt, %add3A, %lt3A : i32
        %convert_element_type3A_56 = arith.extui %lt3A_55 : i1 to i32
        %cond3A_57 = arith.constant 0 : i32
        %cond3A_58 = arith.cmpi ne, %convert_element_type3A_56, %cond3A_57 : i32
        scf.if %cond3A_58 {
          %mul3A_59 = arith.constant 400 : i32
          %mul3A_60 = arith.muli %add3A, %mul3A_59 : i32
          "tpu.region"() ({
            %run_scoped3A = tpu.sem_alloc : memref<!tpu.dma_semaphore, #tpu.memory_space<semaphore_mem>>
            %dma_start3A = arith.constant 0 : i32
            %dma_start3A_61 = tpu.memref_slice %arg12[%mul3A_60, %dma_start3A] : memref<50000x32xf32, #tpu.memory_space<vmem_shared>> -> memref<400x32xf32, #tpu.memory_space<vmem_shared>>
            %dma_start3A_62 = arith.constant 0 : i32
            %dma_start3A_63 = tpu.memref_slice %arg12[%mul3A_60, %dma_start3A_62] : memref<50000x32xf32, #tpu.memory_space<vmem_shared>> -> memref<400x32xf32, #tpu.memory_space<vmem_shared>>
            tpu.enqueue_dma source(%arg17 : memref<400x32xf32, #tpu.memory_space<vmem>>) target(%dma_start3A_63 : memref<400x32xf32, #tpu.memory_space<vmem_shared>>) target_semaphore(%run_scoped3A : memref<!tpu.dma_semaphore, #tpu.memory_space<semaphore_mem>>)
            %dma_wait3A = arith.constant 0 : i32
            %dma_wait3A_64 = tpu.memref_slice %arg12[%mul3A_60, %dma_wait3A] : memref<50000x32xf32, #tpu.memory_space<vmem_shared>> -> memref<400x32xf32, #tpu.memory_space<vmem_shared>>
            %dma_wait3A_65 = arith.constant 0 : i32
            %dma_wait3A_66 = tpu.memref_slice %arg12[%mul3A_60, %dma_wait3A_65] : memref<50000x32xf32, #tpu.memory_space<vmem_shared>> -> memref<400x32xf32, #tpu.memory_space<vmem_shared>>
            tpu.wait_dma2 semaphore(%run_scoped3A : memref<!tpu.dma_semaphore, #tpu.memory_space<semaphore_mem>>) src(%arg17 : memref<400x32xf32, #tpu.memory_space<vmem>>) dst(%dma_wait3A_66 : memref<400x32xf32, #tpu.memory_space<vmem_shared>>)
            tpu.yield
          }) : () -> ()
        } else {
        }
      }
      %scan3A_37 = arith.constant 8 : i32
      %barrier3A_38 = arith.constant 0 : index
      tpu.barrier barrier_id(%barrier3A_38)
      %scan3A_39 = arith.constant 0 : i32
      %scan3A_40 = arith.constant 0 : i32
      %scan3A_41 = arith.constant 391 : i32
      %scan3A_42 = arith.addi %scan3A_40, %scan3A_41 : i32
      %scan3A_43 = arith.constant 1 : i32
      scf.for %scan3A_53 = %scan3A_40 to %scan3A_42 step %scan3A_43  : i32 {
        %mul3A = arith.constant 50048 : i32
        %mul3A_54 = arith.muli %arg1, %mul3A : i32
        %mul3A_55 = arith.constant 128 : i32
        %mul3A_56 = arith.muli %scan3A_53, %mul3A_55 : i32
        %add3A = arith.addi %mul3A_54, %mul3A_56 : i32
        "tpu.region"() ({
          %run_scoped3A = tpu.sem_alloc : memref<!tpu.dma_semaphore, #tpu.memory_space<semaphore_mem>>
          %dma_start3A_67 = tpu.memref_slice %arg8[%add3A] : memref<800768xi32, #tpu.memory_space<hbm>> -> memref<128xi32, #tpu.memory_space<hbm>>
          %dma_start3A_68 = tpu.memref_slice %arg8[%add3A] : memref<800768xi32, #tpu.memory_space<hbm>> -> memref<128xi32, #tpu.memory_space<hbm>>
          tpu.enqueue_dma source(%dma_start3A_68 : memref<128xi32, #tpu.memory_space<hbm>>) target(%arg14 : memref<128xi32, #tpu.memory_space<vmem>>) target_semaphore(%run_scoped3A : memref<!tpu.dma_semaphore, #tpu.memory_space<semaphore_mem>>)
          %dma_wait3A_69 = tpu.memref_slice %arg8[%add3A] : memref<800768xi32, #tpu.memory_space<hbm>> -> memref<128xi32, #tpu.memory_space<hbm>>
          %dma_wait3A_70 = tpu.memref_slice %arg8[%add3A] : memref<800768xi32, #tpu.memory_space<hbm>> -> memref<128xi32, #tpu.memory_space<hbm>>
          tpu.wait_dma2 semaphore(%run_scoped3A : memref<!tpu.dma_semaphore, #tpu.memory_space<semaphore_mem>>) src(%dma_wait3A_70 : memref<128xi32, #tpu.memory_space<hbm>>) dst(%arg14 : memref<128xi32, #tpu.memory_space<vmem>>)
          tpu.yield
        }) : () -> ()
        "tpu.region"() ({
          %run_scoped3A = tpu.sem_alloc : memref<!tpu.dma_semaphore, #tpu.memory_space<semaphore_mem>>
          %dma_start3A_67 = tpu.memref_slice %arg7[%add3A] : memref<800768xi32, #tpu.memory_space<hbm>> -> memref<128xi32, #tpu.memory_space<hbm>>
          %dma_start3A_68 = tpu.memref_slice %arg7[%add3A] : memref<800768xi32, #tpu.memory_space<hbm>> -> memref<128xi32, #tpu.memory_space<hbm>>
          tpu.enqueue_dma source(%dma_start3A_68 : memref<128xi32, #tpu.memory_space<hbm>>) target(%arg13 : memref<128xi32, #tpu.memory_space<vmem>>) target_semaphore(%run_scoped3A : memref<!tpu.dma_semaphore, #tpu.memory_space<semaphore_mem>>)
          %dma_wait3A_69 = tpu.memref_slice %arg7[%add3A] : memref<800768xi32, #tpu.memory_space<hbm>> -> memref<128xi32, #tpu.memory_space<hbm>>
          %dma_wait3A_70 = tpu.memref_slice %arg7[%add3A] : memref<800768xi32, #tpu.memory_space<hbm>> -> memref<128xi32, #tpu.memory_space<hbm>>
          tpu.wait_dma2 semaphore(%run_scoped3A : memref<!tpu.dma_semaphore, #tpu.memory_space<semaphore_mem>>) src(%dma_wait3A_70 : memref<128xi32, #tpu.memory_space<hbm>>) dst(%arg13 : memref<128xi32, #tpu.memory_space<vmem>>)
          tpu.yield
        }) : () -> ()
        "tpu.region"() ({
          %run_scoped3A = tpu.sem_alloc : memref<!tpu.dma_semaphore, #tpu.memory_space<semaphore_mem>>
          %dma_start3A_67 = tpu.memref_slice %arg9[%add3A] : memref<800768xf32, #tpu.memory_space<hbm>> -> memref<128xf32, #tpu.memory_space<hbm>>
          %dma_start3A_68 = tpu.memref_slice %arg9[%add3A] : memref<800768xf32, #tpu.memory_space<hbm>> -> memref<128xf32, #tpu.memory_space<hbm>>
          tpu.enqueue_dma source(%dma_start3A_68 : memref<128xf32, #tpu.memory_space<hbm>>) target(%arg15 : memref<128xf32, #tpu.memory_space<vmem>>) target_semaphore(%run_scoped3A : memref<!tpu.dma_semaphore, #tpu.memory_space<semaphore_mem>>)
          %dma_wait3A_69 = tpu.memref_slice %arg9[%add3A] : memref<800768xf32, #tpu.memory_space<hbm>> -> memref<128xf32, #tpu.memory_space<hbm>>
          %dma_wait3A_70 = tpu.memref_slice %arg9[%add3A] : memref<800768xf32, #tpu.memory_space<hbm>> -> memref<128xf32, #tpu.memory_space<hbm>>
          tpu.wait_dma2 semaphore(%run_scoped3A : memref<!tpu.dma_semaphore, #tpu.memory_space<semaphore_mem>>) src(%dma_wait3A_70 : memref<128xf32, #tpu.memory_space<hbm>>) dst(%arg15 : memref<128xf32, #tpu.memory_space<vmem>>)
          tpu.yield
        }) : () -> ()
        %dma_start3A = arith.constant 0 : i32
        %dma_start3A_57 = arith.constant 0 : i32
        %dma_start3A_58 = tpu.memref_slice %arg2[%dma_start3A, %dma_start3A_57] : memref<50000x32xf32, #tpu.memory_space<hbm>> -> memref<50000x32xf32, #tpu.memory_space<hbm>>
        tpu.enqueue_indirect_dma source(%dma_start3A_58 : memref<50000x32xf32, #tpu.memory_space<hbm>>) target(%arg16 : memref<128x32xf32, #tpu.memory_space<vmem>>) offsets(%arg14 : memref<128xi32, #tpu.memory_space<vmem>>) semaphore(%arg18 : memref<!tpu.dma_semaphore, #tpu.memory_space<semaphore_mem>>)
        %dma_wait3A = arith.constant 0 : i32
        %dma_wait3A_59 = arith.constant 0 : i32
        %dma_wait3A_60 = tpu.memref_slice %arg2[%dma_wait3A, %dma_wait3A_59] : memref<50000x32xf32, #tpu.memory_space<hbm>> -> memref<50000x32xf32, #tpu.memory_space<hbm>>
        tpu.wait_indirect_dma semaphore(%arg18 : memref<!tpu.dma_semaphore, #tpu.memory_space<semaphore_mem>>) src(%dma_wait3A_60 : memref<50000x32xf32, #tpu.memory_space<hbm>>) dst(%arg16 : memref<128x32xf32, #tpu.memory_space<vmem>>)
        %scan3A_61 = arith.constant 0 : i32
        %scan3A_62 = arith.constant 0 : i32
        %scan3A_63 = arith.constant 8 : i32
        %scan3A_64 = arith.addi %scan3A_62, %scan3A_63 : i32
        %scan3A_65 = arith.constant 1 : i32
        scf.for %scan3A_67 = %scan3A_62 to %scan3A_64 step %scan3A_65  : i32 {
          %mul3A_68 = arith.constant 16 : i32
          %mul3A_69 = arith.muli %scan3A_67, %mul3A_68 : i32
          %get3A = arith.index_cast %mul3A_69 : i32 to index
          %get3A_70 = tpu.vector_load %arg15[%get3A] {strides = array<i32>} : memref<128xf32, #tpu.memory_space<vmem>>, vector<16xf32>,
          %get3A_71 = vector.shape_cast %get3A_70 : vector<16xf32> to vector<16xf32>
          %mul3A_72 = arith.constant 16 : i32
          %mul3A_73 = arith.muli %scan3A_67, %mul3A_72 : i32
          %slice3A = vector.extract_strided_slice %get3A_71 {offsets = [0], sizes = [1], strides = [1]} : vector<16xf32> to vector<1xf32>
          %broadcast_in_dim3A = vector.shape_cast %slice3A : vector<1xf32> to vector<1xf32>
          %broadcast_in_dim3A_74 = vector.broadcast %broadcast_in_dim3A : vector<1xf32> to vector<16xf32>
          %add3A_75 = arith.constant 0 : i32
          %add3A_76 = arith.addi %mul3A_73, %add3A_75 : i32
          %get3A_77 = arith.index_cast %add3A_76 : i32 to index
          %get3A_78 = arith.constant 0 : index
          %get3A_79 = tpu.vector_load %arg16[%get3A_77, %get3A_78] {strides = array<i32>} : memref<128x32xf32, #tpu.memory_space<vmem>>, vector<1x16xf32>,
          %get3A_80 = vector.shape_cast %get3A_79 : vector<1x16xf32> to vector<16xf32>
          %mul3A_81 = arith.mulf %get3A_80, %broadcast_in_dim3A_74 : vector<16xf32>
          %swap3A = arith.index_cast %add3A_76 : i32 to index
          %swap3A_82 = arith.constant 0 : index
          %swap3A_83 = tpu.vector_load %arg16[%swap3A, %swap3A_82] {strides = array<i32>} : memref<128x32xf32, #tpu.memory_space<vmem>>, vector<1x16xf32>,
          %swap3A_84 = vector.shape_cast %swap3A_83 : vector<1x16xf32> to vector<16xf32>
          %swap3A_85 = vector.shape_cast %mul3A_81 : vector<16xf32> to vector<1x16xf32>
          tpu.vector_store %arg16[%swap3A, %swap3A_82], %swap3A_85 {strides = array<i32>} : memref<128x32xf32, #tpu.memory_space<vmem>>, vector<1x16xf32>,
          %get3A_86 = arith.index_cast %add3A_76 : i32 to index
          %get3A_87 = arith.constant 16 : index
          %get3A_88 = tpu.vector_load %arg16[%get3A_86, %get3A_87] {strides = array<i32>} : memref<128x32xf32, #tpu.memory_space<vmem>>, vector<1x16xf32>,
          %get3A_89 = vector.shape_cast %get3A_88 : vector<1x16xf32> to vector<16xf32>
          %mul3A_90 = arith.mulf %get3A_89, %broadcast_in_dim3A_74 : vector<16xf32>
          %swap3A_91 = arith.index_cast %add3A_76 : i32 to index
          %swap3A_92 = arith.constant 16 : index
          %swap3A_93 = tpu.vector_load %arg16[%swap3A_91, %swap3A_92] {strides = array<i32>} : memref<128x32xf32, #tpu.memory_space<vmem>>, vector<1x16xf32>,
          %swap3A_94 = vector.shape_cast %swap3A_93 : vector<1x16xf32> to vector<16xf32>
          %swap3A_95 = vector.shape_cast %mul3A_90 : vector<16xf32> to vector<1x16xf32>
          tpu.vector_store %arg16[%swap3A_91, %swap3A_92], %swap3A_95 {strides = array<i32>} : memref<128x32xf32, #tpu.memory_space<vmem>>, vector<1x16xf32>,
          %slice3A_96 = vector.extract_strided_slice %get3A_71 {offsets = [1], sizes = [1], strides = [1]} : vector<16xf32> to vector<1xf32>
          %broadcast_in_dim3A_97 = vector.shape_cast %slice3A_96 : vector<1xf32> to vector<1xf32>
          %broadcast_in_dim3A_98 = vector.broadcast %broadcast_in_dim3A_97 : vector<1xf32> to vector<16xf32>
          %add3A_99 = arith.constant 1 : i32
          %add3A_100 = arith.addi %mul3A_73, %add3A_99 : i32
          %get3A_101 = arith.index_cast %add3A_100 : i32 to index
          %get3A_102 = arith.constant 0 : index
          %get3A_103 = tpu.vector_load %arg16[%get3A_101, %get3A_102] {strides = array<i32>} : memref<128x32xf32, #tpu.memory_space<vmem>>, vector<1x16xf32>,
          %get3A_104 = vector.shape_cast %get3A_103 : vector<1x16xf32> to vector<16xf32>
          %mul3A_105 = arith.mulf %get3A_104, %broadcast_in_dim3A_98 : vector<16xf32>
          %swap3A_106 = arith.index_cast %add3A_100 : i32 to index
          %swap3A_107 = arith.constant 0 : index
          %swap3A_108 = tpu.vector_load %arg16[%swap3A_106, %swap3A_107] {strides = array<i32>} : memref<128x32xf32, #tpu.memory_space<vmem>>, vector<1x16xf32>,
          %swap3A_109 = vector.shape_cast %swap3A_108 : vector<1x16xf32> to vector<16xf32>
          %swap3A_110 = vector.shape_cast %mul3A_105 : vector<16xf32> to vector<1x16xf32>
          tpu.vector_store %arg16[%swap3A_106, %swap3A_107], %swap3A_110 {strides = array<i32>} : memref<128x32xf32, #tpu.memory_space<vmem>>, vector<1x16xf32>,
          %get3A_111 = arith.index_cast %add3A_100 : i32 to index
          %get3A_112 = arith.constant 16 : index
          %get3A_113 = tpu.vector_load %arg16[%get3A_111, %get3A_112] {strides = array<i32>} : memref<128x32xf32, #tpu.memory_space<vmem>>, vector<1x16xf32>,
          %get3A_114 = vector.shape_cast %get3A_113 : vector<1x16xf32> to vector<16xf32>
          %mul3A_115 = arith.mulf %get3A_114, %broadcast_in_dim3A_98 : vector<16xf32>
          %swap3A_116 = arith.index_cast %add3A_100 : i32 to index
          %swap3A_117 = arith.constant 16 : index
          %swap3A_118 = tpu.vector_load %arg16[%swap3A_116, %swap3A_117] {strides = array<i32>} : memref<128x32xf32, #tpu.memory_space<vmem>>, vector<1x16xf32>,
          %swap3A_119 = vector.shape_cast %swap3A_118 : vector<1x16xf32> to vector<16xf32>
          %swap3A_120 = vector.shape_cast %mul3A_115 : vector<16xf32> to vector<1x16xf32>
          tpu.vector_store %arg16[%swap3A_116, %swap3A_117], %swap3A_120 {strides = array<i32>} : memref<128x32xf32, #tpu.memory_space<vmem>>, vector<1x16xf32>,
          %slice3A_121 = vector.extract_strided_slice %get3A_71 {offsets = [2], sizes = [1], strides = [1]} : vector<16xf32> to vector<1xf32>
          %broadcast_in_dim3A_122 = vector.shape_cast %slice3A_121 : vector<1xf32> to vector<1xf32>
          %broadcast_in_dim3A_123 = vector.broadcast %broadcast_in_dim3A_122 : vector<1xf32> to vector<16xf32>
          %add3A_124 = arith.constant 2 : i32
          %add3A_125 = arith.addi %mul3A_73, %add3A_124 : i32
          %get3A_126 = arith.index_cast %add3A_125 : i32 to index
          %get3A_127 = arith.constant 0 : index
          %get3A_128 = tpu.vector_load %arg16[%get3A_126, %get3A_127] {strides = array<i32>} : memref<128x32xf32, #tpu.memory_space<vmem>>, vector<1x16xf32>,
          %get3A_129 = vector.shape_cast %get3A_128 : vector<1x16xf32> to vector<16xf32>
          %mul3A_130 = arith.mulf %get3A_129, %broadcast_in_dim3A_123 : vector<16xf32>
          %swap3A_131 = arith.index_cast %add3A_125 : i32 to index
          %swap3A_132 = arith.constant 0 : index
          %swap3A_133 = tpu.vector_load %arg16[%swap3A_131, %swap3A_132] {strides = array<i32>} : memref<128x32xf32, #tpu.memory_space<vmem>>, vector<1x16xf32>,
          %swap3A_134 = vector.shape_cast %swap3A_133 : vector<1x16xf32> to vector<16xf32>
          %swap3A_135 = vector.shape_cast %mul3A_130 : vector<16xf32> to vector<1x16xf32>
          tpu.vector_store %arg16[%swap3A_131, %swap3A_132], %swap3A_135 {strides = array<i32>} : memref<128x32xf32, #tpu.memory_space<vmem>>, vector<1x16xf32>,
          %get3A_136 = arith.index_cast %add3A_125 : i32 to index
          %get3A_137 = arith.constant 16 : index
          %get3A_138 = tpu.vector_load %arg16[%get3A_136, %get3A_137] {strides = array<i32>} : memref<128x32xf32, #tpu.memory_space<vmem>>, vector<1x16xf32>,
          %get3A_139 = vector.shape_cast %get3A_138 : vector<1x16xf32> to vector<16xf32>
          %mul3A_140 = arith.mulf %get3A_139, %broadcast_in_dim3A_123 : vector<16xf32>
          %swap3A_141 = arith.index_cast %add3A_125 : i32 to index
          %swap3A_142 = arith.constant 16 : index
          %swap3A_143 = tpu.vector_load %arg16[%swap3A_141, %swap3A_142] {strides = array<i32>} : memref<128x32xf32, #tpu.memory_space<vmem>>, vector<1x16xf32>,
          %swap3A_144 = vector.shape_cast %swap3A_143 : vector<1x16xf32> to vector<16xf32>
          %swap3A_145 = vector.shape_cast %mul3A_140 : vector<16xf32> to vector<1x16xf32>
          tpu.vector_store %arg16[%swap3A_141, %swap3A_142], %swap3A_145 {strides = array<i32>} : memref<128x32xf32, #tpu.memory_space<vmem>>, vector<1x16xf32>,
          %slice3A_146 = vector.extract_strided_slice %get3A_71 {offsets = [3], sizes = [1], strides = [1]} : vector<16xf32> to vector<1xf32>
          %broadcast_in_dim3A_147 = vector.shape_cast %slice3A_146 : vector<1xf32> to vector<1xf32>
          %broadcast_in_dim3A_148 = vector.broadcast %broadcast_in_dim3A_147 : vector<1xf32> to vector<16xf32>
          %add3A_149 = arith.constant 3 : i32
          %add3A_150 = arith.addi %mul3A_73, %add3A_149 : i32
          %get3A_151 = arith.index_cast %add3A_150 : i32 to index
          %get3A_152 = arith.constant 0 : index
          %get3A_153 = tpu.vector_load %arg16[%get3A_151, %get3A_152] {strides = array<i32>} : memref<128x32xf32, #tpu.memory_space<vmem>>, vector<1x16xf32>,
          %get3A_154 = vector.shape_cast %get3A_153 : vector<1x16xf32> to vector<16xf32>
          %mul3A_155 = arith.mulf %get3A_154, %broadcast_in_dim3A_148 : vector<16xf32>
          %swap3A_156 = arith.index_cast %add3A_150 : i32 to index
          %swap3A_157 = arith.constant 0 : index
          %swap3A_158 = tpu.vector_load %arg16[%swap3A_156, %swap3A_157] {strides = array<i32>} : memref<128x32xf32, #tpu.memory_space<vmem>>, vector<1x16xf32>,
          %swap3A_159 = vector.shape_cast %swap3A_158 : vector<1x16xf32> to vector<16xf32>
          %swap3A_160 = vector.shape_cast %mul3A_155 : vector<16xf32> to vector<1x16xf32>
          tpu.vector_store %arg16[%swap3A_156, %swap3A_157], %swap3A_160 {strides = array<i32>} : memref<128x32xf32, #tpu.memory_space<vmem>>, vector<1x16xf32>,
          %get3A_161 = arith.index_cast %add3A_150 : i32 to index
          %get3A_162 = arith.constant 16 : index
          %get3A_163 = tpu.vector_load %arg16[%get3A_161, %get3A_162] {strides = array<i32>} : memref<128x32xf32, #tpu.memory_space<vmem>>, vector<1x16xf32>,
          %get3A_164 = vector.shape_cast %get3A_163 : vector<1x16xf32> to vector<16xf32>
          %mul3A_165 = arith.mulf %get3A_164, %broadcast_in_dim3A_148 : vector<16xf32>
          %swap3A_166 = arith.index_cast %add3A_150 : i32 to index
          %swap3A_167 = arith.constant 16 : index
          %swap3A_168 = tpu.vector_load %arg16[%swap3A_166, %swap3A_167] {strides = array<i32>} : memref<128x32xf32, #tpu.memory_space<vmem>>, vector<1x16xf32>,
          %swap3A_169 = vector.shape_cast %swap3A_168 : vector<1x16xf32> to vector<16xf32>
          %swap3A_170 = vector.shape_cast %mul3A_165 : vector<16xf32> to vector<1x16xf32>
          tpu.vector_store %arg16[%swap3A_166, %swap3A_167], %swap3A_170 {strides = array<i32>} : memref<128x32xf32, #tpu.memory_space<vmem>>, vector<1x16xf32>,
          %slice3A_171 = vector.extract_strided_slice %get3A_71 {offsets = [4], sizes = [1], strides = [1]} : vector<16xf32> to vector<1xf32>
          %broadcast_in_dim3A_172 = vector.shape_cast %slice3A_171 : vector<1xf32> to vector<1xf32>
          %broadcast_in_dim3A_173 = vector.broadcast %broadcast_in_dim3A_172 : vector<1xf32> to vector<16xf32>
          %add3A_174 = arith.constant 4 : i32
          %add3A_175 = arith.addi %mul3A_73, %add3A_174 : i32
          %get3A_176 = arith.index_cast %add3A_175 : i32 to index
          %get3A_177 = arith.constant 0 : index
          %get3A_178 = tpu.vector_load %arg16[%get3A_176, %get3A_177] {strides = array<i32>} : memref<128x32xf32, #tpu.memory_space<vmem>>, vector<1x16xf32>,
          %get3A_179 = vector.shape_cast %get3A_178 : vector<1x16xf32> to vector<16xf32>
          %mul3A_180 = arith.mulf %get3A_179, %broadcast_in_dim3A_173 : vector<16xf32>
          %swap3A_181 = arith.index_cast %add3A_175 : i32 to index
          %swap3A_182 = arith.constant 0 : index
          %swap3A_183 = tpu.vector_load %arg16[%swap3A_181, %swap3A_182] {strides = array<i32>} : memref<128x32xf32, #tpu.memory_space<vmem>>, vector<1x16xf32>,
          %swap3A_184 = vector.shape_cast %swap3A_183 : vector<1x16xf32> to vector<16xf32>
          %swap3A_185 = vector.shape_cast %mul3A_180 : vector<16xf32> to vector<1x16xf32>
          tpu.vector_store %arg16[%swap3A_181, %swap3A_182], %swap3A_185 {strides = array<i32>} : memref<128x32xf32, #tpu.memory_space<vmem>>, vector<1x16xf32>,
          %get3A_186 = arith.index_cast %add3A_175 : i32 to index
          %get3A_187 = arith.constant 16 : index
          %get3A_188 = tpu.vector_load %arg16[%get3A_186, %get3A_187] {strides = array<i32>} : memref<128x32xf32, #tpu.memory_space<vmem>>, vector<1x16xf32>,
          %get3A_189 = vector.shape_cast %get3A_188 : vector<1x16xf32> to vector<16xf32>
          %mul3A_190 = arith.mulf %get3A_189, %broadcast_in_dim3A_173 : vector<16xf32>
          %swap3A_191 = arith.index_cast %add3A_175 : i32 to index
          %swap3A_192 = arith.constant 16 : index
          %swap3A_193 = tpu.vector_load %arg16[%swap3A_191, %swap3A_192] {strides = array<i32>} : memref<128x32xf32, #tpu.memory_space<vmem>>, vector<1x16xf32>,
          %swap3A_194 = vector.shape_cast %swap3A_193 : vector<1x16xf32> to vector<16xf32>
          %swap3A_195 = vector.shape_cast %mul3A_190 : vector<16xf32> to vector<1x16xf32>
          tpu.vector_store %arg16[%swap3A_191, %swap3A_192], %swap3A_195 {strides = array<i32>} : memref<128x32xf32, #tpu.memory_space<vmem>>, vector<1x16xf32>,
          %slice3A_196 = vector.extract_strided_slice %get3A_71 {offsets = [5], sizes = [1], strides = [1]} : vector<16xf32> to vector<1xf32>
          %broadcast_in_dim3A_197 = vector.shape_cast %slice3A_196 : vector<1xf32> to vector<1xf32>
          %broadcast_in_dim3A_198 = vector.broadcast %broadcast_in_dim3A_197 : vector<1xf32> to vector<16xf32>
          %add3A_199 = arith.constant 5 : i32
          %add3A_200 = arith.addi %mul3A_73, %add3A_199 : i32
          %get3A_201 = arith.index_cast %add3A_200 : i32 to index
          %get3A_202 = arith.constant 0 : index
          %get3A_203 = tpu.vector_load %arg16[%get3A_201, %get3A_202] {strides = array<i32>} : memref<128x32xf32, #tpu.memory_space<vmem>>, vector<1x16xf32>,
          %get3A_204 = vector.shape_cast %get3A_203 : vector<1x16xf32> to vector<16xf32>
          %mul3A_205 = arith.mulf %get3A_204, %broadcast_in_dim3A_198 : vector<16xf32>
          %swap3A_206 = arith.index_cast %add3A_200 : i32 to index
          %swap3A_207 = arith.constant 0 : index
          %swap3A_208 = tpu.vector_load %arg16[%swap3A_206, %swap3A_207] {strides = array<i32>} : memref<128x32xf32, #tpu.memory_space<vmem>>, vector<1x16xf32>,
          %swap3A_209 = vector.shape_cast %swap3A_208 : vector<1x16xf32> to vector<16xf32>
          %swap3A_210 = vector.shape_cast %mul3A_205 : vector<16xf32> to vector<1x16xf32>
          tpu.vector_store %arg16[%swap3A_206, %swap3A_207], %swap3A_210 {strides = array<i32>} : memref<128x32xf32, #tpu.memory_space<vmem>>, vector<1x16xf32>,
          %get3A_211 = arith.index_cast %add3A_200 : i32 to index
          %get3A_212 = arith.constant 16 : index
          %get3A_213 = tpu.vector_load %arg16[%get3A_211, %get3A_212] {strides = array<i32>} : memref<128x32xf32, #tpu.memory_space<vmem>>, vector<1x16xf32>,
          %get3A_214 = vector.shape_cast %get3A_213 : vector<1x16xf32> to vector<16xf32>
          %mul3A_215 = arith.mulf %get3A_214, %broadcast_in_dim3A_198 : vector<16xf32>
          %swap3A_216 = arith.index_cast %add3A_200 : i32 to index
          %swap3A_217 = arith.constant 16 : index
          %swap3A_218 = tpu.vector_load %arg16[%swap3A_216, %swap3A_217] {strides = array<i32>} : memref<128x32xf32, #tpu.memory_space<vmem>>, vector<1x16xf32>,
          %swap3A_219 = vector.shape_cast %swap3A_218 : vector<1x16xf32> to vector<16xf32>
          %swap3A_220 = vector.shape_cast %mul3A_215 : vector<16xf32> to vector<1x16xf32>
          tpu.vector_store %arg16[%swap3A_216, %swap3A_217], %swap3A_220 {strides = array<i32>} : memref<128x32xf32, #tpu.memory_space<vmem>>, vector<1x16xf32>,
          %slice3A_221 = vector.extract_strided_slice %get3A_71 {offsets = [6], sizes = [1], strides = [1]} : vector<16xf32> to vector<1xf32>
          %broadcast_in_dim3A_222 = vector.shape_cast %slice3A_221 : vector<1xf32> to vector<1xf32>
          %broadcast_in_dim3A_223 = vector.broadcast %broadcast_in_dim3A_222 : vector<1xf32> to vector<16xf32>
          %add3A_224 = arith.constant 6 : i32
          %add3A_225 = arith.addi %mul3A_73, %add3A_224 : i32
          %get3A_226 = arith.index_cast %add3A_225 : i32 to index
          %get3A_227 = arith.constant 0 : index
          %get3A_228 = tpu.vector_load %arg16[%get3A_226, %get3A_227] {strides = array<i32>} : memref<128x32xf32, #tpu.memory_space<vmem>>, vector<1x16xf32>,
          %get3A_229 = vector.shape_cast %get3A_228 : vector<1x16xf32> to vector<16xf32>
          %mul3A_230 = arith.mulf %get3A_229, %broadcast_in_dim3A_223 : vector<16xf32>
          %swap3A_231 = arith.index_cast %add3A_225 : i32 to index
          %swap3A_232 = arith.constant 0 : index
          %swap3A_233 = tpu.vector_load %arg16[%swap3A_231, %swap3A_232] {strides = array<i32>} : memref<128x32xf32, #tpu.memory_space<vmem>>, vector<1x16xf32>,
          %swap3A_234 = vector.shape_cast %swap3A_233 : vector<1x16xf32> to vector<16xf32>
          %swap3A_235 = vector.shape_cast %mul3A_230 : vector<16xf32> to vector<1x16xf32>
          tpu.vector_store %arg16[%swap3A_231, %swap3A_232], %swap3A_235 {strides = array<i32>} : memref<128x32xf32, #tpu.memory_space<vmem>>, vector<1x16xf32>,
          %get3A_236 = arith.index_cast %add3A_225 : i32 to index
          %get3A_237 = arith.constant 16 : index
          %get3A_238 = tpu.vector_load %arg16[%get3A_236, %get3A_237] {strides = array<i32>} : memref<128x32xf32, #tpu.memory_space<vmem>>, vector<1x16xf32>,
          %get3A_239 = vector.shape_cast %get3A_238 : vector<1x16xf32> to vector<16xf32>
          %mul3A_240 = arith.mulf %get3A_239, %broadcast_in_dim3A_223 : vector<16xf32>
          %swap3A_241 = arith.index_cast %add3A_225 : i32 to index
          %swap3A_242 = arith.constant 16 : index
          %swap3A_243 = tpu.vector_load %arg16[%swap3A_241, %swap3A_242] {strides = array<i32>} : memref<128x32xf32, #tpu.memory_space<vmem>>, vector<1x16xf32>,
          %swap3A_244 = vector.shape_cast %swap3A_243 : vector<1x16xf32> to vector<16xf32>
          %swap3A_245 = vector.shape_cast %mul3A_240 : vector<16xf32> to vector<1x16xf32>
          tpu.vector_store %arg16[%swap3A_241, %swap3A_242], %swap3A_245 {strides = array<i32>} : memref<128x32xf32, #tpu.memory_space<vmem>>, vector<1x16xf32>,
          %slice3A_246 = vector.extract_strided_slice %get3A_71 {offsets = [7], sizes = [1], strides = [1]} : vector<16xf32> to vector<1xf32>
          %broadcast_in_dim3A_247 = vector.shape_cast %slice3A_246 : vector<1xf32> to vector<1xf32>
          %broadcast_in_dim3A_248 = vector.broadcast %broadcast_in_dim3A_247 : vector<1xf32> to vector<16xf32>
          %add3A_249 = arith.constant 7 : i32
          %add3A_250 = arith.addi %mul3A_73, %add3A_249 : i32
          %get3A_251 = arith.index_cast %add3A_250 : i32 to index
          %get3A_252 = arith.constant 0 : index
          %get3A_253 = tpu.vector_load %arg16[%get3A_251, %get3A_252] {strides = array<i32>} : memref<128x32xf32, #tpu.memory_space<vmem>>, vector<1x16xf32>,
          %get3A_254 = vector.shape_cast %get3A_253 : vector<1x16xf32> to vector<16xf32>
          %mul3A_255 = arith.mulf %get3A_254, %broadcast_in_dim3A_248 : vector<16xf32>
          %swap3A_256 = arith.index_cast %add3A_250 : i32 to index
          %swap3A_257 = arith.constant 0 : index
          %swap3A_258 = tpu.vector_load %arg16[%swap3A_256, %swap3A_257] {strides = array<i32>} : memref<128x32xf32, #tpu.memory_space<vmem>>, vector<1x16xf32>,
          %swap3A_259 = vector.shape_cast %swap3A_258 : vector<1x16xf32> to vector<16xf32>
          %swap3A_260 = vector.shape_cast %mul3A_255 : vector<16xf32> to vector<1x16xf32>
          tpu.vector_store %arg16[%swap3A_256, %swap3A_257], %swap3A_260 {strides = array<i32>} : memref<128x32xf32, #tpu.memory_space<vmem>>, vector<1x16xf32>,
          %get3A_261 = arith.index_cast %add3A_250 : i32 to index
          %get3A_262 = arith.constant 16 : index
          %get3A_263 = tpu.vector_load %arg16[%get3A_261, %get3A_262] {strides = array<i32>} : memref<128x32xf32, #tpu.memory_space<vmem>>, vector<1x16xf32>,
          %get3A_264 = vector.shape_cast %get3A_263 : vector<1x16xf32> to vector<16xf32>
          %mul3A_265 = arith.mulf %get3A_264, %broadcast_in_dim3A_248 : vector<16xf32>
          %swap3A_266 = arith.index_cast %add3A_250 : i32 to index
          %swap3A_267 = arith.constant 16 : index
          %swap3A_268 = tpu.vector_load %arg16[%swap3A_266, %swap3A_267] {strides = array<i32>} : memref<128x32xf32, #tpu.memory_space<vmem>>, vector<1x16xf32>,
          %swap3A_269 = vector.shape_cast %swap3A_268 : vector<1x16xf32> to vector<16xf32>
          %swap3A_270 = vector.shape_cast %mul3A_265 : vector<16xf32> to vector<1x16xf32>
          tpu.vector_store %arg16[%swap3A_266, %swap3A_267], %swap3A_270 {strides = array<i32>} : memref<128x32xf32, #tpu.memory_space<vmem>>, vector<1x16xf32>,
          %slice3A_271 = vector.extract_strided_slice %get3A_71 {offsets = [8], sizes = [1], strides = [1]} : vector<16xf32> to vector<1xf32>
          %broadcast_in_dim3A_272 = vector.shape_cast %slice3A_271 : vector<1xf32> to vector<1xf32>
          %broadcast_in_dim3A_273 = vector.broadcast %broadcast_in_dim3A_272 : vector<1xf32> to vector<16xf32>
          %add3A_274 = arith.constant 8 : i32
          %add3A_275 = arith.addi %mul3A_73, %add3A_274 : i32
          %get3A_276 = arith.index_cast %add3A_275 : i32 to index
          %get3A_277 = arith.constant 0 : index
          %get3A_278 = tpu.vector_load %arg16[%get3A_276, %get3A_277] {strides = array<i32>} : memref<128x32xf32, #tpu.memory_space<vmem>>, vector<1x16xf32>,
          %get3A_279 = vector.shape_cast %get3A_278 : vector<1x16xf32> to vector<16xf32>
          %mul3A_280 = arith.mulf %get3A_279, %broadcast_in_dim3A_273 : vector<16xf32>
          %swap3A_281 = arith.index_cast %add3A_275 : i32 to index
          %swap3A_282 = arith.constant 0 : index
          %swap3A_283 = tpu.vector_load %arg16[%swap3A_281, %swap3A_282] {strides = array<i32>} : memref<128x32xf32, #tpu.memory_space<vmem>>, vector<1x16xf32>,
          %swap3A_284 = vector.shape_cast %swap3A_283 : vector<1x16xf32> to vector<16xf32>
          %swap3A_285 = vector.shape_cast %mul3A_280 : vector<16xf32> to vector<1x16xf32>
          tpu.vector_store %arg16[%swap3A_281, %swap3A_282], %swap3A_285 {strides = array<i32>} : memref<128x32xf32, #tpu.memory_space<vmem>>, vector<1x16xf32>,
          %get3A_286 = arith.index_cast %add3A_275 : i32 to index
          %get3A_287 = arith.constant 16 : index
          %get3A_288 = tpu.vector_load %arg16[%get3A_286, %get3A_287] {strides = array<i32>} : memref<128x32xf32, #tpu.memory_space<vmem>>, vector<1x16xf32>,
          %get3A_289 = vector.shape_cast %get3A_288 : vector<1x16xf32> to vector<16xf32>
          %mul3A_290 = arith.mulf %get3A_289, %broadcast_in_dim3A_273 : vector<16xf32>
          %swap3A_291 = arith.index_cast %add3A_275 : i32 to index
          %swap3A_292 = arith.constant 16 : index
          %swap3A_293 = tpu.vector_load %arg16[%swap3A_291, %swap3A_292] {strides = array<i32>} : memref<128x32xf32, #tpu.memory_space<vmem>>, vector<1x16xf32>,
          %swap3A_294 = vector.shape_cast %swap3A_293 : vector<1x16xf32> to vector<16xf32>
          %swap3A_295 = vector.shape_cast %mul3A_290 : vector<16xf32> to vector<1x16xf32>
          tpu.vector_store %arg16[%swap3A_291, %swap3A_292], %swap3A_295 {strides = array<i32>} : memref<128x32xf32, #tpu.memory_space<vmem>>, vector<1x16xf32>,
          %slice3A_296 = vector.extract_strided_slice %get3A_71 {offsets = [9], sizes = [1], strides = [1]} : vector<16xf32> to vector<1xf32>
          %broadcast_in_dim3A_297 = vector.shape_cast %slice3A_296 : vector<1xf32> to vector<1xf32>
          %broadcast_in_dim3A_298 = vector.broadcast %broadcast_in_dim3A_297 : vector<1xf32> to vector<16xf32>
          %add3A_299 = arith.constant 9 : i32
          %add3A_300 = arith.addi %mul3A_73, %add3A_299 : i32
          %get3A_301 = arith.index_cast %add3A_300 : i32 to index
          %get3A_302 = arith.constant 0 : index
          %get3A_303 = tpu.vector_load %arg16[%get3A_301, %get3A_302] {strides = array<i32>} : memref<128x32xf32, #tpu.memory_space<vmem>>, vector<1x16xf32>,
          %get3A_304 = vector.shape_cast %get3A_303 : vector<1x16xf32> to vector<16xf32>
          %mul3A_305 = arith.mulf %get3A_304, %broadcast_in_dim3A_298 : vector<16xf32>
          %swap3A_306 = arith.index_cast %add3A_300 : i32 to index
          %swap3A_307 = arith.constant 0 : index
          %swap3A_308 = tpu.vector_load %arg16[%swap3A_306, %swap3A_307] {strides = array<i32>} : memref<128x32xf32, #tpu.memory_space<vmem>>, vector<1x16xf32>,
          %swap3A_309 = vector.shape_cast %swap3A_308 : vector<1x16xf32> to vector<16xf32>
          %swap3A_310 = vector.shape_cast %mul3A_305 : vector<16xf32> to vector<1x16xf32>
          tpu.vector_store %arg16[%swap3A_306, %swap3A_307], %swap3A_310 {strides = array<i32>} : memref<128x32xf32, #tpu.memory_space<vmem>>, vector<1x16xf32>,
          %get3A_311 = arith.index_cast %add3A_300 : i32 to index
          %get3A_312 = arith.constant 16 : index
          %get3A_313 = tpu.vector_load %arg16[%get3A_311, %get3A_312] {strides = array<i32>} : memref<128x32xf32, #tpu.memory_space<vmem>>, vector<1x16xf32>,
          %get3A_314 = vector.shape_cast %get3A_313 : vector<1x16xf32> to vector<16xf32>
          %mul3A_315 = arith.mulf %get3A_314, %broadcast_in_dim3A_298 : vector<16xf32>
          %swap3A_316 = arith.index_cast %add3A_300 : i32 to index
          %swap3A_317 = arith.constant 16 : index
          %swap3A_318 = tpu.vector_load %arg16[%swap3A_316, %swap3A_317] {strides = array<i32>} : memref<128x32xf32, #tpu.memory_space<vmem>>, vector<1x16xf32>,
          %swap3A_319 = vector.shape_cast %swap3A_318 : vector<1x16xf32> to vector<16xf32>
          %swap3A_320 = vector.shape_cast %mul3A_315 : vector<16xf32> to vector<1x16xf32>
          tpu.vector_store %arg16[%swap3A_316, %swap3A_317], %swap3A_320 {strides = array<i32>} : memref<128x32xf32, #tpu.memory_space<vmem>>, vector<1x16xf32>,
          %slice3A_321 = vector.extract_strided_slice %get3A_71 {offsets = [10], sizes = [1], strides = [1]} : vector<16xf32> to vector<1xf32>
          %broadcast_in_dim3A_322 = vector.shape_cast %slice3A_321 : vector<1xf32> to vector<1xf32>
          %broadcast_in_dim3A_323 = vector.broadcast %broadcast_in_dim3A_322 : vector<1xf32> to vector<16xf32>
          %add3A_324 = arith.constant 10 : i32
          %add3A_325 = arith.addi %mul3A_73, %add3A_324 : i32
          %get3A_326 = arith.index_cast %add3A_325 : i32 to index
          %get3A_327 = arith.constant 0 : index
          %get3A_328 = tpu.vector_load %arg16[%get3A_326, %get3A_327] {strides = array<i32>} : memref<128x32xf32, #tpu.memory_space<vmem>>, vector<1x16xf32>,
          %get3A_329 = vector.shape_cast %get3A_328 : vector<1x16xf32> to vector<16xf32>
          %mul3A_330 = arith.mulf %get3A_329, %broadcast_in_dim3A_323 : vector<16xf32>
          %swap3A_331 = arith.index_cast %add3A_325 : i32 to index
          %swap3A_332 = arith.constant 0 : index
          %swap3A_333 = tpu.vector_load %arg16[%swap3A_331, %swap3A_332] {strides = array<i32>} : memref<128x32xf32, #tpu.memory_space<vmem>>, vector<1x16xf32>,
          %swap3A_334 = vector.shape_cast %swap3A_333 : vector<1x16xf32> to vector<16xf32>
          %swap3A_335 = vector.shape_cast %mul3A_330 : vector<16xf32> to vector<1x16xf32>
          tpu.vector_store %arg16[%swap3A_331, %swap3A_332], %swap3A_335 {strides = array<i32>} : memref<128x32xf32, #tpu.memory_space<vmem>>, vector<1x16xf32>,
          %get3A_336 = arith.index_cast %add3A_325 : i32 to index
          %get3A_337 = arith.constant 16 : index
          %get3A_338 = tpu.vector_load %arg16[%get3A_336, %get3A_337] {strides = array<i32>} : memref<128x32xf32, #tpu.memory_space<vmem>>, vector<1x16xf32>,
          %get3A_339 = vector.shape_cast %get3A_338 : vector<1x16xf32> to vector<16xf32>
          %mul3A_340 = arith.mulf %get3A_339, %broadcast_in_dim3A_323 : vector<16xf32>
          %swap3A_341 = arith.index_cast %add3A_325 : i32 to index
          %swap3A_342 = arith.constant 16 : index
          %swap3A_343 = tpu.vector_load %arg16[%swap3A_341, %swap3A_342] {strides = array<i32>} : memref<128x32xf32, #tpu.memory_space<vmem>>, vector<1x16xf32>,
          %swap3A_344 = vector.shape_cast %swap3A_343 : vector<1x16xf32> to vector<16xf32>
          %swap3A_345 = vector.shape_cast %mul3A_340 : vector<16xf32> to vector<1x16xf32>
          tpu.vector_store %arg16[%swap3A_341, %swap3A_342], %swap3A_345 {strides = array<i32>} : memref<128x32xf32, #tpu.memory_space<vmem>>, vector<1x16xf32>,
          %slice3A_346 = vector.extract_strided_slice %get3A_71 {offsets = [11], sizes = [1], strides = [1]} : vector<16xf32> to vector<1xf32>
          %broadcast_in_dim3A_347 = vector.shape_cast %slice3A_346 : vector<1xf32> to vector<1xf32>
          %broadcast_in_dim3A_348 = vector.broadcast %broadcast_in_dim3A_347 : vector<1xf32> to vector<16xf32>
          %add3A_349 = arith.constant 11 : i32
          %add3A_350 = arith.addi %mul3A_73, %add3A_349 : i32
          %get3A_351 = arith.index_cast %add3A_350 : i32 to index
          %get3A_352 = arith.constant 0 : index
          %get3A_353 = tpu.vector_load %arg16[%get3A_351, %get3A_352] {strides = array<i32>} : memref<128x32xf32, #tpu.memory_space<vmem>>, vector<1x16xf32>,
          %get3A_354 = vector.shape_cast %get3A_353 : vector<1x16xf32> to vector<16xf32>
          %mul3A_355 = arith.mulf %get3A_354, %broadcast_in_dim3A_348 : vector<16xf32>
          %swap3A_356 = arith.index_cast %add3A_350 : i32 to index
          %swap3A_357 = arith.constant 0 : index
          %swap3A_358 = tpu.vector_load %arg16[%swap3A_356, %swap3A_357] {strides = array<i32>} : memref<128x32xf32, #tpu.memory_space<vmem>>, vector<1x16xf32>,
          %swap3A_359 = vector.shape_cast %swap3A_358 : vector<1x16xf32> to vector<16xf32>
          %swap3A_360 = vector.shape_cast %mul3A_355 : vector<16xf32> to vector<1x16xf32>
          tpu.vector_store %arg16[%swap3A_356, %swap3A_357], %swap3A_360 {strides = array<i32>} : memref<128x32xf32, #tpu.memory_space<vmem>>, vector<1x16xf32>,
          %get3A_361 = arith.index_cast %add3A_350 : i32 to index
          %get3A_362 = arith.constant 16 : index
          %get3A_363 = tpu.vector_load %arg16[%get3A_361, %get3A_362] {strides = array<i32>} : memref<128x32xf32, #tpu.memory_space<vmem>>, vector<1x16xf32>,
          %get3A_364 = vector.shape_cast %get3A_363 : vector<1x16xf32> to vector<16xf32>
          %mul3A_365 = arith.mulf %get3A_364, %broadcast_in_dim3A_348 : vector<16xf32>
          %swap3A_366 = arith.index_cast %add3A_350 : i32 to index
          %swap3A_367 = arith.constant 16 : index
          %swap3A_368 = tpu.vector_load %arg16[%swap3A_366, %swap3A_367] {strides = array<i32>} : memref<128x32xf32, #tpu.memory_space<vmem>>, vector<1x16xf32>,
          %swap3A_369 = vector.shape_cast %swap3A_368 : vector<1x16xf32> to vector<16xf32>
          %swap3A_370 = vector.shape_cast %mul3A_365 : vector<16xf32> to vector<1x16xf32>
          tpu.vector_store %arg16[%swap3A_366, %swap3A_367], %swap3A_370 {strides = array<i32>} : memref<128x32xf32, #tpu.memory_space<vmem>>, vector<1x16xf32>,
          %slice3A_371 = vector.extract_strided_slice %get3A_71 {offsets = [12], sizes = [1], strides = [1]} : vector<16xf32> to vector<1xf32>
          %broadcast_in_dim3A_372 = vector.shape_cast %slice3A_371 : vector<1xf32> to vector<1xf32>
          %broadcast_in_dim3A_373 = vector.broadcast %broadcast_in_dim3A_372 : vector<1xf32> to vector<16xf32>
          %add3A_374 = arith.constant 12 : i32
          %add3A_375 = arith.addi %mul3A_73, %add3A_374 : i32
          %get3A_376 = arith.index_cast %add3A_375 : i32 to index
          %get3A_377 = arith.constant 0 : index
          %get3A_378 = tpu.vector_load %arg16[%get3A_376, %get3A_377] {strides = array<i32>} : memref<128x32xf32, #tpu.memory_space<vmem>>, vector<1x16xf32>,
          %get3A_379 = vector.shape_cast %get3A_378 : vector<1x16xf32> to vector<16xf32>
          %mul3A_380 = arith.mulf %get3A_379, %broadcast_in_dim3A_373 : vector<16xf32>
          %swap3A_381 = arith.index_cast %add3A_375 : i32 to index
          %swap3A_382 = arith.constant 0 : index
          %swap3A_383 = tpu.vector_load %arg16[%swap3A_381, %swap3A_382] {strides = array<i32>} : memref<128x32xf32, #tpu.memory_space<vmem>>, vector<1x16xf32>,
          %swap3A_384 = vector.shape_cast %swap3A_383 : vector<1x16xf32> to vector<16xf32>
          %swap3A_385 = vector.shape_cast %mul3A_380 : vector<16xf32> to vector<1x16xf32>
          tpu.vector_store %arg16[%swap3A_381, %swap3A_382], %swap3A_385 {strides = array<i32>} : memref<128x32xf32, #tpu.memory_space<vmem>>, vector<1x16xf32>,
          %get3A_386 = arith.index_cast %add3A_375 : i32 to index
          %get3A_387 = arith.constant 16 : index
          %get3A_388 = tpu.vector_load %arg16[%get3A_386, %get3A_387] {strides = array<i32>} : memref<128x32xf32, #tpu.memory_space<vmem>>, vector<1x16xf32>,
          %get3A_389 = vector.shape_cast %get3A_388 : vector<1x16xf32> to vector<16xf32>
          %mul3A_390 = arith.mulf %get3A_389, %broadcast_in_dim3A_373 : vector<16xf32>
          %swap3A_391 = arith.index_cast %add3A_375 : i32 to index
          %swap3A_392 = arith.constant 16 : index
          %swap3A_393 = tpu.vector_load %arg16[%swap3A_391, %swap3A_392] {strides = array<i32>} : memref<128x32xf32, #tpu.memory_space<vmem>>, vector<1x16xf32>,
          %swap3A_394 = vector.shape_cast %swap3A_393 : vector<1x16xf32> to vector<16xf32>
          %swap3A_395 = vector.shape_cast %mul3A_390 : vector<16xf32> to vector<1x16xf32>
          tpu.vector_store %arg16[%swap3A_391, %swap3A_392], %swap3A_395 {strides = array<i32>} : memref<128x32xf32, #tpu.memory_space<vmem>>, vector<1x16xf32>,
          %slice3A_396 = vector.extract_strided_slice %get3A_71 {offsets = [13], sizes = [1], strides = [1]} : vector<16xf32> to vector<1xf32>
          %broadcast_in_dim3A_397 = vector.shape_cast %slice3A_396 : vector<1xf32> to vector<1xf32>
          %broadcast_in_dim3A_398 = vector.broadcast %broadcast_in_dim3A_397 : vector<1xf32> to vector<16xf32>
          %add3A_399 = arith.constant 13 : i32
          %add3A_400 = arith.addi %mul3A_73, %add3A_399 : i32
          %get3A_401 = arith.index_cast %add3A_400 : i32 to index
          %get3A_402 = arith.constant 0 : index
          %get3A_403 = tpu.vector_load %arg16[%get3A_401, %get3A_402] {strides = array<i32>} : memref<128x32xf32, #tpu.memory_space<vmem>>, vector<1x16xf32>,
          %get3A_404 = vector.shape_cast %get3A_403 : vector<1x16xf32> to vector<16xf32>
          %mul3A_405 = arith.mulf %get3A_404, %broadcast_in_dim3A_398 : vector<16xf32>
          %swap3A_406 = arith.index_cast %add3A_400 : i32 to index
          %swap3A_407 = arith.constant 0 : index
          %swap3A_408 = tpu.vector_load %arg16[%swap3A_406, %swap3A_407] {strides = array<i32>} : memref<128x32xf32, #tpu.memory_space<vmem>>, vector<1x16xf32>,
          %swap3A_409 = vector.shape_cast %swap3A_408 : vector<1x16xf32> to vector<16xf32>
          %swap3A_410 = vector.shape_cast %mul3A_405 : vector<16xf32> to vector<1x16xf32>
          tpu.vector_store %arg16[%swap3A_406, %swap3A_407], %swap3A_410 {strides = array<i32>} : memref<128x32xf32, #tpu.memory_space<vmem>>, vector<1x16xf32>,
          %get3A_411 = arith.index_cast %add3A_400 : i32 to index
          %get3A_412 = arith.constant 16 : index
          %get3A_413 = tpu.vector_load %arg16[%get3A_411, %get3A_412] {strides = array<i32>} : memref<128x32xf32, #tpu.memory_space<vmem>>, vector<1x16xf32>,
          %get3A_414 = vector.shape_cast %get3A_413 : vector<1x16xf32> to vector<16xf32>
          %mul3A_415 = arith.mulf %get3A_414, %broadcast_in_dim3A_398 : vector<16xf32>
          %swap3A_416 = arith.index_cast %add3A_400 : i32 to index
          %swap3A_417 = arith.constant 16 : index
          %swap3A_418 = tpu.vector_load %arg16[%swap3A_416, %swap3A_417] {strides = array<i32>} : memref<128x32xf32, #tpu.memory_space<vmem>>, vector<1x16xf32>,
          %swap3A_419 = vector.shape_cast %swap3A_418 : vector<1x16xf32> to vector<16xf32>
          %swap3A_420 = vector.shape_cast %mul3A_415 : vector<16xf32> to vector<1x16xf32>
          tpu.vector_store %arg16[%swap3A_416, %swap3A_417], %swap3A_420 {strides = array<i32>} : memref<128x32xf32, #tpu.memory_space<vmem>>, vector<1x16xf32>,
          %slice3A_421 = vector.extract_strided_slice %get3A_71 {offsets = [14], sizes = [1], strides = [1]} : vector<16xf32> to vector<1xf32>
          %broadcast_in_dim3A_422 = vector.shape_cast %slice3A_421 : vector<1xf32> to vector<1xf32>
          %broadcast_in_dim3A_423 = vector.broadcast %broadcast_in_dim3A_422 : vector<1xf32> to vector<16xf32>
          %add3A_424 = arith.constant 14 : i32
          %add3A_425 = arith.addi %mul3A_73, %add3A_424 : i32
          %get3A_426 = arith.index_cast %add3A_425 : i32 to index
          %get3A_427 = arith.constant 0 : index
          %get3A_428 = tpu.vector_load %arg16[%get3A_426, %get3A_427] {strides = array<i32>} : memref<128x32xf32, #tpu.memory_space<vmem>>, vector<1x16xf32>,
          %get3A_429 = vector.shape_cast %get3A_428 : vector<1x16xf32> to vector<16xf32>
          %mul3A_430 = arith.mulf %get3A_429, %broadcast_in_dim3A_423 : vector<16xf32>
          %swap3A_431 = arith.index_cast %add3A_425 : i32 to index
          %swap3A_432 = arith.constant 0 : index
          %swap3A_433 = tpu.vector_load %arg16[%swap3A_431, %swap3A_432] {strides = array<i32>} : memref<128x32xf32, #tpu.memory_space<vmem>>, vector<1x16xf32>,
          %swap3A_434 = vector.shape_cast %swap3A_433 : vector<1x16xf32> to vector<16xf32>
          %swap3A_435 = vector.shape_cast %mul3A_430 : vector<16xf32> to vector<1x16xf32>
          tpu.vector_store %arg16[%swap3A_431, %swap3A_432], %swap3A_435 {strides = array<i32>} : memref<128x32xf32, #tpu.memory_space<vmem>>, vector<1x16xf32>,
          %get3A_436 = arith.index_cast %add3A_425 : i32 to index
          %get3A_437 = arith.constant 16 : index
          %get3A_438 = tpu.vector_load %arg16[%get3A_436, %get3A_437] {strides = array<i32>} : memref<128x32xf32, #tpu.memory_space<vmem>>, vector<1x16xf32>,
          %get3A_439 = vector.shape_cast %get3A_438 : vector<1x16xf32> to vector<16xf32>
          %mul3A_440 = arith.mulf %get3A_439, %broadcast_in_dim3A_423 : vector<16xf32>
          %swap3A_441 = arith.index_cast %add3A_425 : i32 to index
          %swap3A_442 = arith.constant 16 : index
          %swap3A_443 = tpu.vector_load %arg16[%swap3A_441, %swap3A_442] {strides = array<i32>} : memref<128x32xf32, #tpu.memory_space<vmem>>, vector<1x16xf32>,
          %swap3A_444 = vector.shape_cast %swap3A_443 : vector<1x16xf32> to vector<16xf32>
          %swap3A_445 = vector.shape_cast %mul3A_440 : vector<16xf32> to vector<1x16xf32>
          tpu.vector_store %arg16[%swap3A_441, %swap3A_442], %swap3A_445 {strides = array<i32>} : memref<128x32xf32, #tpu.memory_space<vmem>>, vector<1x16xf32>,
          %slice3A_446 = vector.extract_strided_slice %get3A_71 {offsets = [15], sizes = [1], strides = [1]} : vector<16xf32> to vector<1xf32>
          %broadcast_in_dim3A_447 = vector.shape_cast %slice3A_446 : vector<1xf32> to vector<1xf32>
          %broadcast_in_dim3A_448 = vector.broadcast %broadcast_in_dim3A_447 : vector<1xf32> to vector<16xf32>
          %add3A_449 = arith.constant 15 : i32
          %add3A_450 = arith.addi %mul3A_73, %add3A_449 : i32
          %get3A_451 = arith.index_cast %add3A_450 : i32 to index
          %get3A_452 = arith.constant 0 : index
          %get3A_453 = tpu.vector_load %arg16[%get3A_451, %get3A_452] {strides = array<i32>} : memref<128x32xf32, #tpu.memory_space<vmem>>, vector<1x16xf32>,
          %get3A_454 = vector.shape_cast %get3A_453 : vector<1x16xf32> to vector<16xf32>
          %mul3A_455 = arith.mulf %get3A_454, %broadcast_in_dim3A_448 : vector<16xf32>
          %swap3A_456 = arith.index_cast %add3A_450 : i32 to index
          %swap3A_457 = arith.constant 0 : index
          %swap3A_458 = tpu.vector_load %arg16[%swap3A_456, %swap3A_457] {strides = array<i32>} : memref<128x32xf32, #tpu.memory_space<vmem>>, vector<1x16xf32>,
          %swap3A_459 = vector.shape_cast %swap3A_458 : vector<1x16xf32> to vector<16xf32>
          %swap3A_460 = vector.shape_cast %mul3A_455 : vector<16xf32> to vector<1x16xf32>
          tpu.vector_store %arg16[%swap3A_456, %swap3A_457], %swap3A_460 {strides = array<i32>} : memref<128x32xf32, #tpu.memory_space<vmem>>, vector<1x16xf32>,
          %get3A_461 = arith.index_cast %add3A_450 : i32 to index
          %get3A_462 = arith.constant 16 : index
          %get3A_463 = tpu.vector_load %arg16[%get3A_461, %get3A_462] {strides = array<i32>} : memref<128x32xf32, #tpu.memory_space<vmem>>, vector<1x16xf32>,
          %get3A_464 = vector.shape_cast %get3A_463 : vector<1x16xf32> to vector<16xf32>
          %mul3A_465 = arith.mulf %get3A_464, %broadcast_in_dim3A_448 : vector<16xf32>
          %swap3A_466 = arith.index_cast %add3A_450 : i32 to index
          %swap3A_467 = arith.constant 16 : index
          %swap3A_468 = tpu.vector_load %arg16[%swap3A_466, %swap3A_467] {strides = array<i32>} : memref<128x32xf32, #tpu.memory_space<vmem>>, vector<1x16xf32>,
          %swap3A_469 = vector.shape_cast %swap3A_468 : vector<1x16xf32> to vector<16xf32>
          %swap3A_470 = vector.shape_cast %mul3A_465 : vector<16xf32> to vector<1x16xf32>
          tpu.vector_store %arg16[%swap3A_466, %swap3A_467], %swap3A_470 {strides = array<i32>} : memref<128x32xf32, #tpu.memory_space<vmem>>, vector<1x16xf32>,
        }
        %scan3A_66 = arith.constant 8 : i32
        "tpu.region"() ({
          %run_scoped3A = tpu.sem_alloc : memref<!tpu.dma_semaphore, #tpu.memory_space<semaphore_mem>>
          %dma_start3A_67 = arith.constant 0 : i32
          %dma_start3A_68 = arith.constant 0 : i32
          %dma_start3A_69 = tpu.memref_slice %arg12[%dma_start3A_67, %dma_start3A_68] : memref<50000x32xf32, #tpu.memory_space<vmem_shared>> -> memref<50000x32xf32, #tpu.memory_space<vmem_shared>>
          tpu.enqueue_indirect_dma source(%arg16 : memref<128x32xf32, #tpu.memory_space<vmem>>) target(%dma_start3A_69 : memref<50000x32xf32, #tpu.memory_space<vmem_shared>>) offsets(%arg13 : memref<128xi32, #tpu.memory_space<vmem>>) semaphore(%run_scoped3A : memref<!tpu.dma_semaphore, #tpu.memory_space<semaphore_mem>>) {add = true}
          %dma_wait3A_70 = arith.constant 0 : i32
          %dma_wait3A_71 = arith.constant 0 : i32
          %dma_wait3A_72 = tpu.memref_slice %arg12[%dma_wait3A_70, %dma_wait3A_71] : memref<50000x32xf32, #tpu.memory_space<vmem_shared>> -> memref<50000x32xf32, #tpu.memory_space<vmem_shared>>
          tpu.wait_indirect_dma semaphore(%run_scoped3A : memref<!tpu.dma_semaphore, #tpu.memory_space<semaphore_mem>>) src(%arg16 : memref<128x32xf32, #tpu.memory_space<vmem>>) dst(%dma_wait3A_72 : memref<50000x32xf32, #tpu.memory_space<vmem_shared>>)
          tpu.yield
        }) : () -> ()
      }
      %scan3A_44 = arith.constant 391 : i32
      %barrier3A_45 = arith.constant 0 : index
      tpu.barrier barrier_id(%barrier3A_45)
      %scan3A_46 = arith.constant 0 : i32
      %scan3A_47 = arith.constant 0 : i32
      %scan3A_48 = arith.constant 8 : i32
      %scan3A_49 = arith.addi %scan3A_47, %scan3A_48 : i32
      %scan3A_50 = arith.constant 1 : i32
      scf.for %scan3A_53 = %scan3A_47 to %scan3A_49 step %scan3A_50  : i32 {
        %mul3A = arith.constant 16 : i32
        %mul3A_54 = arith.muli %scan3A_53, %mul3A : i32
        %add3A = arith.addi %arg1, %mul3A_54 : i32
        %lt3A = arith.constant 125 : i32
        %lt3A_55 = arith.cmpi slt, %add3A, %lt3A : i32
        %convert_element_type3A_56 = arith.extui %lt3A_55 : i1 to i32
        %cond3A_57 = arith.constant 0 : i32
        %cond3A_58 = arith.cmpi ne, %convert_element_type3A_56, %cond3A_57 : i32
        scf.if %cond3A_58 {
          %mul3A_59 = arith.constant 400 : i32
          %mul3A_60 = arith.muli %add3A, %mul3A_59 : i32
          "tpu.region"() ({
            %run_scoped3A = tpu.sem_alloc : memref<!tpu.dma_semaphore, #tpu.memory_space<semaphore_mem>>
            %dma_start3A = arith.constant 0 : i32
            %dma_start3A_61 = tpu.memref_slice %arg11[%arg0, %mul3A_60, %dma_start3A] : memref<2x50000x32xf32, #tpu.memory_space<hbm>> -> memref<1x400x32xf32, #tpu.memory_space<hbm>>
            %dma_start3A_62 = tpu.memref_squeeze %dma_start3A_61 : memref<1x400x32xf32, #tpu.memory_space<hbm>> -> memref<400x32xf32, #tpu.memory_space<hbm>>
            %dma_start3A_63 = arith.constant 0 : i32
            %dma_start3A_64 = tpu.memref_slice %arg12[%mul3A_60, %dma_start3A_63] : memref<50000x32xf32, #tpu.memory_space<vmem_shared>> -> memref<400x32xf32, #tpu.memory_space<vmem_shared>>
            tpu.enqueue_dma source(%dma_start3A_64 : memref<400x32xf32, #tpu.memory_space<vmem_shared>>) target(%dma_start3A_62 : memref<400x32xf32, #tpu.memory_space<hbm>>) target_semaphore(%run_scoped3A : memref<!tpu.dma_semaphore, #tpu.memory_space<semaphore_mem>>)
            %dma_wait3A = arith.constant 0 : i32
            %dma_wait3A_65 = tpu.memref_slice %arg11[%arg0, %mul3A_60, %dma_wait3A] : memref<2x50000x32xf32, #tpu.memory_space<hbm>> -> memref<1x400x32xf32, #tpu.memory_space<hbm>>
            %dma_wait3A_66 = tpu.memref_squeeze %dma_wait3A_65 : memref<1x400x32xf32, #tpu.memory_space<hbm>> -> memref<400x32xf32, #tpu.memory_space<hbm>>
            %dma_wait3A_67 = arith.constant 0 : i32
            %dma_wait3A_68 = tpu.memref_slice %arg12[%mul3A_60, %dma_wait3A_67] : memref<50000x32xf32, #tpu.memory_space<vmem_shared>> -> memref<400x32xf32, #tpu.memory_space<vmem_shared>>
            tpu.wait_dma2 semaphore(%run_scoped3A : memref<!tpu.dma_semaphore, #tpu.memory_space<semaphore_mem>>) src(%dma_wait3A_68 : memref<400x32xf32, #tpu.memory_space<vmem_shared>>) dst(%dma_wait3A_66 : memref<400x32xf32, #tpu.memory_space<hbm>>)
            tpu.yield
          }) : () -> ()
        } else {
        }
      }
      %scan3A_51 = arith.constant 8 : i32
      %barrier3A_52 = arith.constant 0 : index
      tpu.barrier barrier_id(%barrier3A_52)
    } else {
    }
    %eq3A_7 = arith.constant 1 : i32
    %eq3A_8 = arith.cmpi eq, %arg0, %eq3A_7 : i32
    %convert_element_type3A_9 = arith.extui %eq3A_8 : i1 to i32
    %cond3A_10 = arith.constant 0 : i32
    %cond3A_11 = arith.cmpi ne, %convert_element_type3A_9, %cond3A_10 : i32
    scf.if %cond3A_11 {
      %scan3A_12 = arith.constant 0 : i32
      %scan3A_13 = arith.constant 0 : i32
      %scan3A_14 = arith.constant 8 : i32
      %scan3A_15 = arith.addi %scan3A_13, %scan3A_14 : i32
      %scan3A_16 = arith.constant 1 : i32
      scf.for %scan3A_53 = %scan3A_13 to %scan3A_15 step %scan3A_16  : i32 {
        %mul3A = arith.constant 16 : i32
        %mul3A_54 = arith.muli %scan3A_53, %mul3A : i32
        %add3A = arith.addi %arg1, %mul3A_54 : i32
        %lt3A = arith.constant 125 : i32
        %lt3A_55 = arith.cmpi slt, %add3A, %lt3A : i32
        %convert_element_type3A_56 = arith.extui %lt3A_55 : i1 to i32
        %cond3A_57 = arith.constant 0 : i32
        %cond3A_58 = arith.cmpi ne, %convert_element_type3A_56, %cond3A_57 : i32
        scf.if %cond3A_58 {
          %mul3A_59 = arith.constant 400 : i32
          %mul3A_60 = arith.muli %add3A, %mul3A_59 : i32
          "tpu.region"() ({
            %run_scoped3A = tpu.sem_alloc : memref<!tpu.dma_semaphore, #tpu.memory_space<semaphore_mem>>
            %dma_start3A = arith.constant 0 : i32
            %dma_start3A_61 = tpu.memref_slice %arg12[%mul3A_60, %dma_start3A] : memref<50000x32xf32, #tpu.memory_space<vmem_shared>> -> memref<400x32xf32, #tpu.memory_space<vmem_shared>>
            %dma_start3A_62 = arith.constant 0 : i32
            %dma_start3A_63 = tpu.memref_slice %arg12[%mul3A_60, %dma_start3A_62] : memref<50000x32xf32, #tpu.memory_space<vmem_shared>> -> memref<400x32xf32, #tpu.memory_space<vmem_shared>>
            tpu.enqueue_dma source(%arg17 : memref<400x32xf32, #tpu.memory_space<vmem>>) target(%dma_start3A_63 : memref<400x32xf32, #tpu.memory_space<vmem_shared>>) target_semaphore(%run_scoped3A : memref<!tpu.dma_semaphore, #tpu.memory_space<semaphore_mem>>)
            %dma_wait3A = arith.constant 0 : i32
            %dma_wait3A_64 = tpu.memref_slice %arg12[%mul3A_60, %dma_wait3A] : memref<50000x32xf32, #tpu.memory_space<vmem_shared>> -> memref<400x32xf32, #tpu.memory_space<vmem_shared>>
            %dma_wait3A_65 = arith.constant 0 : i32
            %dma_wait3A_66 = tpu.memref_slice %arg12[%mul3A_60, %dma_wait3A_65] : memref<50000x32xf32, #tpu.memory_space<vmem_shared>> -> memref<400x32xf32, #tpu.memory_space<vmem_shared>>
            tpu.wait_dma2 semaphore(%run_scoped3A : memref<!tpu.dma_semaphore, #tpu.memory_space<semaphore_mem>>) src(%arg17 : memref<400x32xf32, #tpu.memory_space<vmem>>) dst(%dma_wait3A_66 : memref<400x32xf32, #tpu.memory_space<vmem_shared>>)
            tpu.yield
          }) : () -> ()
        } else {
        }
      }
      %scan3A_17 = arith.constant 8 : i32
      %barrier3A = arith.constant 0 : index
      tpu.barrier barrier_id(%barrier3A)
      %scan3A_18 = arith.constant 0 : i32
      %scan3A_19 = arith.constant 0 : i32
      %scan3A_20 = arith.constant 391 : i32
      %scan3A_21 = arith.addi %scan3A_19, %scan3A_20 : i32
      %scan3A_22 = arith.constant 1 : i32
      scf.for %scan3A_53 = %scan3A_19 to %scan3A_21 step %scan3A_22  : i32 {
        %mul3A = arith.constant 50048 : i32
        %mul3A_54 = arith.muli %arg1, %mul3A : i32
        %mul3A_55 = arith.constant 128 : i32
        %mul3A_56 = arith.muli %scan3A_53, %mul3A_55 : i32
        %add3A = arith.addi %mul3A_54, %mul3A_56 : i32
        "tpu.region"() ({
          %run_scoped3A = tpu.sem_alloc : memref<!tpu.dma_semaphore, #tpu.memory_space<semaphore_mem>>
          %dma_start3A_67 = tpu.memref_slice %arg5[%add3A] : memref<800768xi32, #tpu.memory_space<hbm>> -> memref<128xi32, #tpu.memory_space<hbm>>
          %dma_start3A_68 = tpu.memref_slice %arg5[%add3A] : memref<800768xi32, #tpu.memory_space<hbm>> -> memref<128xi32, #tpu.memory_space<hbm>>
          tpu.enqueue_dma source(%dma_start3A_68 : memref<128xi32, #tpu.memory_space<hbm>>) target(%arg14 : memref<128xi32, #tpu.memory_space<vmem>>) target_semaphore(%run_scoped3A : memref<!tpu.dma_semaphore, #tpu.memory_space<semaphore_mem>>)
          %dma_wait3A_69 = tpu.memref_slice %arg5[%add3A] : memref<800768xi32, #tpu.memory_space<hbm>> -> memref<128xi32, #tpu.memory_space<hbm>>
          %dma_wait3A_70 = tpu.memref_slice %arg5[%add3A] : memref<800768xi32, #tpu.memory_space<hbm>> -> memref<128xi32, #tpu.memory_space<hbm>>
          tpu.wait_dma2 semaphore(%run_scoped3A : memref<!tpu.dma_semaphore, #tpu.memory_space<semaphore_mem>>) src(%dma_wait3A_70 : memref<128xi32, #tpu.memory_space<hbm>>) dst(%arg14 : memref<128xi32, #tpu.memory_space<vmem>>)
          tpu.yield
        }) : () -> ()
        "tpu.region"() ({
          %run_scoped3A = tpu.sem_alloc : memref<!tpu.dma_semaphore, #tpu.memory_space<semaphore_mem>>
          %dma_start3A_67 = tpu.memref_slice %arg4[%add3A] : memref<800768xi32, #tpu.memory_space<hbm>> -> memref<128xi32, #tpu.memory_space<hbm>>
          %dma_start3A_68 = tpu.memref_slice %arg4[%add3A] : memref<800768xi32, #tpu.memory_space<hbm>> -> memref<128xi32, #tpu.memory_space<hbm>>
          tpu.enqueue_dma source(%dma_start3A_68 : memref<128xi32, #tpu.memory_space<hbm>>) target(%arg13 : memref<128xi32, #tpu.memory_space<vmem>>) target_semaphore(%run_scoped3A : memref<!tpu.dma_semaphore, #tpu.memory_space<semaphore_mem>>)
          %dma_wait3A_69 = tpu.memref_slice %arg4[%add3A] : memref<800768xi32, #tpu.memory_space<hbm>> -> memref<128xi32, #tpu.memory_space<hbm>>
          %dma_wait3A_70 = tpu.memref_slice %arg4[%add3A] : memref<800768xi32, #tpu.memory_space<hbm>> -> memref<128xi32, #tpu.memory_space<hbm>>
          tpu.wait_dma2 semaphore(%run_scoped3A : memref<!tpu.dma_semaphore, #tpu.memory_space<semaphore_mem>>) src(%dma_wait3A_70 : memref<128xi32, #tpu.memory_space<hbm>>) dst(%arg13 : memref<128xi32, #tpu.memory_space<vmem>>)
          tpu.yield
        }) : () -> ()
        "tpu.region"() ({
          %run_scoped3A = tpu.sem_alloc : memref<!tpu.dma_semaphore, #tpu.memory_space<semaphore_mem>>
          %dma_start3A_67 = tpu.memref_slice %arg6[%add3A] : memref<800768xf32, #tpu.memory_space<hbm>> -> memref<128xf32, #tpu.memory_space<hbm>>
          %dma_start3A_68 = tpu.memref_slice %arg6[%add3A] : memref<800768xf32, #tpu.memory_space<hbm>> -> memref<128xf32, #tpu.memory_space<hbm>>
          tpu.enqueue_dma source(%dma_start3A_68 : memref<128xf32, #tpu.memory_space<hbm>>) target(%arg15 : memref<128xf32, #tpu.memory_space<vmem>>) target_semaphore(%run_scoped3A : memref<!tpu.dma_semaphore, #tpu.memory_space<semaphore_mem>>)
          %dma_wait3A_69 = tpu.memref_slice %arg6[%add3A] : memref<800768xf32, #tpu.memory_space<hbm>> -> memref<128xf32, #tpu.memory_space<hbm>>
          %dma_wait3A_70 = tpu.memref_slice %arg6[%add3A] : memref<800768xf32, #tpu.memory_space<hbm>> -> memref<128xf32, #tpu.memory_space<hbm>>
          tpu.wait_dma2 semaphore(%run_scoped3A : memref<!tpu.dma_semaphore, #tpu.memory_space<semaphore_mem>>) src(%dma_wait3A_70 : memref<128xf32, #tpu.memory_space<hbm>>) dst(%arg15 : memref<128xf32, #tpu.memory_space<vmem>>)
          tpu.yield
        }) : () -> ()
        %dma_start3A = arith.constant 0 : i32
        %dma_start3A_57 = arith.constant 0 : i32
        %dma_start3A_58 = tpu.memref_slice %arg3[%dma_start3A, %dma_start3A_57] : memref<50000x32xf32, #tpu.memory_space<hbm>> -> memref<50000x32xf32, #tpu.memory_space<hbm>>
        tpu.enqueue_indirect_dma source(%dma_start3A_58 : memref<50000x32xf32, #tpu.memory_space<hbm>>) target(%arg16 : memref<128x32xf32, #tpu.memory_space<vmem>>) offsets(%arg14 : memref<128xi32, #tpu.memory_space<vmem>>) semaphore(%arg18 : memref<!tpu.dma_semaphore, #tpu.memory_space<semaphore_mem>>)
        %dma_wait3A = arith.constant 0 : i32
        %dma_wait3A_59 = arith.constant 0 : i32
        %dma_wait3A_60 = tpu.memref_slice %arg3[%dma_wait3A, %dma_wait3A_59] : memref<50000x32xf32, #tpu.memory_space<hbm>> -> memref<50000x32xf32, #tpu.memory_space<hbm>>
        tpu.wait_indirect_dma semaphore(%arg18 : memref<!tpu.dma_semaphore, #tpu.memory_space<semaphore_mem>>) src(%dma_wait3A_60 : memref<50000x32xf32, #tpu.memory_space<hbm>>) dst(%arg16 : memref<128x32xf32, #tpu.memory_space<vmem>>)
        %scan3A_61 = arith.constant 0 : i32
        %scan3A_62 = arith.constant 0 : i32
        %scan3A_63 = arith.constant 8 : i32
        %scan3A_64 = arith.addi %scan3A_62, %scan3A_63 : i32
        %scan3A_65 = arith.constant 1 : i32
        scf.for %scan3A_67 = %scan3A_62 to %scan3A_64 step %scan3A_65  : i32 {
          %mul3A_68 = arith.constant 16 : i32
          %mul3A_69 = arith.muli %scan3A_67, %mul3A_68 : i32
          %get3A = arith.index_cast %mul3A_69 : i32 to index
          %get3A_70 = tpu.vector_load %arg15[%get3A] {strides = array<i32>} : memref<128xf32, #tpu.memory_space<vmem>>, vector<16xf32>,
          %get3A_71 = vector.shape_cast %get3A_70 : vector<16xf32> to vector<16xf32>
          %mul3A_72 = arith.constant 16 : i32
          %mul3A_73 = arith.muli %scan3A_67, %mul3A_72 : i32
          %slice3A = vector.extract_strided_slice %get3A_71 {offsets = [0], sizes = [1], strides = [1]} : vector<16xf32> to vector<1xf32>
          %broadcast_in_dim3A = vector.shape_cast %slice3A : vector<1xf32> to vector<1xf32>
          %broadcast_in_dim3A_74 = vector.broadcast %broadcast_in_dim3A : vector<1xf32> to vector<16xf32>
          %add3A_75 = arith.constant 0 : i32
          %add3A_76 = arith.addi %mul3A_73, %add3A_75 : i32
          %get3A_77 = arith.index_cast %add3A_76 : i32 to index
          %get3A_78 = arith.constant 0 : index
          %get3A_79 = tpu.vector_load %arg16[%get3A_77, %get3A_78] {strides = array<i32>} : memref<128x32xf32, #tpu.memory_space<vmem>>, vector<1x16xf32>,
          %get3A_80 = vector.shape_cast %get3A_79 : vector<1x16xf32> to vector<16xf32>
          %mul3A_81 = arith.mulf %get3A_80, %broadcast_in_dim3A_74 : vector<16xf32>
          %swap3A = arith.index_cast %add3A_76 : i32 to index
          %swap3A_82 = arith.constant 0 : index
          %swap3A_83 = tpu.vector_load %arg16[%swap3A, %swap3A_82] {strides = array<i32>} : memref<128x32xf32, #tpu.memory_space<vmem>>, vector<1x16xf32>,
          %swap3A_84 = vector.shape_cast %swap3A_83 : vector<1x16xf32> to vector<16xf32>
          %swap3A_85 = vector.shape_cast %mul3A_81 : vector<16xf32> to vector<1x16xf32>
          tpu.vector_store %arg16[%swap3A, %swap3A_82], %swap3A_85 {strides = array<i32>} : memref<128x32xf32, #tpu.memory_space<vmem>>, vector<1x16xf32>,
          %get3A_86 = arith.index_cast %add3A_76 : i32 to index
          %get3A_87 = arith.constant 16 : index
          %get3A_88 = tpu.vector_load %arg16[%get3A_86, %get3A_87] {strides = array<i32>} : memref<128x32xf32, #tpu.memory_space<vmem>>, vector<1x16xf32>,
          %get3A_89 = vector.shape_cast %get3A_88 : vector<1x16xf32> to vector<16xf32>
          %mul3A_90 = arith.mulf %get3A_89, %broadcast_in_dim3A_74 : vector<16xf32>
          %swap3A_91 = arith.index_cast %add3A_76 : i32 to index
          %swap3A_92 = arith.constant 16 : index
          %swap3A_93 = tpu.vector_load %arg16[%swap3A_91, %swap3A_92] {strides = array<i32>} : memref<128x32xf32, #tpu.memory_space<vmem>>, vector<1x16xf32>,
          %swap3A_94 = vector.shape_cast %swap3A_93 : vector<1x16xf32> to vector<16xf32>
          %swap3A_95 = vector.shape_cast %mul3A_90 : vector<16xf32> to vector<1x16xf32>
          tpu.vector_store %arg16[%swap3A_91, %swap3A_92], %swap3A_95 {strides = array<i32>} : memref<128x32xf32, #tpu.memory_space<vmem>>, vector<1x16xf32>,
          %slice3A_96 = vector.extract_strided_slice %get3A_71 {offsets = [1], sizes = [1], strides = [1]} : vector<16xf32> to vector<1xf32>
          %broadcast_in_dim3A_97 = vector.shape_cast %slice3A_96 : vector<1xf32> to vector<1xf32>
          %broadcast_in_dim3A_98 = vector.broadcast %broadcast_in_dim3A_97 : vector<1xf32> to vector<16xf32>
          %add3A_99 = arith.constant 1 : i32
          %add3A_100 = arith.addi %mul3A_73, %add3A_99 : i32
          %get3A_101 = arith.index_cast %add3A_100 : i32 to index
          %get3A_102 = arith.constant 0 : index
          %get3A_103 = tpu.vector_load %arg16[%get3A_101, %get3A_102] {strides = array<i32>} : memref<128x32xf32, #tpu.memory_space<vmem>>, vector<1x16xf32>,
          %get3A_104 = vector.shape_cast %get3A_103 : vector<1x16xf32> to vector<16xf32>
          %mul3A_105 = arith.mulf %get3A_104, %broadcast_in_dim3A_98 : vector<16xf32>
          %swap3A_106 = arith.index_cast %add3A_100 : i32 to index
          %swap3A_107 = arith.constant 0 : index
          %swap3A_108 = tpu.vector_load %arg16[%swap3A_106, %swap3A_107] {strides = array<i32>} : memref<128x32xf32, #tpu.memory_space<vmem>>, vector<1x16xf32>,
          %swap3A_109 = vector.shape_cast %swap3A_108 : vector<1x16xf32> to vector<16xf32>
          %swap3A_110 = vector.shape_cast %mul3A_105 : vector<16xf32> to vector<1x16xf32>
          tpu.vector_store %arg16[%swap3A_106, %swap3A_107], %swap3A_110 {strides = array<i32>} : memref<128x32xf32, #tpu.memory_space<vmem>>, vector<1x16xf32>,
          %get3A_111 = arith.index_cast %add3A_100 : i32 to index
          %get3A_112 = arith.constant 16 : index
          %get3A_113 = tpu.vector_load %arg16[%get3A_111, %get3A_112] {strides = array<i32>} : memref<128x32xf32, #tpu.memory_space<vmem>>, vector<1x16xf32>,
          %get3A_114 = vector.shape_cast %get3A_113 : vector<1x16xf32> to vector<16xf32>
          %mul3A_115 = arith.mulf %get3A_114, %broadcast_in_dim3A_98 : vector<16xf32>
          %swap3A_116 = arith.index_cast %add3A_100 : i32 to index
          %swap3A_117 = arith.constant 16 : index
          %swap3A_118 = tpu.vector_load %arg16[%swap3A_116, %swap3A_117] {strides = array<i32>} : memref<128x32xf32, #tpu.memory_space<vmem>>, vector<1x16xf32>,
          %swap3A_119 = vector.shape_cast %swap3A_118 : vector<1x16xf32> to vector<16xf32>
          %swap3A_120 = vector.shape_cast %mul3A_115 : vector<16xf32> to vector<1x16xf32>
          tpu.vector_store %arg16[%swap3A_116, %swap3A_117], %swap3A_120 {strides = array<i32>} : memref<128x32xf32, #tpu.memory_space<vmem>>, vector<1x16xf32>,
          %slice3A_121 = vector.extract_strided_slice %get3A_71 {offsets = [2], sizes = [1], strides = [1]} : vector<16xf32> to vector<1xf32>
          %broadcast_in_dim3A_122 = vector.shape_cast %slice3A_121 : vector<1xf32> to vector<1xf32>
          %broadcast_in_dim3A_123 = vector.broadcast %broadcast_in_dim3A_122 : vector<1xf32> to vector<16xf32>
          %add3A_124 = arith.constant 2 : i32
          %add3A_125 = arith.addi %mul3A_73, %add3A_124 : i32
          %get3A_126 = arith.index_cast %add3A_125 : i32 to index
          %get3A_127 = arith.constant 0 : index
          %get3A_128 = tpu.vector_load %arg16[%get3A_126, %get3A_127] {strides = array<i32>} : memref<128x32xf32, #tpu.memory_space<vmem>>, vector<1x16xf32>,
          %get3A_129 = vector.shape_cast %get3A_128 : vector<1x16xf32> to vector<16xf32>
          %mul3A_130 = arith.mulf %get3A_129, %broadcast_in_dim3A_123 : vector<16xf32>
          %swap3A_131 = arith.index_cast %add3A_125 : i32 to index
          %swap3A_132 = arith.constant 0 : index
          %swap3A_133 = tpu.vector_load %arg16[%swap3A_131, %swap3A_132] {strides = array<i32>} : memref<128x32xf32, #tpu.memory_space<vmem>>, vector<1x16xf32>,
          %swap3A_134 = vector.shape_cast %swap3A_133 : vector<1x16xf32> to vector<16xf32>
          %swap3A_135 = vector.shape_cast %mul3A_130 : vector<16xf32> to vector<1x16xf32>
          tpu.vector_store %arg16[%swap3A_131, %swap3A_132], %swap3A_135 {strides = array<i32>} : memref<128x32xf32, #tpu.memory_space<vmem>>, vector<1x16xf32>,
          %get3A_136 = arith.index_cast %add3A_125 : i32 to index
          %get3A_137 = arith.constant 16 : index
          %get3A_138 = tpu.vector_load %arg16[%get3A_136, %get3A_137] {strides = array<i32>} : memref<128x32xf32, #tpu.memory_space<vmem>>, vector<1x16xf32>,
          %get3A_139 = vector.shape_cast %get3A_138 : vector<1x16xf32> to vector<16xf32>
          %mul3A_140 = arith.mulf %get3A_139, %broadcast_in_dim3A_123 : vector<16xf32>
          %swap3A_141 = arith.index_cast %add3A_125 : i32 to index
          %swap3A_142 = arith.constant 16 : index
          %swap3A_143 = tpu.vector_load %arg16[%swap3A_141, %swap3A_142] {strides = array<i32>} : memref<128x32xf32, #tpu.memory_space<vmem>>, vector<1x16xf32>,
          %swap3A_144 = vector.shape_cast %swap3A_143 : vector<1x16xf32> to vector<16xf32>
          %swap3A_145 = vector.shape_cast %mul3A_140 : vector<16xf32> to vector<1x16xf32>
          tpu.vector_store %arg16[%swap3A_141, %swap3A_142], %swap3A_145 {strides = array<i32>} : memref<128x32xf32, #tpu.memory_space<vmem>>, vector<1x16xf32>,
          %slice3A_146 = vector.extract_strided_slice %get3A_71 {offsets = [3], sizes = [1], strides = [1]} : vector<16xf32> to vector<1xf32>
          %broadcast_in_dim3A_147 = vector.shape_cast %slice3A_146 : vector<1xf32> to vector<1xf32>
          %broadcast_in_dim3A_148 = vector.broadcast %broadcast_in_dim3A_147 : vector<1xf32> to vector<16xf32>
          %add3A_149 = arith.constant 3 : i32
          %add3A_150 = arith.addi %mul3A_73, %add3A_149 : i32
          %get3A_151 = arith.index_cast %add3A_150 : i32 to index
          %get3A_152 = arith.constant 0 : index
          %get3A_153 = tpu.vector_load %arg16[%get3A_151, %get3A_152] {strides = array<i32>} : memref<128x32xf32, #tpu.memory_space<vmem>>, vector<1x16xf32>,
          %get3A_154 = vector.shape_cast %get3A_153 : vector<1x16xf32> to vector<16xf32>
          %mul3A_155 = arith.mulf %get3A_154, %broadcast_in_dim3A_148 : vector<16xf32>
          %swap3A_156 = arith.index_cast %add3A_150 : i32 to index
          %swap3A_157 = arith.constant 0 : index
          %swap3A_158 = tpu.vector_load %arg16[%swap3A_156, %swap3A_157] {strides = array<i32>} : memref<128x32xf32, #tpu.memory_space<vmem>>, vector<1x16xf32>,
          %swap3A_159 = vector.shape_cast %swap3A_158 : vector<1x16xf32> to vector<16xf32>
          %swap3A_160 = vector.shape_cast %mul3A_155 : vector<16xf32> to vector<1x16xf32>
          tpu.vector_store %arg16[%swap3A_156, %swap3A_157], %swap3A_160 {strides = array<i32>} : memref<128x32xf32, #tpu.memory_space<vmem>>, vector<1x16xf32>,
          %get3A_161 = arith.index_cast %add3A_150 : i32 to index
          %get3A_162 = arith.constant 16 : index
          %get3A_163 = tpu.vector_load %arg16[%get3A_161, %get3A_162] {strides = array<i32>} : memref<128x32xf32, #tpu.memory_space<vmem>>, vector<1x16xf32>,
          %get3A_164 = vector.shape_cast %get3A_163 : vector<1x16xf32> to vector<16xf32>
          %mul3A_165 = arith.mulf %get3A_164, %broadcast_in_dim3A_148 : vector<16xf32>
          %swap3A_166 = arith.index_cast %add3A_150 : i32 to index
          %swap3A_167 = arith.constant 16 : index
          %swap3A_168 = tpu.vector_load %arg16[%swap3A_166, %swap3A_167] {strides = array<i32>} : memref<128x32xf32, #tpu.memory_space<vmem>>, vector<1x16xf32>,
          %swap3A_169 = vector.shape_cast %swap3A_168 : vector<1x16xf32> to vector<16xf32>
          %swap3A_170 = vector.shape_cast %mul3A_165 : vector<16xf32> to vector<1x16xf32>
          tpu.vector_store %arg16[%swap3A_166, %swap3A_167], %swap3A_170 {strides = array<i32>} : memref<128x32xf32, #tpu.memory_space<vmem>>, vector<1x16xf32>,
          %slice3A_171 = vector.extract_strided_slice %get3A_71 {offsets = [4], sizes = [1], strides = [1]} : vector<16xf32> to vector<1xf32>
          %broadcast_in_dim3A_172 = vector.shape_cast %slice3A_171 : vector<1xf32> to vector<1xf32>
          %broadcast_in_dim3A_173 = vector.broadcast %broadcast_in_dim3A_172 : vector<1xf32> to vector<16xf32>
          %add3A_174 = arith.constant 4 : i32
          %add3A_175 = arith.addi %mul3A_73, %add3A_174 : i32
          %get3A_176 = arith.index_cast %add3A_175 : i32 to index
          %get3A_177 = arith.constant 0 : index
          %get3A_178 = tpu.vector_load %arg16[%get3A_176, %get3A_177] {strides = array<i32>} : memref<128x32xf32, #tpu.memory_space<vmem>>, vector<1x16xf32>,
          %get3A_179 = vector.shape_cast %get3A_178 : vector<1x16xf32> to vector<16xf32>
          %mul3A_180 = arith.mulf %get3A_179, %broadcast_in_dim3A_173 : vector<16xf32>
          %swap3A_181 = arith.index_cast %add3A_175 : i32 to index
          %swap3A_182 = arith.constant 0 : index
          %swap3A_183 = tpu.vector_load %arg16[%swap3A_181, %swap3A_182] {strides = array<i32>} : memref<128x32xf32, #tpu.memory_space<vmem>>, vector<1x16xf32>,
          %swap3A_184 = vector.shape_cast %swap3A_183 : vector<1x16xf32> to vector<16xf32>
          %swap3A_185 = vector.shape_cast %mul3A_180 : vector<16xf32> to vector<1x16xf32>
          tpu.vector_store %arg16[%swap3A_181, %swap3A_182], %swap3A_185 {strides = array<i32>} : memref<128x32xf32, #tpu.memory_space<vmem>>, vector<1x16xf32>,
          %get3A_186 = arith.index_cast %add3A_175 : i32 to index
          %get3A_187 = arith.constant 16 : index
          %get3A_188 = tpu.vector_load %arg16[%get3A_186, %get3A_187] {strides = array<i32>} : memref<128x32xf32, #tpu.memory_space<vmem>>, vector<1x16xf32>,
          %get3A_189 = vector.shape_cast %get3A_188 : vector<1x16xf32> to vector<16xf32>
          %mul3A_190 = arith.mulf %get3A_189, %broadcast_in_dim3A_173 : vector<16xf32>
          %swap3A_191 = arith.index_cast %add3A_175 : i32 to index
          %swap3A_192 = arith.constant 16 : index
          %swap3A_193 = tpu.vector_load %arg16[%swap3A_191, %swap3A_192] {strides = array<i32>} : memref<128x32xf32, #tpu.memory_space<vmem>>, vector<1x16xf32>,
          %swap3A_194 = vector.shape_cast %swap3A_193 : vector<1x16xf32> to vector<16xf32>
          %swap3A_195 = vector.shape_cast %mul3A_190 : vector<16xf32> to vector<1x16xf32>
          tpu.vector_store %arg16[%swap3A_191, %swap3A_192], %swap3A_195 {strides = array<i32>} : memref<128x32xf32, #tpu.memory_space<vmem>>, vector<1x16xf32>,
          %slice3A_196 = vector.extract_strided_slice %get3A_71 {offsets = [5], sizes = [1], strides = [1]} : vector<16xf32> to vector<1xf32>
          %broadcast_in_dim3A_197 = vector.shape_cast %slice3A_196 : vector<1xf32> to vector<1xf32>
          %broadcast_in_dim3A_198 = vector.broadcast %broadcast_in_dim3A_197 : vector<1xf32> to vector<16xf32>
          %add3A_199 = arith.constant 5 : i32
          %add3A_200 = arith.addi %mul3A_73, %add3A_199 : i32
          %get3A_201 = arith.index_cast %add3A_200 : i32 to index
          %get3A_202 = arith.constant 0 : index
          %get3A_203 = tpu.vector_load %arg16[%get3A_201, %get3A_202] {strides = array<i32>} : memref<128x32xf32, #tpu.memory_space<vmem>>, vector<1x16xf32>,
          %get3A_204 = vector.shape_cast %get3A_203 : vector<1x16xf32> to vector<16xf32>
          %mul3A_205 = arith.mulf %get3A_204, %broadcast_in_dim3A_198 : vector<16xf32>
          %swap3A_206 = arith.index_cast %add3A_200 : i32 to index
          %swap3A_207 = arith.constant 0 : index
          %swap3A_208 = tpu.vector_load %arg16[%swap3A_206, %swap3A_207] {strides = array<i32>} : memref<128x32xf32, #tpu.memory_space<vmem>>, vector<1x16xf32>,
          %swap3A_209 = vector.shape_cast %swap3A_208 : vector<1x16xf32> to vector<16xf32>
          %swap3A_210 = vector.shape_cast %mul3A_205 : vector<16xf32> to vector<1x16xf32>
          tpu.vector_store %arg16[%swap3A_206, %swap3A_207], %swap3A_210 {strides = array<i32>} : memref<128x32xf32, #tpu.memory_space<vmem>>, vector<1x16xf32>,
          %get3A_211 = arith.index_cast %add3A_200 : i32 to index
          %get3A_212 = arith.constant 16 : index
          %get3A_213 = tpu.vector_load %arg16[%get3A_211, %get3A_212] {strides = array<i32>} : memref<128x32xf32, #tpu.memory_space<vmem>>, vector<1x16xf32>,
          %get3A_214 = vector.shape_cast %get3A_213 : vector<1x16xf32> to vector<16xf32>
          %mul3A_215 = arith.mulf %get3A_214, %broadcast_in_dim3A_198 : vector<16xf32>
          %swap3A_216 = arith.index_cast %add3A_200 : i32 to index
          %swap3A_217 = arith.constant 16 : index
          %swap3A_218 = tpu.vector_load %arg16[%swap3A_216, %swap3A_217] {strides = array<i32>} : memref<128x32xf32, #tpu.memory_space<vmem>>, vector<1x16xf32>,
          %swap3A_219 = vector.shape_cast %swap3A_218 : vector<1x16xf32> to vector<16xf32>
          %swap3A_220 = vector.shape_cast %mul3A_215 : vector<16xf32> to vector<1x16xf32>
          tpu.vector_store %arg16[%swap3A_216, %swap3A_217], %swap3A_220 {strides = array<i32>} : memref<128x32xf32, #tpu.memory_space<vmem>>, vector<1x16xf32>,
          %slice3A_221 = vector.extract_strided_slice %get3A_71 {offsets = [6], sizes = [1], strides = [1]} : vector<16xf32> to vector<1xf32>
          %broadcast_in_dim3A_222 = vector.shape_cast %slice3A_221 : vector<1xf32> to vector<1xf32>
          %broadcast_in_dim3A_223 = vector.broadcast %broadcast_in_dim3A_222 : vector<1xf32> to vector<16xf32>
          %add3A_224 = arith.constant 6 : i32
          %add3A_225 = arith.addi %mul3A_73, %add3A_224 : i32
          %get3A_226 = arith.index_cast %add3A_225 : i32 to index
          %get3A_227 = arith.constant 0 : index
          %get3A_228 = tpu.vector_load %arg16[%get3A_226, %get3A_227] {strides = array<i32>} : memref<128x32xf32, #tpu.memory_space<vmem>>, vector<1x16xf32>,
          %get3A_229 = vector.shape_cast %get3A_228 : vector<1x16xf32> to vector<16xf32>
          %mul3A_230 = arith.mulf %get3A_229, %broadcast_in_dim3A_223 : vector<16xf32>
          %swap3A_231 = arith.index_cast %add3A_225 : i32 to index
          %swap3A_232 = arith.constant 0 : index
          %swap3A_233 = tpu.vector_load %arg16[%swap3A_231, %swap3A_232] {strides = array<i32>} : memref<128x32xf32, #tpu.memory_space<vmem>>, vector<1x16xf32>,
          %swap3A_234 = vector.shape_cast %swap3A_233 : vector<1x16xf32> to vector<16xf32>
          %swap3A_235 = vector.shape_cast %mul3A_230 : vector<16xf32> to vector<1x16xf32>
          tpu.vector_store %arg16[%swap3A_231, %swap3A_232], %swap3A_235 {strides = array<i32>} : memref<128x32xf32, #tpu.memory_space<vmem>>, vector<1x16xf32>,
          %get3A_236 = arith.index_cast %add3A_225 : i32 to index
          %get3A_237 = arith.constant 16 : index
          %get3A_238 = tpu.vector_load %arg16[%get3A_236, %get3A_237] {strides = array<i32>} : memref<128x32xf32, #tpu.memory_space<vmem>>, vector<1x16xf32>,
          %get3A_239 = vector.shape_cast %get3A_238 : vector<1x16xf32> to vector<16xf32>
          %mul3A_240 = arith.mulf %get3A_239, %broadcast_in_dim3A_223 : vector<16xf32>
          %swap3A_241 = arith.index_cast %add3A_225 : i32 to index
          %swap3A_242 = arith.constant 16 : index
          %swap3A_243 = tpu.vector_load %arg16[%swap3A_241, %swap3A_242] {strides = array<i32>} : memref<128x32xf32, #tpu.memory_space<vmem>>, vector<1x16xf32>,
          %swap3A_244 = vector.shape_cast %swap3A_243 : vector<1x16xf32> to vector<16xf32>
          %swap3A_245 = vector.shape_cast %mul3A_240 : vector<16xf32> to vector<1x16xf32>
          tpu.vector_store %arg16[%swap3A_241, %swap3A_242], %swap3A_245 {strides = array<i32>} : memref<128x32xf32, #tpu.memory_space<vmem>>, vector<1x16xf32>,
          %slice3A_246 = vector.extract_strided_slice %get3A_71 {offsets = [7], sizes = [1], strides = [1]} : vector<16xf32> to vector<1xf32>
          %broadcast_in_dim3A_247 = vector.shape_cast %slice3A_246 : vector<1xf32> to vector<1xf32>
          %broadcast_in_dim3A_248 = vector.broadcast %broadcast_in_dim3A_247 : vector<1xf32> to vector<16xf32>
          %add3A_249 = arith.constant 7 : i32
          %add3A_250 = arith.addi %mul3A_73, %add3A_249 : i32
          %get3A_251 = arith.index_cast %add3A_250 : i32 to index
          %get3A_252 = arith.constant 0 : index
          %get3A_253 = tpu.vector_load %arg16[%get3A_251, %get3A_252] {strides = array<i32>} : memref<128x32xf32, #tpu.memory_space<vmem>>, vector<1x16xf32>,
          %get3A_254 = vector.shape_cast %get3A_253 : vector<1x16xf32> to vector<16xf32>
          %mul3A_255 = arith.mulf %get3A_254, %broadcast_in_dim3A_248 : vector<16xf32>
          %swap3A_256 = arith.index_cast %add3A_250 : i32 to index
          %swap3A_257 = arith.constant 0 : index
          %swap3A_258 = tpu.vector_load %arg16[%swap3A_256, %swap3A_257] {strides = array<i32>} : memref<128x32xf32, #tpu.memory_space<vmem>>, vector<1x16xf32>,
          %swap3A_259 = vector.shape_cast %swap3A_258 : vector<1x16xf32> to vector<16xf32>
          %swap3A_260 = vector.shape_cast %mul3A_255 : vector<16xf32> to vector<1x16xf32>
          tpu.vector_store %arg16[%swap3A_256, %swap3A_257], %swap3A_260 {strides = array<i32>} : memref<128x32xf32, #tpu.memory_space<vmem>>, vector<1x16xf32>,
          %get3A_261 = arith.index_cast %add3A_250 : i32 to index
          %get3A_262 = arith.constant 16 : index
          %get3A_263 = tpu.vector_load %arg16[%get3A_261, %get3A_262] {strides = array<i32>} : memref<128x32xf32, #tpu.memory_space<vmem>>, vector<1x16xf32>,
          %get3A_264 = vector.shape_cast %get3A_263 : vector<1x16xf32> to vector<16xf32>
          %mul3A_265 = arith.mulf %get3A_264, %broadcast_in_dim3A_248 : vector<16xf32>
          %swap3A_266 = arith.index_cast %add3A_250 : i32 to index
          %swap3A_267 = arith.constant 16 : index
          %swap3A_268 = tpu.vector_load %arg16[%swap3A_266, %swap3A_267] {strides = array<i32>} : memref<128x32xf32, #tpu.memory_space<vmem>>, vector<1x16xf32>,
          %swap3A_269 = vector.shape_cast %swap3A_268 : vector<1x16xf32> to vector<16xf32>
          %swap3A_270 = vector.shape_cast %mul3A_265 : vector<16xf32> to vector<1x16xf32>
          tpu.vector_store %arg16[%swap3A_266, %swap3A_267], %swap3A_270 {strides = array<i32>} : memref<128x32xf32, #tpu.memory_space<vmem>>, vector<1x16xf32>,
          %slice3A_271 = vector.extract_strided_slice %get3A_71 {offsets = [8], sizes = [1], strides = [1]} : vector<16xf32> to vector<1xf32>
          %broadcast_in_dim3A_272 = vector.shape_cast %slice3A_271 : vector<1xf32> to vector<1xf32>
          %broadcast_in_dim3A_273 = vector.broadcast %broadcast_in_dim3A_272 : vector<1xf32> to vector<16xf32>
          %add3A_274 = arith.constant 8 : i32
          %add3A_275 = arith.addi %mul3A_73, %add3A_274 : i32
          %get3A_276 = arith.index_cast %add3A_275 : i32 to index
          %get3A_277 = arith.constant 0 : index
          %get3A_278 = tpu.vector_load %arg16[%get3A_276, %get3A_277] {strides = array<i32>} : memref<128x32xf32, #tpu.memory_space<vmem>>, vector<1x16xf32>,
          %get3A_279 = vector.shape_cast %get3A_278 : vector<1x16xf32> to vector<16xf32>
          %mul3A_280 = arith.mulf %get3A_279, %broadcast_in_dim3A_273 : vector<16xf32>
          %swap3A_281 = arith.index_cast %add3A_275 : i32 to index
          %swap3A_282 = arith.constant 0 : index
          %swap3A_283 = tpu.vector_load %arg16[%swap3A_281, %swap3A_282] {strides = array<i32>} : memref<128x32xf32, #tpu.memory_space<vmem>>, vector<1x16xf32>,
          %swap3A_284 = vector.shape_cast %swap3A_283 : vector<1x16xf32> to vector<16xf32>
          %swap3A_285 = vector.shape_cast %mul3A_280 : vector<16xf32> to vector<1x16xf32>
          tpu.vector_store %arg16[%swap3A_281, %swap3A_282], %swap3A_285 {strides = array<i32>} : memref<128x32xf32, #tpu.memory_space<vmem>>, vector<1x16xf32>,
          %get3A_286 = arith.index_cast %add3A_275 : i32 to index
          %get3A_287 = arith.constant 16 : index
          %get3A_288 = tpu.vector_load %arg16[%get3A_286, %get3A_287] {strides = array<i32>} : memref<128x32xf32, #tpu.memory_space<vmem>>, vector<1x16xf32>,
          %get3A_289 = vector.shape_cast %get3A_288 : vector<1x16xf32> to vector<16xf32>
          %mul3A_290 = arith.mulf %get3A_289, %broadcast_in_dim3A_273 : vector<16xf32>
          %swap3A_291 = arith.index_cast %add3A_275 : i32 to index
          %swap3A_292 = arith.constant 16 : index
          %swap3A_293 = tpu.vector_load %arg16[%swap3A_291, %swap3A_292] {strides = array<i32>} : memref<128x32xf32, #tpu.memory_space<vmem>>, vector<1x16xf32>,
          %swap3A_294 = vector.shape_cast %swap3A_293 : vector<1x16xf32> to vector<16xf32>
          %swap3A_295 = vector.shape_cast %mul3A_290 : vector<16xf32> to vector<1x16xf32>
          tpu.vector_store %arg16[%swap3A_291, %swap3A_292], %swap3A_295 {strides = array<i32>} : memref<128x32xf32, #tpu.memory_space<vmem>>, vector<1x16xf32>,
          %slice3A_296 = vector.extract_strided_slice %get3A_71 {offsets = [9], sizes = [1], strides = [1]} : vector<16xf32> to vector<1xf32>
          %broadcast_in_dim3A_297 = vector.shape_cast %slice3A_296 : vector<1xf32> to vector<1xf32>
          %broadcast_in_dim3A_298 = vector.broadcast %broadcast_in_dim3A_297 : vector<1xf32> to vector<16xf32>
          %add3A_299 = arith.constant 9 : i32
          %add3A_300 = arith.addi %mul3A_73, %add3A_299 : i32
          %get3A_301 = arith.index_cast %add3A_300 : i32 to index
          %get3A_302 = arith.constant 0 : index
          %get3A_303 = tpu.vector_load %arg16[%get3A_301, %get3A_302] {strides = array<i32>} : memref<128x32xf32, #tpu.memory_space<vmem>>, vector<1x16xf32>,
          %get3A_304 = vector.shape_cast %get3A_303 : vector<1x16xf32> to vector<16xf32>
          %mul3A_305 = arith.mulf %get3A_304, %broadcast_in_dim3A_298 : vector<16xf32>
          %swap3A_306 = arith.index_cast %add3A_300 : i32 to index
          %swap3A_307 = arith.constant 0 : index
          %swap3A_308 = tpu.vector_load %arg16[%swap3A_306, %swap3A_307] {strides = array<i32>} : memref<128x32xf32, #tpu.memory_space<vmem>>, vector<1x16xf32>,
          %swap3A_309 = vector.shape_cast %swap3A_308 : vector<1x16xf32> to vector<16xf32>
          %swap3A_310 = vector.shape_cast %mul3A_305 : vector<16xf32> to vector<1x16xf32>
          tpu.vector_store %arg16[%swap3A_306, %swap3A_307], %swap3A_310 {strides = array<i32>} : memref<128x32xf32, #tpu.memory_space<vmem>>, vector<1x16xf32>,
          %get3A_311 = arith.index_cast %add3A_300 : i32 to index
          %get3A_312 = arith.constant 16 : index
          %get3A_313 = tpu.vector_load %arg16[%get3A_311, %get3A_312] {strides = array<i32>} : memref<128x32xf32, #tpu.memory_space<vmem>>, vector<1x16xf32>,
          %get3A_314 = vector.shape_cast %get3A_313 : vector<1x16xf32> to vector<16xf32>
          %mul3A_315 = arith.mulf %get3A_314, %broadcast_in_dim3A_298 : vector<16xf32>
          %swap3A_316 = arith.index_cast %add3A_300 : i32 to index
          %swap3A_317 = arith.constant 16 : index
          %swap3A_318 = tpu.vector_load %arg16[%swap3A_316, %swap3A_317] {strides = array<i32>} : memref<128x32xf32, #tpu.memory_space<vmem>>, vector<1x16xf32>,
          %swap3A_319 = vector.shape_cast %swap3A_318 : vector<1x16xf32> to vector<16xf32>
          %swap3A_320 = vector.shape_cast %mul3A_315 : vector<16xf32> to vector<1x16xf32>
          tpu.vector_store %arg16[%swap3A_316, %swap3A_317], %swap3A_320 {strides = array<i32>} : memref<128x32xf32, #tpu.memory_space<vmem>>, vector<1x16xf32>,
          %slice3A_321 = vector.extract_strided_slice %get3A_71 {offsets = [10], sizes = [1], strides = [1]} : vector<16xf32> to vector<1xf32>
          %broadcast_in_dim3A_322 = vector.shape_cast %slice3A_321 : vector<1xf32> to vector<1xf32>
          %broadcast_in_dim3A_323 = vector.broadcast %broadcast_in_dim3A_322 : vector<1xf32> to vector<16xf32>
          %add3A_324 = arith.constant 10 : i32
          %add3A_325 = arith.addi %mul3A_73, %add3A_324 : i32
          %get3A_326 = arith.index_cast %add3A_325 : i32 to index
          %get3A_327 = arith.constant 0 : index
          %get3A_328 = tpu.vector_load %arg16[%get3A_326, %get3A_327] {strides = array<i32>} : memref<128x32xf32, #tpu.memory_space<vmem>>, vector<1x16xf32>,
          %get3A_329 = vector.shape_cast %get3A_328 : vector<1x16xf32> to vector<16xf32>
          %mul3A_330 = arith.mulf %get3A_329, %broadcast_in_dim3A_323 : vector<16xf32>
          %swap3A_331 = arith.index_cast %add3A_325 : i32 to index
          %swap3A_332 = arith.constant 0 : index
          %swap3A_333 = tpu.vector_load %arg16[%swap3A_331, %swap3A_332] {strides = array<i32>} : memref<128x32xf32, #tpu.memory_space<vmem>>, vector<1x16xf32>,
          %swap3A_334 = vector.shape_cast %swap3A_333 : vector<1x16xf32> to vector<16xf32>
          %swap3A_335 = vector.shape_cast %mul3A_330 : vector<16xf32> to vector<1x16xf32>
          tpu.vector_store %arg16[%swap3A_331, %swap3A_332], %swap3A_335 {strides = array<i32>} : memref<128x32xf32, #tpu.memory_space<vmem>>, vector<1x16xf32>,
          %get3A_336 = arith.index_cast %add3A_325 : i32 to index
          %get3A_337 = arith.constant 16 : index
          %get3A_338 = tpu.vector_load %arg16[%get3A_336, %get3A_337] {strides = array<i32>} : memref<128x32xf32, #tpu.memory_space<vmem>>, vector<1x16xf32>,
          %get3A_339 = vector.shape_cast %get3A_338 : vector<1x16xf32> to vector<16xf32>
          %mul3A_340 = arith.mulf %get3A_339, %broadcast_in_dim3A_323 : vector<16xf32>
          %swap3A_341 = arith.index_cast %add3A_325 : i32 to index
          %swap3A_342 = arith.constant 16 : index
          %swap3A_343 = tpu.vector_load %arg16[%swap3A_341, %swap3A_342] {strides = array<i32>} : memref<128x32xf32, #tpu.memory_space<vmem>>, vector<1x16xf32>,
          %swap3A_344 = vector.shape_cast %swap3A_343 : vector<1x16xf32> to vector<16xf32>
          %swap3A_345 = vector.shape_cast %mul3A_340 : vector<16xf32> to vector<1x16xf32>
          tpu.vector_store %arg16[%swap3A_341, %swap3A_342], %swap3A_345 {strides = array<i32>} : memref<128x32xf32, #tpu.memory_space<vmem>>, vector<1x16xf32>,
          %slice3A_346 = vector.extract_strided_slice %get3A_71 {offsets = [11], sizes = [1], strides = [1]} : vector<16xf32> to vector<1xf32>
          %broadcast_in_dim3A_347 = vector.shape_cast %slice3A_346 : vector<1xf32> to vector<1xf32>
          %broadcast_in_dim3A_348 = vector.broadcast %broadcast_in_dim3A_347 : vector<1xf32> to vector<16xf32>
          %add3A_349 = arith.constant 11 : i32
          %add3A_350 = arith.addi %mul3A_73, %add3A_349 : i32
          %get3A_351 = arith.index_cast %add3A_350 : i32 to index
          %get3A_352 = arith.constant 0 : index
          %get3A_353 = tpu.vector_load %arg16[%get3A_351, %get3A_352] {strides = array<i32>} : memref<128x32xf32, #tpu.memory_space<vmem>>, vector<1x16xf32>,
          %get3A_354 = vector.shape_cast %get3A_353 : vector<1x16xf32> to vector<16xf32>
          %mul3A_355 = arith.mulf %get3A_354, %broadcast_in_dim3A_348 : vector<16xf32>
          %swap3A_356 = arith.index_cast %add3A_350 : i32 to index
          %swap3A_357 = arith.constant 0 : index
          %swap3A_358 = tpu.vector_load %arg16[%swap3A_356, %swap3A_357] {strides = array<i32>} : memref<128x32xf32, #tpu.memory_space<vmem>>, vector<1x16xf32>,
          %swap3A_359 = vector.shape_cast %swap3A_358 : vector<1x16xf32> to vector<16xf32>
          %swap3A_360 = vector.shape_cast %mul3A_355 : vector<16xf32> to vector<1x16xf32>
          tpu.vector_store %arg16[%swap3A_356, %swap3A_357], %swap3A_360 {strides = array<i32>} : memref<128x32xf32, #tpu.memory_space<vmem>>, vector<1x16xf32>,
          %get3A_361 = arith.index_cast %add3A_350 : i32 to index
          %get3A_362 = arith.constant 16 : index
          %get3A_363 = tpu.vector_load %arg16[%get3A_361, %get3A_362] {strides = array<i32>} : memref<128x32xf32, #tpu.memory_space<vmem>>, vector<1x16xf32>,
          %get3A_364 = vector.shape_cast %get3A_363 : vector<1x16xf32> to vector<16xf32>
          %mul3A_365 = arith.mulf %get3A_364, %broadcast_in_dim3A_348 : vector<16xf32>
          %swap3A_366 = arith.index_cast %add3A_350 : i32 to index
          %swap3A_367 = arith.constant 16 : index
          %swap3A_368 = tpu.vector_load %arg16[%swap3A_366, %swap3A_367] {strides = array<i32>} : memref<128x32xf32, #tpu.memory_space<vmem>>, vector<1x16xf32>,
          %swap3A_369 = vector.shape_cast %swap3A_368 : vector<1x16xf32> to vector<16xf32>
          %swap3A_370 = vector.shape_cast %mul3A_365 : vector<16xf32> to vector<1x16xf32>
          tpu.vector_store %arg16[%swap3A_366, %swap3A_367], %swap3A_370 {strides = array<i32>} : memref<128x32xf32, #tpu.memory_space<vmem>>, vector<1x16xf32>,
          %slice3A_371 = vector.extract_strided_slice %get3A_71 {offsets = [12], sizes = [1], strides = [1]} : vector<16xf32> to vector<1xf32>
          %broadcast_in_dim3A_372 = vector.shape_cast %slice3A_371 : vector<1xf32> to vector<1xf32>
          %broadcast_in_dim3A_373 = vector.broadcast %broadcast_in_dim3A_372 : vector<1xf32> to vector<16xf32>
          %add3A_374 = arith.constant 12 : i32
          %add3A_375 = arith.addi %mul3A_73, %add3A_374 : i32
          %get3A_376 = arith.index_cast %add3A_375 : i32 to index
          %get3A_377 = arith.constant 0 : index
          %get3A_378 = tpu.vector_load %arg16[%get3A_376, %get3A_377] {strides = array<i32>} : memref<128x32xf32, #tpu.memory_space<vmem>>, vector<1x16xf32>,
          %get3A_379 = vector.shape_cast %get3A_378 : vector<1x16xf32> to vector<16xf32>
          %mul3A_380 = arith.mulf %get3A_379, %broadcast_in_dim3A_373 : vector<16xf32>
          %swap3A_381 = arith.index_cast %add3A_375 : i32 to index
          %swap3A_382 = arith.constant 0 : index
          %swap3A_383 = tpu.vector_load %arg16[%swap3A_381, %swap3A_382] {strides = array<i32>} : memref<128x32xf32, #tpu.memory_space<vmem>>, vector<1x16xf32>,
          %swap3A_384 = vector.shape_cast %swap3A_383 : vector<1x16xf32> to vector<16xf32>
          %swap3A_385 = vector.shape_cast %mul3A_380 : vector<16xf32> to vector<1x16xf32>
          tpu.vector_store %arg16[%swap3A_381, %swap3A_382], %swap3A_385 {strides = array<i32>} : memref<128x32xf32, #tpu.memory_space<vmem>>, vector<1x16xf32>,
          %get3A_386 = arith.index_cast %add3A_375 : i32 to index
          %get3A_387 = arith.constant 16 : index
          %get3A_388 = tpu.vector_load %arg16[%get3A_386, %get3A_387] {strides = array<i32>} : memref<128x32xf32, #tpu.memory_space<vmem>>, vector<1x16xf32>,
          %get3A_389 = vector.shape_cast %get3A_388 : vector<1x16xf32> to vector<16xf32>
          %mul3A_390 = arith.mulf %get3A_389, %broadcast_in_dim3A_373 : vector<16xf32>
          %swap3A_391 = arith.index_cast %add3A_375 : i32 to index
          %swap3A_392 = arith.constant 16 : index
          %swap3A_393 = tpu.vector_load %arg16[%swap3A_391, %swap3A_392] {strides = array<i32>} : memref<128x32xf32, #tpu.memory_space<vmem>>, vector<1x16xf32>,
          %swap3A_394 = vector.shape_cast %swap3A_393 : vector<1x16xf32> to vector<16xf32>
          %swap3A_395 = vector.shape_cast %mul3A_390 : vector<16xf32> to vector<1x16xf32>
          tpu.vector_store %arg16[%swap3A_391, %swap3A_392], %swap3A_395 {strides = array<i32>} : memref<128x32xf32, #tpu.memory_space<vmem>>, vector<1x16xf32>,
          %slice3A_396 = vector.extract_strided_slice %get3A_71 {offsets = [13], sizes = [1], strides = [1]} : vector<16xf32> to vector<1xf32>
          %broadcast_in_dim3A_397 = vector.shape_cast %slice3A_396 : vector<1xf32> to vector<1xf32>
          %broadcast_in_dim3A_398 = vector.broadcast %broadcast_in_dim3A_397 : vector<1xf32> to vector<16xf32>
          %add3A_399 = arith.constant 13 : i32
          %add3A_400 = arith.addi %mul3A_73, %add3A_399 : i32
          %get3A_401 = arith.index_cast %add3A_400 : i32 to index
          %get3A_402 = arith.constant 0 : index
          %get3A_403 = tpu.vector_load %arg16[%get3A_401, %get3A_402] {strides = array<i32>} : memref<128x32xf32, #tpu.memory_space<vmem>>, vector<1x16xf32>,
          %get3A_404 = vector.shape_cast %get3A_403 : vector<1x16xf32> to vector<16xf32>
          %mul3A_405 = arith.mulf %get3A_404, %broadcast_in_dim3A_398 : vector<16xf32>
          %swap3A_406 = arith.index_cast %add3A_400 : i32 to index
          %swap3A_407 = arith.constant 0 : index
          %swap3A_408 = tpu.vector_load %arg16[%swap3A_406, %swap3A_407] {strides = array<i32>} : memref<128x32xf32, #tpu.memory_space<vmem>>, vector<1x16xf32>,
          %swap3A_409 = vector.shape_cast %swap3A_408 : vector<1x16xf32> to vector<16xf32>
          %swap3A_410 = vector.shape_cast %mul3A_405 : vector<16xf32> to vector<1x16xf32>
          tpu.vector_store %arg16[%swap3A_406, %swap3A_407], %swap3A_410 {strides = array<i32>} : memref<128x32xf32, #tpu.memory_space<vmem>>, vector<1x16xf32>,
          %get3A_411 = arith.index_cast %add3A_400 : i32 to index
          %get3A_412 = arith.constant 16 : index
          %get3A_413 = tpu.vector_load %arg16[%get3A_411, %get3A_412] {strides = array<i32>} : memref<128x32xf32, #tpu.memory_space<vmem>>, vector<1x16xf32>,
          %get3A_414 = vector.shape_cast %get3A_413 : vector<1x16xf32> to vector<16xf32>
          %mul3A_415 = arith.mulf %get3A_414, %broadcast_in_dim3A_398 : vector<16xf32>
          %swap3A_416 = arith.index_cast %add3A_400 : i32 to index
          %swap3A_417 = arith.constant 16 : index
          %swap3A_418 = tpu.vector_load %arg16[%swap3A_416, %swap3A_417] {strides = array<i32>} : memref<128x32xf32, #tpu.memory_space<vmem>>, vector<1x16xf32>,
          %swap3A_419 = vector.shape_cast %swap3A_418 : vector<1x16xf32> to vector<16xf32>
          %swap3A_420 = vector.shape_cast %mul3A_415 : vector<16xf32> to vector<1x16xf32>
          tpu.vector_store %arg16[%swap3A_416, %swap3A_417], %swap3A_420 {strides = array<i32>} : memref<128x32xf32, #tpu.memory_space<vmem>>, vector<1x16xf32>,
          %slice3A_421 = vector.extract_strided_slice %get3A_71 {offsets = [14], sizes = [1], strides = [1]} : vector<16xf32> to vector<1xf32>
          %broadcast_in_dim3A_422 = vector.shape_cast %slice3A_421 : vector<1xf32> to vector<1xf32>
          %broadcast_in_dim3A_423 = vector.broadcast %broadcast_in_dim3A_422 : vector<1xf32> to vector<16xf32>
          %add3A_424 = arith.constant 14 : i32
          %add3A_425 = arith.addi %mul3A_73, %add3A_424 : i32
          %get3A_426 = arith.index_cast %add3A_425 : i32 to index
          %get3A_427 = arith.constant 0 : index
          %get3A_428 = tpu.vector_load %arg16[%get3A_426, %get3A_427] {strides = array<i32>} : memref<128x32xf32, #tpu.memory_space<vmem>>, vector<1x16xf32>,
          %get3A_429 = vector.shape_cast %get3A_428 : vector<1x16xf32> to vector<16xf32>
          %mul3A_430 = arith.mulf %get3A_429, %broadcast_in_dim3A_423 : vector<16xf32>
          %swap3A_431 = arith.index_cast %add3A_425 : i32 to index
          %swap3A_432 = arith.constant 0 : index
          %swap3A_433 = tpu.vector_load %arg16[%swap3A_431, %swap3A_432] {strides = array<i32>} : memref<128x32xf32, #tpu.memory_space<vmem>>, vector<1x16xf32>,
          %swap3A_434 = vector.shape_cast %swap3A_433 : vector<1x16xf32> to vector<16xf32>
          %swap3A_435 = vector.shape_cast %mul3A_430 : vector<16xf32> to vector<1x16xf32>
          tpu.vector_store %arg16[%swap3A_431, %swap3A_432], %swap3A_435 {strides = array<i32>} : memref<128x32xf32, #tpu.memory_space<vmem>>, vector<1x16xf32>,
          %get3A_436 = arith.index_cast %add3A_425 : i32 to index
          %get3A_437 = arith.constant 16 : index
          %get3A_438 = tpu.vector_load %arg16[%get3A_436, %get3A_437] {strides = array<i32>} : memref<128x32xf32, #tpu.memory_space<vmem>>, vector<1x16xf32>,
          %get3A_439 = vector.shape_cast %get3A_438 : vector<1x16xf32> to vector<16xf32>
          %mul3A_440 = arith.mulf %get3A_439, %broadcast_in_dim3A_423 : vector<16xf32>
          %swap3A_441 = arith.index_cast %add3A_425 : i32 to index
          %swap3A_442 = arith.constant 16 : index
          %swap3A_443 = tpu.vector_load %arg16[%swap3A_441, %swap3A_442] {strides = array<i32>} : memref<128x32xf32, #tpu.memory_space<vmem>>, vector<1x16xf32>,
          %swap3A_444 = vector.shape_cast %swap3A_443 : vector<1x16xf32> to vector<16xf32>
          %swap3A_445 = vector.shape_cast %mul3A_440 : vector<16xf32> to vector<1x16xf32>
          tpu.vector_store %arg16[%swap3A_441, %swap3A_442], %swap3A_445 {strides = array<i32>} : memref<128x32xf32, #tpu.memory_space<vmem>>, vector<1x16xf32>,
          %slice3A_446 = vector.extract_strided_slice %get3A_71 {offsets = [15], sizes = [1], strides = [1]} : vector<16xf32> to vector<1xf32>
          %broadcast_in_dim3A_447 = vector.shape_cast %slice3A_446 : vector<1xf32> to vector<1xf32>
          %broadcast_in_dim3A_448 = vector.broadcast %broadcast_in_dim3A_447 : vector<1xf32> to vector<16xf32>
          %add3A_449 = arith.constant 15 : i32
          %add3A_450 = arith.addi %mul3A_73, %add3A_449 : i32
          %get3A_451 = arith.index_cast %add3A_450 : i32 to index
          %get3A_452 = arith.constant 0 : index
          %get3A_453 = tpu.vector_load %arg16[%get3A_451, %get3A_452] {strides = array<i32>} : memref<128x32xf32, #tpu.memory_space<vmem>>, vector<1x16xf32>,
          %get3A_454 = vector.shape_cast %get3A_453 : vector<1x16xf32> to vector<16xf32>
          %mul3A_455 = arith.mulf %get3A_454, %broadcast_in_dim3A_448 : vector<16xf32>
          %swap3A_456 = arith.index_cast %add3A_450 : i32 to index
          %swap3A_457 = arith.constant 0 : index
          %swap3A_458 = tpu.vector_load %arg16[%swap3A_456, %swap3A_457] {strides = array<i32>} : memref<128x32xf32, #tpu.memory_space<vmem>>, vector<1x16xf32>,
          %swap3A_459 = vector.shape_cast %swap3A_458 : vector<1x16xf32> to vector<16xf32>
          %swap3A_460 = vector.shape_cast %mul3A_455 : vector<16xf32> to vector<1x16xf32>
          tpu.vector_store %arg16[%swap3A_456, %swap3A_457], %swap3A_460 {strides = array<i32>} : memref<128x32xf32, #tpu.memory_space<vmem>>, vector<1x16xf32>,
          %get3A_461 = arith.index_cast %add3A_450 : i32 to index
          %get3A_462 = arith.constant 16 : index
          %get3A_463 = tpu.vector_load %arg16[%get3A_461, %get3A_462] {strides = array<i32>} : memref<128x32xf32, #tpu.memory_space<vmem>>, vector<1x16xf32>,
          %get3A_464 = vector.shape_cast %get3A_463 : vector<1x16xf32> to vector<16xf32>
          %mul3A_465 = arith.mulf %get3A_464, %broadcast_in_dim3A_448 : vector<16xf32>
          %swap3A_466 = arith.index_cast %add3A_450 : i32 to index
          %swap3A_467 = arith.constant 16 : index
          %swap3A_468 = tpu.vector_load %arg16[%swap3A_466, %swap3A_467] {strides = array<i32>} : memref<128x32xf32, #tpu.memory_space<vmem>>, vector<1x16xf32>,
          %swap3A_469 = vector.shape_cast %swap3A_468 : vector<1x16xf32> to vector<16xf32>
          %swap3A_470 = vector.shape_cast %mul3A_465 : vector<16xf32> to vector<1x16xf32>
          tpu.vector_store %arg16[%swap3A_466, %swap3A_467], %swap3A_470 {strides = array<i32>} : memref<128x32xf32, #tpu.memory_space<vmem>>, vector<1x16xf32>,
        }
        %scan3A_66 = arith.constant 8 : i32
        "tpu.region"() ({
          %run_scoped3A = tpu.sem_alloc : memref<!tpu.dma_semaphore, #tpu.memory_space<semaphore_mem>>
          %dma_start3A_67 = arith.constant 0 : i32
          %dma_start3A_68 = arith.constant 0 : i32
          %dma_start3A_69 = tpu.memref_slice %arg12[%dma_start3A_67, %dma_start3A_68] : memref<50000x32xf32, #tpu.memory_space<vmem_shared>> -> memref<50000x32xf32, #tpu.memory_space<vmem_shared>>
          tpu.enqueue_indirect_dma source(%arg16 : memref<128x32xf32, #tpu.memory_space<vmem>>) target(%dma_start3A_69 : memref<50000x32xf32, #tpu.memory_space<vmem_shared>>) offsets(%arg13 : memref<128xi32, #tpu.memory_space<vmem>>) semaphore(%run_scoped3A : memref<!tpu.dma_semaphore, #tpu.memory_space<semaphore_mem>>) {add = true}
          %dma_wait3A_70 = arith.constant 0 : i32
          %dma_wait3A_71 = arith.constant 0 : i32
          %dma_wait3A_72 = tpu.memref_slice %arg12[%dma_wait3A_70, %dma_wait3A_71] : memref<50000x32xf32, #tpu.memory_space<vmem_shared>> -> memref<50000x32xf32, #tpu.memory_space<vmem_shared>>
          tpu.wait_indirect_dma semaphore(%run_scoped3A : memref<!tpu.dma_semaphore, #tpu.memory_space<semaphore_mem>>) src(%arg16 : memref<128x32xf32, #tpu.memory_space<vmem>>) dst(%dma_wait3A_72 : memref<50000x32xf32, #tpu.memory_space<vmem_shared>>)
          tpu.yield
        }) : () -> ()
      }
      %scan3A_23 = arith.constant 391 : i32
      %barrier3A_24 = arith.constant 0 : index
      tpu.barrier barrier_id(%barrier3A_24)
      %scan3A_25 = arith.constant 0 : i32
      %scan3A_26 = arith.constant 0 : i32
      %scan3A_27 = arith.constant 8 : i32
      %scan3A_28 = arith.addi %scan3A_26, %scan3A_27 : i32
      %scan3A_29 = arith.constant 1 : i32
      scf.for %scan3A_53 = %scan3A_26 to %scan3A_28 step %scan3A_29  : i32 {
        %mul3A = arith.constant 16 : i32
        %mul3A_54 = arith.muli %scan3A_53, %mul3A : i32
        %add3A = arith.addi %arg1, %mul3A_54 : i32
        %lt3A = arith.constant 125 : i32
        %lt3A_55 = arith.cmpi slt, %add3A, %lt3A : i32
        %convert_element_type3A_56 = arith.extui %lt3A_55 : i1 to i32
        %cond3A_57 = arith.constant 0 : i32
        %cond3A_58 = arith.cmpi ne, %convert_element_type3A_56, %cond3A_57 : i32
        scf.if %cond3A_58 {
          %mul3A_59 = arith.constant 400 : i32
          %mul3A_60 = arith.muli %add3A, %mul3A_59 : i32
          "tpu.region"() ({
            %run_scoped3A = tpu.sem_alloc : memref<!tpu.dma_semaphore, #tpu.memory_space<semaphore_mem>>
            %dma_start3A = arith.constant 0 : i32
            %dma_start3A_61 = tpu.memref_slice %arg10[%arg0, %mul3A_60, %dma_start3A] : memref<2x50000x32xf32, #tpu.memory_space<hbm>> -> memref<1x400x32xf32, #tpu.memory_space<hbm>>
            %dma_start3A_62 = tpu.memref_squeeze %dma_start3A_61 : memref<1x400x32xf32, #tpu.memory_space<hbm>> -> memref<400x32xf32, #tpu.memory_space<hbm>>
            %dma_start3A_63 = arith.constant 0 : i32
            %dma_start3A_64 = tpu.memref_slice %arg12[%mul3A_60, %dma_start3A_63] : memref<50000x32xf32, #tpu.memory_space<vmem_shared>> -> memref<400x32xf32, #tpu.memory_space<vmem_shared>>
            tpu.enqueue_dma source(%dma_start3A_64 : memref<400x32xf32, #tpu.memory_space<vmem_shared>>) target(%dma_start3A_62 : memref<400x32xf32, #tpu.memory_space<hbm>>) target_semaphore(%run_scoped3A : memref<!tpu.dma_semaphore, #tpu.memory_space<semaphore_mem>>)
            %dma_wait3A = arith.constant 0 : i32
            %dma_wait3A_65 = tpu.memref_slice %arg10[%arg0, %mul3A_60, %dma_wait3A] : memref<2x50000x32xf32, #tpu.memory_space<hbm>> -> memref<1x400x32xf32, #tpu.memory_space<hbm>>
            %dma_wait3A_66 = tpu.memref_squeeze %dma_wait3A_65 : memref<1x400x32xf32, #tpu.memory_space<hbm>> -> memref<400x32xf32, #tpu.memory_space<hbm>>
            %dma_wait3A_67 = arith.constant 0 : i32
            %dma_wait3A_68 = tpu.memref_slice %arg12[%mul3A_60, %dma_wait3A_67] : memref<50000x32xf32, #tpu.memory_space<vmem_shared>> -> memref<400x32xf32, #tpu.memory_space<vmem_shared>>
            tpu.wait_dma2 semaphore(%run_scoped3A : memref<!tpu.dma_semaphore, #tpu.memory_space<semaphore_mem>>) src(%dma_wait3A_68 : memref<400x32xf32, #tpu.memory_space<vmem_shared>>) dst(%dma_wait3A_66 : memref<400x32xf32, #tpu.memory_space<hbm>>)
            tpu.yield
          }) : () -> ()
        } else {
        }
      }
      %scan3A_30 = arith.constant 8 : i32
      %barrier3A_31 = arith.constant 0 : index
      tpu.barrier barrier_id(%barrier3A_31)
      %scan3A_32 = arith.constant 0 : i32
      %scan3A_33 = arith.constant 0 : i32
      %scan3A_34 = arith.constant 8 : i32
      %scan3A_35 = arith.addi %scan3A_33, %scan3A_34 : i32
      %scan3A_36 = arith.constant 1 : i32
      scf.for %scan3A_53 = %scan3A_33 to %scan3A_35 step %scan3A_36  : i32 {
        %mul3A = arith.constant 16 : i32
        %mul3A_54 = arith.muli %scan3A_53, %mul3A : i32
        %add3A = arith.addi %arg1, %mul3A_54 : i32
        %lt3A = arith.constant 125 : i32
        %lt3A_55 = arith.cmpi slt, %add3A, %lt3A : i32
        %convert_element_type3A_56 = arith.extui %lt3A_55 : i1 to i32
        %cond3A_57 = arith.constant 0 : i32
        %cond3A_58 = arith.cmpi ne, %convert_element_type3A_56, %cond3A_57 : i32
        scf.if %cond3A_58 {
          %mul3A_59 = arith.constant 400 : i32
          %mul3A_60 = arith.muli %add3A, %mul3A_59 : i32
          "tpu.region"() ({
            %run_scoped3A = tpu.sem_alloc : memref<!tpu.dma_semaphore, #tpu.memory_space<semaphore_mem>>
            %dma_start3A = arith.constant 0 : i32
            %dma_start3A_61 = tpu.memref_slice %arg12[%mul3A_60, %dma_start3A] : memref<50000x32xf32, #tpu.memory_space<vmem_shared>> -> memref<400x32xf32, #tpu.memory_space<vmem_shared>>
            %dma_start3A_62 = arith.constant 0 : i32
            %dma_start3A_63 = tpu.memref_slice %arg12[%mul3A_60, %dma_start3A_62] : memref<50000x32xf32, #tpu.memory_space<vmem_shared>> -> memref<400x32xf32, #tpu.memory_space<vmem_shared>>
            tpu.enqueue_dma source(%arg17 : memref<400x32xf32, #tpu.memory_space<vmem>>) target(%dma_start3A_63 : memref<400x32xf32, #tpu.memory_space<vmem_shared>>) target_semaphore(%run_scoped3A : memref<!tpu.dma_semaphore, #tpu.memory_space<semaphore_mem>>)
            %dma_wait3A = arith.constant 0 : i32
            %dma_wait3A_64 = tpu.memref_slice %arg12[%mul3A_60, %dma_wait3A] : memref<50000x32xf32, #tpu.memory_space<vmem_shared>> -> memref<400x32xf32, #tpu.memory_space<vmem_shared>>
            %dma_wait3A_65 = arith.constant 0 : i32
            %dma_wait3A_66 = tpu.memref_slice %arg12[%mul3A_60, %dma_wait3A_65] : memref<50000x32xf32, #tpu.memory_space<vmem_shared>> -> memref<400x32xf32, #tpu.memory_space<vmem_shared>>
            tpu.wait_dma2 semaphore(%run_scoped3A : memref<!tpu.dma_semaphore, #tpu.memory_space<semaphore_mem>>) src(%arg17 : memref<400x32xf32, #tpu.memory_space<vmem>>) dst(%dma_wait3A_66 : memref<400x32xf32, #tpu.memory_space<vmem_shared>>)
            tpu.yield
          }) : () -> ()
        } else {
        }
      }
      %scan3A_37 = arith.constant 8 : i32
      %barrier3A_38 = arith.constant 0 : index
      tpu.barrier barrier_id(%barrier3A_38)
      %scan3A_39 = arith.constant 0 : i32
      %scan3A_40 = arith.constant 0 : i32
      %scan3A_41 = arith.constant 391 : i32
      %scan3A_42 = arith.addi %scan3A_40, %scan3A_41 : i32
      %scan3A_43 = arith.constant 1 : i32
      scf.for %scan3A_53 = %scan3A_40 to %scan3A_42 step %scan3A_43  : i32 {
        %mul3A = arith.constant 50048 : i32
        %mul3A_54 = arith.muli %arg1, %mul3A : i32
        %mul3A_55 = arith.constant 128 : i32
        %mul3A_56 = arith.muli %scan3A_53, %mul3A_55 : i32
        %add3A = arith.addi %mul3A_54, %mul3A_56 : i32
        "tpu.region"() ({
          %run_scoped3A = tpu.sem_alloc : memref<!tpu.dma_semaphore, #tpu.memory_space<semaphore_mem>>
          %dma_start3A_67 = tpu.memref_slice %arg8[%add3A] : memref<800768xi32, #tpu.memory_space<hbm>> -> memref<128xi32, #tpu.memory_space<hbm>>
          %dma_start3A_68 = tpu.memref_slice %arg8[%add3A] : memref<800768xi32, #tpu.memory_space<hbm>> -> memref<128xi32, #tpu.memory_space<hbm>>
          tpu.enqueue_dma source(%dma_start3A_68 : memref<128xi32, #tpu.memory_space<hbm>>) target(%arg14 : memref<128xi32, #tpu.memory_space<vmem>>) target_semaphore(%run_scoped3A : memref<!tpu.dma_semaphore, #tpu.memory_space<semaphore_mem>>)
          %dma_wait3A_69 = tpu.memref_slice %arg8[%add3A] : memref<800768xi32, #tpu.memory_space<hbm>> -> memref<128xi32, #tpu.memory_space<hbm>>
          %dma_wait3A_70 = tpu.memref_slice %arg8[%add3A] : memref<800768xi32, #tpu.memory_space<hbm>> -> memref<128xi32, #tpu.memory_space<hbm>>
          tpu.wait_dma2 semaphore(%run_scoped3A : memref<!tpu.dma_semaphore, #tpu.memory_space<semaphore_mem>>) src(%dma_wait3A_70 : memref<128xi32, #tpu.memory_space<hbm>>) dst(%arg14 : memref<128xi32, #tpu.memory_space<vmem>>)
          tpu.yield
        }) : () -> ()
        "tpu.region"() ({
          %run_scoped3A = tpu.sem_alloc : memref<!tpu.dma_semaphore, #tpu.memory_space<semaphore_mem>>
          %dma_start3A_67 = tpu.memref_slice %arg7[%add3A] : memref<800768xi32, #tpu.memory_space<hbm>> -> memref<128xi32, #tpu.memory_space<hbm>>
          %dma_start3A_68 = tpu.memref_slice %arg7[%add3A] : memref<800768xi32, #tpu.memory_space<hbm>> -> memref<128xi32, #tpu.memory_space<hbm>>
          tpu.enqueue_dma source(%dma_start3A_68 : memref<128xi32, #tpu.memory_space<hbm>>) target(%arg13 : memref<128xi32, #tpu.memory_space<vmem>>) target_semaphore(%run_scoped3A : memref<!tpu.dma_semaphore, #tpu.memory_space<semaphore_mem>>)
          %dma_wait3A_69 = tpu.memref_slice %arg7[%add3A] : memref<800768xi32, #tpu.memory_space<hbm>> -> memref<128xi32, #tpu.memory_space<hbm>>
          %dma_wait3A_70 = tpu.memref_slice %arg7[%add3A] : memref<800768xi32, #tpu.memory_space<hbm>> -> memref<128xi32, #tpu.memory_space<hbm>>
          tpu.wait_dma2 semaphore(%run_scoped3A : memref<!tpu.dma_semaphore, #tpu.memory_space<semaphore_mem>>) src(%dma_wait3A_70 : memref<128xi32, #tpu.memory_space<hbm>>) dst(%arg13 : memref<128xi32, #tpu.memory_space<vmem>>)
          tpu.yield
        }) : () -> ()
        "tpu.region"() ({
          %run_scoped3A = tpu.sem_alloc : memref<!tpu.dma_semaphore, #tpu.memory_space<semaphore_mem>>
          %dma_start3A_67 = tpu.memref_slice %arg9[%add3A] : memref<800768xf32, #tpu.memory_space<hbm>> -> memref<128xf32, #tpu.memory_space<hbm>>
          %dma_start3A_68 = tpu.memref_slice %arg9[%add3A] : memref<800768xf32, #tpu.memory_space<hbm>> -> memref<128xf32, #tpu.memory_space<hbm>>
          tpu.enqueue_dma source(%dma_start3A_68 : memref<128xf32, #tpu.memory_space<hbm>>) target(%arg15 : memref<128xf32, #tpu.memory_space<vmem>>) target_semaphore(%run_scoped3A : memref<!tpu.dma_semaphore, #tpu.memory_space<semaphore_mem>>)
          %dma_wait3A_69 = tpu.memref_slice %arg9[%add3A] : memref<800768xf32, #tpu.memory_space<hbm>> -> memref<128xf32, #tpu.memory_space<hbm>>
          %dma_wait3A_70 = tpu.memref_slice %arg9[%add3A] : memref<800768xf32, #tpu.memory_space<hbm>> -> memref<128xf32, #tpu.memory_space<hbm>>
          tpu.wait_dma2 semaphore(%run_scoped3A : memref<!tpu.dma_semaphore, #tpu.memory_space<semaphore_mem>>) src(%dma_wait3A_70 : memref<128xf32, #tpu.memory_space<hbm>>) dst(%arg15 : memref<128xf32, #tpu.memory_space<vmem>>)
          tpu.yield
        }) : () -> ()
        %dma_start3A = arith.constant 0 : i32
        %dma_start3A_57 = arith.constant 0 : i32
        %dma_start3A_58 = tpu.memref_slice %arg3[%dma_start3A, %dma_start3A_57] : memref<50000x32xf32, #tpu.memory_space<hbm>> -> memref<50000x32xf32, #tpu.memory_space<hbm>>
        tpu.enqueue_indirect_dma source(%dma_start3A_58 : memref<50000x32xf32, #tpu.memory_space<hbm>>) target(%arg16 : memref<128x32xf32, #tpu.memory_space<vmem>>) offsets(%arg14 : memref<128xi32, #tpu.memory_space<vmem>>) semaphore(%arg18 : memref<!tpu.dma_semaphore, #tpu.memory_space<semaphore_mem>>)
        %dma_wait3A = arith.constant 0 : i32
        %dma_wait3A_59 = arith.constant 0 : i32
        %dma_wait3A_60 = tpu.memref_slice %arg3[%dma_wait3A, %dma_wait3A_59] : memref<50000x32xf32, #tpu.memory_space<hbm>> -> memref<50000x32xf32, #tpu.memory_space<hbm>>
        tpu.wait_indirect_dma semaphore(%arg18 : memref<!tpu.dma_semaphore, #tpu.memory_space<semaphore_mem>>) src(%dma_wait3A_60 : memref<50000x32xf32, #tpu.memory_space<hbm>>) dst(%arg16 : memref<128x32xf32, #tpu.memory_space<vmem>>)
        %scan3A_61 = arith.constant 0 : i32
        %scan3A_62 = arith.constant 0 : i32
        %scan3A_63 = arith.constant 8 : i32
        %scan3A_64 = arith.addi %scan3A_62, %scan3A_63 : i32
        %scan3A_65 = arith.constant 1 : i32
        scf.for %scan3A_67 = %scan3A_62 to %scan3A_64 step %scan3A_65  : i32 {
          %mul3A_68 = arith.constant 16 : i32
          %mul3A_69 = arith.muli %scan3A_67, %mul3A_68 : i32
          %get3A = arith.index_cast %mul3A_69 : i32 to index
          %get3A_70 = tpu.vector_load %arg15[%get3A] {strides = array<i32>} : memref<128xf32, #tpu.memory_space<vmem>>, vector<16xf32>,
          %get3A_71 = vector.shape_cast %get3A_70 : vector<16xf32> to vector<16xf32>
          %mul3A_72 = arith.constant 16 : i32
          %mul3A_73 = arith.muli %scan3A_67, %mul3A_72 : i32
          %slice3A = vector.extract_strided_slice %get3A_71 {offsets = [0], sizes = [1], strides = [1]} : vector<16xf32> to vector<1xf32>
          %broadcast_in_dim3A = vector.shape_cast %slice3A : vector<1xf32> to vector<1xf32>
          %broadcast_in_dim3A_74 = vector.broadcast %broadcast_in_dim3A : vector<1xf32> to vector<16xf32>
          %add3A_75 = arith.constant 0 : i32
          %add3A_76 = arith.addi %mul3A_73, %add3A_75 : i32
          %get3A_77 = arith.index_cast %add3A_76 : i32 to index
          %get3A_78 = arith.constant 0 : index
          %get3A_79 = tpu.vector_load %arg16[%get3A_77, %get3A_78] {strides = array<i32>} : memref<128x32xf32, #tpu.memory_space<vmem>>, vector<1x16xf32>,
          %get3A_80 = vector.shape_cast %get3A_79 : vector<1x16xf32> to vector<16xf32>
          %mul3A_81 = arith.mulf %get3A_80, %broadcast_in_dim3A_74 : vector<16xf32>
          %swap3A = arith.index_cast %add3A_76 : i32 to index
          %swap3A_82 = arith.constant 0 : index
          %swap3A_83 = tpu.vector_load %arg16[%swap3A, %swap3A_82] {strides = array<i32>} : memref<128x32xf32, #tpu.memory_space<vmem>>, vector<1x16xf32>,
          %swap3A_84 = vector.shape_cast %swap3A_83 : vector<1x16xf32> to vector<16xf32>
          %swap3A_85 = vector.shape_cast %mul3A_81 : vector<16xf32> to vector<1x16xf32>
          tpu.vector_store %arg16[%swap3A, %swap3A_82], %swap3A_85 {strides = array<i32>} : memref<128x32xf32, #tpu.memory_space<vmem>>, vector<1x16xf32>,
          %get3A_86 = arith.index_cast %add3A_76 : i32 to index
          %get3A_87 = arith.constant 16 : index
          %get3A_88 = tpu.vector_load %arg16[%get3A_86, %get3A_87] {strides = array<i32>} : memref<128x32xf32, #tpu.memory_space<vmem>>, vector<1x16xf32>,
          %get3A_89 = vector.shape_cast %get3A_88 : vector<1x16xf32> to vector<16xf32>
          %mul3A_90 = arith.mulf %get3A_89, %broadcast_in_dim3A_74 : vector<16xf32>
          %swap3A_91 = arith.index_cast %add3A_76 : i32 to index
          %swap3A_92 = arith.constant 16 : index
          %swap3A_93 = tpu.vector_load %arg16[%swap3A_91, %swap3A_92] {strides = array<i32>} : memref<128x32xf32, #tpu.memory_space<vmem>>, vector<1x16xf32>,
          %swap3A_94 = vector.shape_cast %swap3A_93 : vector<1x16xf32> to vector<16xf32>
          %swap3A_95 = vector.shape_cast %mul3A_90 : vector<16xf32> to vector<1x16xf32>
          tpu.vector_store %arg16[%swap3A_91, %swap3A_92], %swap3A_95 {strides = array<i32>} : memref<128x32xf32, #tpu.memory_space<vmem>>, vector<1x16xf32>,
          %slice3A_96 = vector.extract_strided_slice %get3A_71 {offsets = [1], sizes = [1], strides = [1]} : vector<16xf32> to vector<1xf32>
          %broadcast_in_dim3A_97 = vector.shape_cast %slice3A_96 : vector<1xf32> to vector<1xf32>
          %broadcast_in_dim3A_98 = vector.broadcast %broadcast_in_dim3A_97 : vector<1xf32> to vector<16xf32>
          %add3A_99 = arith.constant 1 : i32
          %add3A_100 = arith.addi %mul3A_73, %add3A_99 : i32
          %get3A_101 = arith.index_cast %add3A_100 : i32 to index
          %get3A_102 = arith.constant 0 : index
          %get3A_103 = tpu.vector_load %arg16[%get3A_101, %get3A_102] {strides = array<i32>} : memref<128x32xf32, #tpu.memory_space<vmem>>, vector<1x16xf32>,
          %get3A_104 = vector.shape_cast %get3A_103 : vector<1x16xf32> to vector<16xf32>
          %mul3A_105 = arith.mulf %get3A_104, %broadcast_in_dim3A_98 : vector<16xf32>
          %swap3A_106 = arith.index_cast %add3A_100 : i32 to index
          %swap3A_107 = arith.constant 0 : index
          %swap3A_108 = tpu.vector_load %arg16[%swap3A_106, %swap3A_107] {strides = array<i32>} : memref<128x32xf32, #tpu.memory_space<vmem>>, vector<1x16xf32>,
          %swap3A_109 = vector.shape_cast %swap3A_108 : vector<1x16xf32> to vector<16xf32>
          %swap3A_110 = vector.shape_cast %mul3A_105 : vector<16xf32> to vector<1x16xf32>
          tpu.vector_store %arg16[%swap3A_106, %swap3A_107], %swap3A_110 {strides = array<i32>} : memref<128x32xf32, #tpu.memory_space<vmem>>, vector<1x16xf32>,
          %get3A_111 = arith.index_cast %add3A_100 : i32 to index
          %get3A_112 = arith.constant 16 : index
          %get3A_113 = tpu.vector_load %arg16[%get3A_111, %get3A_112] {strides = array<i32>} : memref<128x32xf32, #tpu.memory_space<vmem>>, vector<1x16xf32>,
          %get3A_114 = vector.shape_cast %get3A_113 : vector<1x16xf32> to vector<16xf32>
          %mul3A_115 = arith.mulf %get3A_114, %broadcast_in_dim3A_98 : vector<16xf32>
          %swap3A_116 = arith.index_cast %add3A_100 : i32 to index
          %swap3A_117 = arith.constant 16 : index
          %swap3A_118 = tpu.vector_load %arg16[%swap3A_116, %swap3A_117] {strides = array<i32>} : memref<128x32xf32, #tpu.memory_space<vmem>>, vector<1x16xf32>,
          %swap3A_119 = vector.shape_cast %swap3A_118 : vector<1x16xf32> to vector<16xf32>
          %swap3A_120 = vector.shape_cast %mul3A_115 : vector<16xf32> to vector<1x16xf32>
          tpu.vector_store %arg16[%swap3A_116, %swap3A_117], %swap3A_120 {strides = array<i32>} : memref<128x32xf32, #tpu.memory_space<vmem>>, vector<1x16xf32>,
          %slice3A_121 = vector.extract_strided_slice %get3A_71 {offsets = [2], sizes = [1], strides = [1]} : vector<16xf32> to vector<1xf32>
          %broadcast_in_dim3A_122 = vector.shape_cast %slice3A_121 : vector<1xf32> to vector<1xf32>
          %broadcast_in_dim3A_123 = vector.broadcast %broadcast_in_dim3A_122 : vector<1xf32> to vector<16xf32>
          %add3A_124 = arith.constant 2 : i32
          %add3A_125 = arith.addi %mul3A_73, %add3A_124 : i32
          %get3A_126 = arith.index_cast %add3A_125 : i32 to index
          %get3A_127 = arith.constant 0 : index
          %get3A_128 = tpu.vector_load %arg16[%get3A_126, %get3A_127] {strides = array<i32>} : memref<128x32xf32, #tpu.memory_space<vmem>>, vector<1x16xf32>,
          %get3A_129 = vector.shape_cast %get3A_128 : vector<1x16xf32> to vector<16xf32>
          %mul3A_130 = arith.mulf %get3A_129, %broadcast_in_dim3A_123 : vector<16xf32>
          %swap3A_131 = arith.index_cast %add3A_125 : i32 to index
          %swap3A_132 = arith.constant 0 : index
          %swap3A_133 = tpu.vector_load %arg16[%swap3A_131, %swap3A_132] {strides = array<i32>} : memref<128x32xf32, #tpu.memory_space<vmem>>, vector<1x16xf32>,
          %swap3A_134 = vector.shape_cast %swap3A_133 : vector<1x16xf32> to vector<16xf32>
          %swap3A_135 = vector.shape_cast %mul3A_130 : vector<16xf32> to vector<1x16xf32>
          tpu.vector_store %arg16[%swap3A_131, %swap3A_132], %swap3A_135 {strides = array<i32>} : memref<128x32xf32, #tpu.memory_space<vmem>>, vector<1x16xf32>,
          %get3A_136 = arith.index_cast %add3A_125 : i32 to index
          %get3A_137 = arith.constant 16 : index
          %get3A_138 = tpu.vector_load %arg16[%get3A_136, %get3A_137] {strides = array<i32>} : memref<128x32xf32, #tpu.memory_space<vmem>>, vector<1x16xf32>,
          %get3A_139 = vector.shape_cast %get3A_138 : vector<1x16xf32> to vector<16xf32>
          %mul3A_140 = arith.mulf %get3A_139, %broadcast_in_dim3A_123 : vector<16xf32>
          %swap3A_141 = arith.index_cast %add3A_125 : i32 to index
          %swap3A_142 = arith.constant 16 : index
          %swap3A_143 = tpu.vector_load %arg16[%swap3A_141, %swap3A_142] {strides = array<i32>} : memref<128x32xf32, #tpu.memory_space<vmem>>, vector<1x16xf32>,
          %swap3A_144 = vector.shape_cast %swap3A_143 : vector<1x16xf32> to vector<16xf32>
          %swap3A_145 = vector.shape_cast %mul3A_140 : vector<16xf32> to vector<1x16xf32>
          tpu.vector_store %arg16[%swap3A_141, %swap3A_142], %swap3A_145 {strides = array<i32>} : memref<128x32xf32, #tpu.memory_space<vmem>>, vector<1x16xf32>,
          %slice3A_146 = vector.extract_strided_slice %get3A_71 {offsets = [3], sizes = [1], strides = [1]} : vector<16xf32> to vector<1xf32>
          %broadcast_in_dim3A_147 = vector.shape_cast %slice3A_146 : vector<1xf32> to vector<1xf32>
          %broadcast_in_dim3A_148 = vector.broadcast %broadcast_in_dim3A_147 : vector<1xf32> to vector<16xf32>
          %add3A_149 = arith.constant 3 : i32
          %add3A_150 = arith.addi %mul3A_73, %add3A_149 : i32
          %get3A_151 = arith.index_cast %add3A_150 : i32 to index
          %get3A_152 = arith.constant 0 : index
          %get3A_153 = tpu.vector_load %arg16[%get3A_151, %get3A_152] {strides = array<i32>} : memref<128x32xf32, #tpu.memory_space<vmem>>, vector<1x16xf32>,
          %get3A_154 = vector.shape_cast %get3A_153 : vector<1x16xf32> to vector<16xf32>
          %mul3A_155 = arith.mulf %get3A_154, %broadcast_in_dim3A_148 : vector<16xf32>
          %swap3A_156 = arith.index_cast %add3A_150 : i32 to index
          %swap3A_157 = arith.constant 0 : index
          %swap3A_158 = tpu.vector_load %arg16[%swap3A_156, %swap3A_157] {strides = array<i32>} : memref<128x32xf32, #tpu.memory_space<vmem>>, vector<1x16xf32>,
          %swap3A_159 = vector.shape_cast %swap3A_158 : vector<1x16xf32> to vector<16xf32>
          %swap3A_160 = vector.shape_cast %mul3A_155 : vector<16xf32> to vector<1x16xf32>
          tpu.vector_store %arg16[%swap3A_156, %swap3A_157], %swap3A_160 {strides = array<i32>} : memref<128x32xf32, #tpu.memory_space<vmem>>, vector<1x16xf32>,
          %get3A_161 = arith.index_cast %add3A_150 : i32 to index
          %get3A_162 = arith.constant 16 : index
          %get3A_163 = tpu.vector_load %arg16[%get3A_161, %get3A_162] {strides = array<i32>} : memref<128x32xf32, #tpu.memory_space<vmem>>, vector<1x16xf32>,
          %get3A_164 = vector.shape_cast %get3A_163 : vector<1x16xf32> to vector<16xf32>
          %mul3A_165 = arith.mulf %get3A_164, %broadcast_in_dim3A_148 : vector<16xf32>
          %swap3A_166 = arith.index_cast %add3A_150 : i32 to index
          %swap3A_167 = arith.constant 16 : index
          %swap3A_168 = tpu.vector_load %arg16[%swap3A_166, %swap3A_167] {strides = array<i32>} : memref<128x32xf32, #tpu.memory_space<vmem>>, vector<1x16xf32>,
          %swap3A_169 = vector.shape_cast %swap3A_168 : vector<1x16xf32> to vector<16xf32>
          %swap3A_170 = vector.shape_cast %mul3A_165 : vector<16xf32> to vector<1x16xf32>
          tpu.vector_store %arg16[%swap3A_166, %swap3A_167], %swap3A_170 {strides = array<i32>} : memref<128x32xf32, #tpu.memory_space<vmem>>, vector<1x16xf32>,
          %slice3A_171 = vector.extract_strided_slice %get3A_71 {offsets = [4], sizes = [1], strides = [1]} : vector<16xf32> to vector<1xf32>
          %broadcast_in_dim3A_172 = vector.shape_cast %slice3A_171 : vector<1xf32> to vector<1xf32>
          %broadcast_in_dim3A_173 = vector.broadcast %broadcast_in_dim3A_172 : vector<1xf32> to vector<16xf32>
          %add3A_174 = arith.constant 4 : i32
          %add3A_175 = arith.addi %mul3A_73, %add3A_174 : i32
          %get3A_176 = arith.index_cast %add3A_175 : i32 to index
          %get3A_177 = arith.constant 0 : index
          %get3A_178 = tpu.vector_load %arg16[%get3A_176, %get3A_177] {strides = array<i32>} : memref<128x32xf32, #tpu.memory_space<vmem>>, vector<1x16xf32>,
          %get3A_179 = vector.shape_cast %get3A_178 : vector<1x16xf32> to vector<16xf32>
          %mul3A_180 = arith.mulf %get3A_179, %broadcast_in_dim3A_173 : vector<16xf32>
          %swap3A_181 = arith.index_cast %add3A_175 : i32 to index
          %swap3A_182 = arith.constant 0 : index
          %swap3A_183 = tpu.vector_load %arg16[%swap3A_181, %swap3A_182] {strides = array<i32>} : memref<128x32xf32, #tpu.memory_space<vmem>>, vector<1x16xf32>,
          %swap3A_184 = vector.shape_cast %swap3A_183 : vector<1x16xf32> to vector<16xf32>
          %swap3A_185 = vector.shape_cast %mul3A_180 : vector<16xf32> to vector<1x16xf32>
          tpu.vector_store %arg16[%swap3A_181, %swap3A_182], %swap3A_185 {strides = array<i32>} : memref<128x32xf32, #tpu.memory_space<vmem>>, vector<1x16xf32>,
          %get3A_186 = arith.index_cast %add3A_175 : i32 to index
          %get3A_187 = arith.constant 16 : index
          %get3A_188 = tpu.vector_load %arg16[%get3A_186, %get3A_187] {strides = array<i32>} : memref<128x32xf32, #tpu.memory_space<vmem>>, vector<1x16xf32>,
          %get3A_189 = vector.shape_cast %get3A_188 : vector<1x16xf32> to vector<16xf32>
          %mul3A_190 = arith.mulf %get3A_189, %broadcast_in_dim3A_173 : vector<16xf32>
          %swap3A_191 = arith.index_cast %add3A_175 : i32 to index
          %swap3A_192 = arith.constant 16 : index
          %swap3A_193 = tpu.vector_load %arg16[%swap3A_191, %swap3A_192] {strides = array<i32>} : memref<128x32xf32, #tpu.memory_space<vmem>>, vector<1x16xf32>,
          %swap3A_194 = vector.shape_cast %swap3A_193 : vector<1x16xf32> to vector<16xf32>
          %swap3A_195 = vector.shape_cast %mul3A_190 : vector<16xf32> to vector<1x16xf32>
          tpu.vector_store %arg16[%swap3A_191, %swap3A_192], %swap3A_195 {strides = array<i32>} : memref<128x32xf32, #tpu.memory_space<vmem>>, vector<1x16xf32>,
          %slice3A_196 = vector.extract_strided_slice %get3A_71 {offsets = [5], sizes = [1], strides = [1]} : vector<16xf32> to vector<1xf32>
          %broadcast_in_dim3A_197 = vector.shape_cast %slice3A_196 : vector<1xf32> to vector<1xf32>
          %broadcast_in_dim3A_198 = vector.broadcast %broadcast_in_dim3A_197 : vector<1xf32> to vector<16xf32>
          %add3A_199 = arith.constant 5 : i32
          %add3A_200 = arith.addi %mul3A_73, %add3A_199 : i32
          %get3A_201 = arith.index_cast %add3A_200 : i32 to index
          %get3A_202 = arith.constant 0 : index
          %get3A_203 = tpu.vector_load %arg16[%get3A_201, %get3A_202] {strides = array<i32>} : memref<128x32xf32, #tpu.memory_space<vmem>>, vector<1x16xf32>,
          %get3A_204 = vector.shape_cast %get3A_203 : vector<1x16xf32> to vector<16xf32>
          %mul3A_205 = arith.mulf %get3A_204, %broadcast_in_dim3A_198 : vector<16xf32>
          %swap3A_206 = arith.index_cast %add3A_200 : i32 to index
          %swap3A_207 = arith.constant 0 : index
          %swap3A_208 = tpu.vector_load %arg16[%swap3A_206, %swap3A_207] {strides = array<i32>} : memref<128x32xf32, #tpu.memory_space<vmem>>, vector<1x16xf32>,
          %swap3A_209 = vector.shape_cast %swap3A_208 : vector<1x16xf32> to vector<16xf32>
          %swap3A_210 = vector.shape_cast %mul3A_205 : vector<16xf32> to vector<1x16xf32>
          tpu.vector_store %arg16[%swap3A_206, %swap3A_207], %swap3A_210 {strides = array<i32>} : memref<128x32xf32, #tpu.memory_space<vmem>>, vector<1x16xf32>,
          %get3A_211 = arith.index_cast %add3A_200 : i32 to index
          %get3A_212 = arith.constant 16 : index
          %get3A_213 = tpu.vector_load %arg16[%get3A_211, %get3A_212] {strides = array<i32>} : memref<128x32xf32, #tpu.memory_space<vmem>>, vector<1x16xf32>,
          %get3A_214 = vector.shape_cast %get3A_213 : vector<1x16xf32> to vector<16xf32>
          %mul3A_215 = arith.mulf %get3A_214, %broadcast_in_dim3A_198 : vector<16xf32>
          %swap3A_216 = arith.index_cast %add3A_200 : i32 to index
          %swap3A_217 = arith.constant 16 : index
          %swap3A_218 = tpu.vector_load %arg16[%swap3A_216, %swap3A_217] {strides = array<i32>} : memref<128x32xf32, #tpu.memory_space<vmem>>, vector<1x16xf32>,
          %swap3A_219 = vector.shape_cast %swap3A_218 : vector<1x16xf32> to vector<16xf32>
          %swap3A_220 = vector.shape_cast %mul3A_215 : vector<16xf32> to vector<1x16xf32>
          tpu.vector_store %arg16[%swap3A_216, %swap3A_217], %swap3A_220 {strides = array<i32>} : memref<128x32xf32, #tpu.memory_space<vmem>>, vector<1x16xf32>,
          %slice3A_221 = vector.extract_strided_slice %get3A_71 {offsets = [6], sizes = [1], strides = [1]} : vector<16xf32> to vector<1xf32>
          %broadcast_in_dim3A_222 = vector.shape_cast %slice3A_221 : vector<1xf32> to vector<1xf32>
          %broadcast_in_dim3A_223 = vector.broadcast %broadcast_in_dim3A_222 : vector<1xf32> to vector<16xf32>
          %add3A_224 = arith.constant 6 : i32
          %add3A_225 = arith.addi %mul3A_73, %add3A_224 : i32
          %get3A_226 = arith.index_cast %add3A_225 : i32 to index
          %get3A_227 = arith.constant 0 : index
          %get3A_228 = tpu.vector_load %arg16[%get3A_226, %get3A_227] {strides = array<i32>} : memref<128x32xf32, #tpu.memory_space<vmem>>, vector<1x16xf32>,
          %get3A_229 = vector.shape_cast %get3A_228 : vector<1x16xf32> to vector<16xf32>
          %mul3A_230 = arith.mulf %get3A_229, %broadcast_in_dim3A_223 : vector<16xf32>
          %swap3A_231 = arith.index_cast %add3A_225 : i32 to index
          %swap3A_232 = arith.constant 0 : index
          %swap3A_233 = tpu.vector_load %arg16[%swap3A_231, %swap3A_232] {strides = array<i32>} : memref<128x32xf32, #tpu.memory_space<vmem>>, vector<1x16xf32>,
          %swap3A_234 = vector.shape_cast %swap3A_233 : vector<1x16xf32> to vector<16xf32>
          %swap3A_235 = vector.shape_cast %mul3A_230 : vector<16xf32> to vector<1x16xf32>
          tpu.vector_store %arg16[%swap3A_231, %swap3A_232], %swap3A_235 {strides = array<i32>} : memref<128x32xf32, #tpu.memory_space<vmem>>, vector<1x16xf32>,
          %get3A_236 = arith.index_cast %add3A_225 : i32 to index
          %get3A_237 = arith.constant 16 : index
          %get3A_238 = tpu.vector_load %arg16[%get3A_236, %get3A_237] {strides = array<i32>} : memref<128x32xf32, #tpu.memory_space<vmem>>, vector<1x16xf32>,
          %get3A_239 = vector.shape_cast %get3A_238 : vector<1x16xf32> to vector<16xf32>
          %mul3A_240 = arith.mulf %get3A_239, %broadcast_in_dim3A_223 : vector<16xf32>
          %swap3A_241 = arith.index_cast %add3A_225 : i32 to index
          %swap3A_242 = arith.constant 16 : index
          %swap3A_243 = tpu.vector_load %arg16[%swap3A_241, %swap3A_242] {strides = array<i32>} : memref<128x32xf32, #tpu.memory_space<vmem>>, vector<1x16xf32>,
          %swap3A_244 = vector.shape_cast %swap3A_243 : vector<1x16xf32> to vector<16xf32>
          %swap3A_245 = vector.shape_cast %mul3A_240 : vector<16xf32> to vector<1x16xf32>
          tpu.vector_store %arg16[%swap3A_241, %swap3A_242], %swap3A_245 {strides = array<i32>} : memref<128x32xf32, #tpu.memory_space<vmem>>, vector<1x16xf32>,
          %slice3A_246 = vector.extract_strided_slice %get3A_71 {offsets = [7], sizes = [1], strides = [1]} : vector<16xf32> to vector<1xf32>
          %broadcast_in_dim3A_247 = vector.shape_cast %slice3A_246 : vector<1xf32> to vector<1xf32>
          %broadcast_in_dim3A_248 = vector.broadcast %broadcast_in_dim3A_247 : vector<1xf32> to vector<16xf32>
          %add3A_249 = arith.constant 7 : i32
          %add3A_250 = arith.addi %mul3A_73, %add3A_249 : i32
          %get3A_251 = arith.index_cast %add3A_250 : i32 to index
          %get3A_252 = arith.constant 0 : index
          %get3A_253 = tpu.vector_load %arg16[%get3A_251, %get3A_252] {strides = array<i32>} : memref<128x32xf32, #tpu.memory_space<vmem>>, vector<1x16xf32>,
          %get3A_254 = vector.shape_cast %get3A_253 : vector<1x16xf32> to vector<16xf32>
          %mul3A_255 = arith.mulf %get3A_254, %broadcast_in_dim3A_248 : vector<16xf32>
          %swap3A_256 = arith.index_cast %add3A_250 : i32 to index
          %swap3A_257 = arith.constant 0 : index
          %swap3A_258 = tpu.vector_load %arg16[%swap3A_256, %swap3A_257] {strides = array<i32>} : memref<128x32xf32, #tpu.memory_space<vmem>>, vector<1x16xf32>,
          %swap3A_259 = vector.shape_cast %swap3A_258 : vector<1x16xf32> to vector<16xf32>
          %swap3A_260 = vector.shape_cast %mul3A_255 : vector<16xf32> to vector<1x16xf32>
          tpu.vector_store %arg16[%swap3A_256, %swap3A_257], %swap3A_260 {strides = array<i32>} : memref<128x32xf32, #tpu.memory_space<vmem>>, vector<1x16xf32>,
          %get3A_261 = arith.index_cast %add3A_250 : i32 to index
          %get3A_262 = arith.constant 16 : index
          %get3A_263 = tpu.vector_load %arg16[%get3A_261, %get3A_262] {strides = array<i32>} : memref<128x32xf32, #tpu.memory_space<vmem>>, vector<1x16xf32>,
          %get3A_264 = vector.shape_cast %get3A_263 : vector<1x16xf32> to vector<16xf32>
          %mul3A_265 = arith.mulf %get3A_264, %broadcast_in_dim3A_248 : vector<16xf32>
          %swap3A_266 = arith.index_cast %add3A_250 : i32 to index
          %swap3A_267 = arith.constant 16 : index
          %swap3A_268 = tpu.vector_load %arg16[%swap3A_266, %swap3A_267] {strides = array<i32>} : memref<128x32xf32, #tpu.memory_space<vmem>>, vector<1x16xf32>,
          %swap3A_269 = vector.shape_cast %swap3A_268 : vector<1x16xf32> to vector<16xf32>
          %swap3A_270 = vector.shape_cast %mul3A_265 : vector<16xf32> to vector<1x16xf32>
          tpu.vector_store %arg16[%swap3A_266, %swap3A_267], %swap3A_270 {strides = array<i32>} : memref<128x32xf32, #tpu.memory_space<vmem>>, vector<1x16xf32>,
          %slice3A_271 = vector.extract_strided_slice %get3A_71 {offsets = [8], sizes = [1], strides = [1]} : vector<16xf32> to vector<1xf32>
          %broadcast_in_dim3A_272 = vector.shape_cast %slice3A_271 : vector<1xf32> to vector<1xf32>
          %broadcast_in_dim3A_273 = vector.broadcast %broadcast_in_dim3A_272 : vector<1xf32> to vector<16xf32>
          %add3A_274 = arith.constant 8 : i32
          %add3A_275 = arith.addi %mul3A_73, %add3A_274 : i32
          %get3A_276 = arith.index_cast %add3A_275 : i32 to index
          %get3A_277 = arith.constant 0 : index
          %get3A_278 = tpu.vector_load %arg16[%get3A_276, %get3A_277] {strides = array<i32>} : memref<128x32xf32, #tpu.memory_space<vmem>>, vector<1x16xf32>,
          %get3A_279 = vector.shape_cast %get3A_278 : vector<1x16xf32> to vector<16xf32>
          %mul3A_280 = arith.mulf %get3A_279, %broadcast_in_dim3A_273 : vector<16xf32>
          %swap3A_281 = arith.index_cast %add3A_275 : i32 to index
          %swap3A_282 = arith.constant 0 : index
          %swap3A_283 = tpu.vector_load %arg16[%swap3A_281, %swap3A_282] {strides = array<i32>} : memref<128x32xf32, #tpu.memory_space<vmem>>, vector<1x16xf32>,
          %swap3A_284 = vector.shape_cast %swap3A_283 : vector<1x16xf32> to vector<16xf32>
          %swap3A_285 = vector.shape_cast %mul3A_280 : vector<16xf32> to vector<1x16xf32>
          tpu.vector_store %arg16[%swap3A_281, %swap3A_282], %swap3A_285 {strides = array<i32>} : memref<128x32xf32, #tpu.memory_space<vmem>>, vector<1x16xf32>,
          %get3A_286 = arith.index_cast %add3A_275 : i32 to index
          %get3A_287 = arith.constant 16 : index
          %get3A_288 = tpu.vector_load %arg16[%get3A_286, %get3A_287] {strides = array<i32>} : memref<128x32xf32, #tpu.memory_space<vmem>>, vector<1x16xf32>,
          %get3A_289 = vector.shape_cast %get3A_288 : vector<1x16xf32> to vector<16xf32>
          %mul3A_290 = arith.mulf %get3A_289, %broadcast_in_dim3A_273 : vector<16xf32>
          %swap3A_291 = arith.index_cast %add3A_275 : i32 to index
          %swap3A_292 = arith.constant 16 : index
          %swap3A_293 = tpu.vector_load %arg16[%swap3A_291, %swap3A_292] {strides = array<i32>} : memref<128x32xf32, #tpu.memory_space<vmem>>, vector<1x16xf32>,
          %swap3A_294 = vector.shape_cast %swap3A_293 : vector<1x16xf32> to vector<16xf32>
          %swap3A_295 = vector.shape_cast %mul3A_290 : vector<16xf32> to vector<1x16xf32>
          tpu.vector_store %arg16[%swap3A_291, %swap3A_292], %swap3A_295 {strides = array<i32>} : memref<128x32xf32, #tpu.memory_space<vmem>>, vector<1x16xf32>,
          %slice3A_296 = vector.extract_strided_slice %get3A_71 {offsets = [9], sizes = [1], strides = [1]} : vector<16xf32> to vector<1xf32>
          %broadcast_in_dim3A_297 = vector.shape_cast %slice3A_296 : vector<1xf32> to vector<1xf32>
          %broadcast_in_dim3A_298 = vector.broadcast %broadcast_in_dim3A_297 : vector<1xf32> to vector<16xf32>
          %add3A_299 = arith.constant 9 : i32
          %add3A_300 = arith.addi %mul3A_73, %add3A_299 : i32
          %get3A_301 = arith.index_cast %add3A_300 : i32 to index
          %get3A_302 = arith.constant 0 : index
          %get3A_303 = tpu.vector_load %arg16[%get3A_301, %get3A_302] {strides = array<i32>} : memref<128x32xf32, #tpu.memory_space<vmem>>, vector<1x16xf32>,
          %get3A_304 = vector.shape_cast %get3A_303 : vector<1x16xf32> to vector<16xf32>
          %mul3A_305 = arith.mulf %get3A_304, %broadcast_in_dim3A_298 : vector<16xf32>
          %swap3A_306 = arith.index_cast %add3A_300 : i32 to index
          %swap3A_307 = arith.constant 0 : index
          %swap3A_308 = tpu.vector_load %arg16[%swap3A_306, %swap3A_307] {strides = array<i32>} : memref<128x32xf32, #tpu.memory_space<vmem>>, vector<1x16xf32>,
          %swap3A_309 = vector.shape_cast %swap3A_308 : vector<1x16xf32> to vector<16xf32>
          %swap3A_310 = vector.shape_cast %mul3A_305 : vector<16xf32> to vector<1x16xf32>
          tpu.vector_store %arg16[%swap3A_306, %swap3A_307], %swap3A_310 {strides = array<i32>} : memref<128x32xf32, #tpu.memory_space<vmem>>, vector<1x16xf32>,
          %get3A_311 = arith.index_cast %add3A_300 : i32 to index
          %get3A_312 = arith.constant 16 : index
          %get3A_313 = tpu.vector_load %arg16[%get3A_311, %get3A_312] {strides = array<i32>} : memref<128x32xf32, #tpu.memory_space<vmem>>, vector<1x16xf32>,
          %get3A_314 = vector.shape_cast %get3A_313 : vector<1x16xf32> to vector<16xf32>
          %mul3A_315 = arith.mulf %get3A_314, %broadcast_in_dim3A_298 : vector<16xf32>
          %swap3A_316 = arith.index_cast %add3A_300 : i32 to index
          %swap3A_317 = arith.constant 16 : index
          %swap3A_318 = tpu.vector_load %arg16[%swap3A_316, %swap3A_317] {strides = array<i32>} : memref<128x32xf32, #tpu.memory_space<vmem>>, vector<1x16xf32>,
          %swap3A_319 = vector.shape_cast %swap3A_318 : vector<1x16xf32> to vector<16xf32>
          %swap3A_320 = vector.shape_cast %mul3A_315 : vector<16xf32> to vector<1x16xf32>
          tpu.vector_store %arg16[%swap3A_316, %swap3A_317], %swap3A_320 {strides = array<i32>} : memref<128x32xf32, #tpu.memory_space<vmem>>, vector<1x16xf32>,
          %slice3A_321 = vector.extract_strided_slice %get3A_71 {offsets = [10], sizes = [1], strides = [1]} : vector<16xf32> to vector<1xf32>
          %broadcast_in_dim3A_322 = vector.shape_cast %slice3A_321 : vector<1xf32> to vector<1xf32>
          %broadcast_in_dim3A_323 = vector.broadcast %broadcast_in_dim3A_322 : vector<1xf32> to vector<16xf32>
          %add3A_324 = arith.constant 10 : i32
          %add3A_325 = arith.addi %mul3A_73, %add3A_324 : i32
          %get3A_326 = arith.index_cast %add3A_325 : i32 to index
          %get3A_327 = arith.constant 0 : index
          %get3A_328 = tpu.vector_load %arg16[%get3A_326, %get3A_327] {strides = array<i32>} : memref<128x32xf32, #tpu.memory_space<vmem>>, vector<1x16xf32>,
          %get3A_329 = vector.shape_cast %get3A_328 : vector<1x16xf32> to vector<16xf32>
          %mul3A_330 = arith.mulf %get3A_329, %broadcast_in_dim3A_323 : vector<16xf32>
          %swap3A_331 = arith.index_cast %add3A_325 : i32 to index
          %swap3A_332 = arith.constant 0 : index
          %swap3A_333 = tpu.vector_load %arg16[%swap3A_331, %swap3A_332] {strides = array<i32>} : memref<128x32xf32, #tpu.memory_space<vmem>>, vector<1x16xf32>,
          %swap3A_334 = vector.shape_cast %swap3A_333 : vector<1x16xf32> to vector<16xf32>
          %swap3A_335 = vector.shape_cast %mul3A_330 : vector<16xf32> to vector<1x16xf32>
          tpu.vector_store %arg16[%swap3A_331, %swap3A_332], %swap3A_335 {strides = array<i32>} : memref<128x32xf32, #tpu.memory_space<vmem>>, vector<1x16xf32>,
          %get3A_336 = arith.index_cast %add3A_325 : i32 to index
          %get3A_337 = arith.constant 16 : index
          %get3A_338 = tpu.vector_load %arg16[%get3A_336, %get3A_337] {strides = array<i32>} : memref<128x32xf32, #tpu.memory_space<vmem>>, vector<1x16xf32>,
          %get3A_339 = vector.shape_cast %get3A_338 : vector<1x16xf32> to vector<16xf32>
          %mul3A_340 = arith.mulf %get3A_339, %broadcast_in_dim3A_323 : vector<16xf32>
          %swap3A_341 = arith.index_cast %add3A_325 : i32 to index
          %swap3A_342 = arith.constant 16 : index
          %swap3A_343 = tpu.vector_load %arg16[%swap3A_341, %swap3A_342] {strides = array<i32>} : memref<128x32xf32, #tpu.memory_space<vmem>>, vector<1x16xf32>,
          %swap3A_344 = vector.shape_cast %swap3A_343 : vector<1x16xf32> to vector<16xf32>
          %swap3A_345 = vector.shape_cast %mul3A_340 : vector<16xf32> to vector<1x16xf32>
          tpu.vector_store %arg16[%swap3A_341, %swap3A_342], %swap3A_345 {strides = array<i32>} : memref<128x32xf32, #tpu.memory_space<vmem>>, vector<1x16xf32>,
          %slice3A_346 = vector.extract_strided_slice %get3A_71 {offsets = [11], sizes = [1], strides = [1]} : vector<16xf32> to vector<1xf32>
          %broadcast_in_dim3A_347 = vector.shape_cast %slice3A_346 : vector<1xf32> to vector<1xf32>
          %broadcast_in_dim3A_348 = vector.broadcast %broadcast_in_dim3A_347 : vector<1xf32> to vector<16xf32>
          %add3A_349 = arith.constant 11 : i32
          %add3A_350 = arith.addi %mul3A_73, %add3A_349 : i32
          %get3A_351 = arith.index_cast %add3A_350 : i32 to index
          %get3A_352 = arith.constant 0 : index
          %get3A_353 = tpu.vector_load %arg16[%get3A_351, %get3A_352] {strides = array<i32>} : memref<128x32xf32, #tpu.memory_space<vmem>>, vector<1x16xf32>,
          %get3A_354 = vector.shape_cast %get3A_353 : vector<1x16xf32> to vector<16xf32>
          %mul3A_355 = arith.mulf %get3A_354, %broadcast_in_dim3A_348 : vector<16xf32>
          %swap3A_356 = arith.index_cast %add3A_350 : i32 to index
          %swap3A_357 = arith.constant 0 : index
          %swap3A_358 = tpu.vector_load %arg16[%swap3A_356, %swap3A_357] {strides = array<i32>} : memref<128x32xf32, #tpu.memory_space<vmem>>, vector<1x16xf32>,
          %swap3A_359 = vector.shape_cast %swap3A_358 : vector<1x16xf32> to vector<16xf32>
          %swap3A_360 = vector.shape_cast %mul3A_355 : vector<16xf32> to vector<1x16xf32>
          tpu.vector_store %arg16[%swap3A_356, %swap3A_357], %swap3A_360 {strides = array<i32>} : memref<128x32xf32, #tpu.memory_space<vmem>>, vector<1x16xf32>,
          %get3A_361 = arith.index_cast %add3A_350 : i32 to index
          %get3A_362 = arith.constant 16 : index
          %get3A_363 = tpu.vector_load %arg16[%get3A_361, %get3A_362] {strides = array<i32>} : memref<128x32xf32, #tpu.memory_space<vmem>>, vector<1x16xf32>,
          %get3A_364 = vector.shape_cast %get3A_363 : vector<1x16xf32> to vector<16xf32>
          %mul3A_365 = arith.mulf %get3A_364, %broadcast_in_dim3A_348 : vector<16xf32>
          %swap3A_366 = arith.index_cast %add3A_350 : i32 to index
          %swap3A_367 = arith.constant 16 : index
          %swap3A_368 = tpu.vector_load %arg16[%swap3A_366, %swap3A_367] {strides = array<i32>} : memref<128x32xf32, #tpu.memory_space<vmem>>, vector<1x16xf32>,
          %swap3A_369 = vector.shape_cast %swap3A_368 : vector<1x16xf32> to vector<16xf32>
          %swap3A_370 = vector.shape_cast %mul3A_365 : vector<16xf32> to vector<1x16xf32>
          tpu.vector_store %arg16[%swap3A_366, %swap3A_367], %swap3A_370 {strides = array<i32>} : memref<128x32xf32, #tpu.memory_space<vmem>>, vector<1x16xf32>,
          %slice3A_371 = vector.extract_strided_slice %get3A_71 {offsets = [12], sizes = [1], strides = [1]} : vector<16xf32> to vector<1xf32>
          %broadcast_in_dim3A_372 = vector.shape_cast %slice3A_371 : vector<1xf32> to vector<1xf32>
          %broadcast_in_dim3A_373 = vector.broadcast %broadcast_in_dim3A_372 : vector<1xf32> to vector<16xf32>
          %add3A_374 = arith.constant 12 : i32
          %add3A_375 = arith.addi %mul3A_73, %add3A_374 : i32
          %get3A_376 = arith.index_cast %add3A_375 : i32 to index
          %get3A_377 = arith.constant 0 : index
          %get3A_378 = tpu.vector_load %arg16[%get3A_376, %get3A_377] {strides = array<i32>} : memref<128x32xf32, #tpu.memory_space<vmem>>, vector<1x16xf32>,
          %get3A_379 = vector.shape_cast %get3A_378 : vector<1x16xf32> to vector<16xf32>
          %mul3A_380 = arith.mulf %get3A_379, %broadcast_in_dim3A_373 : vector<16xf32>
          %swap3A_381 = arith.index_cast %add3A_375 : i32 to index
          %swap3A_382 = arith.constant 0 : index
          %swap3A_383 = tpu.vector_load %arg16[%swap3A_381, %swap3A_382] {strides = array<i32>} : memref<128x32xf32, #tpu.memory_space<vmem>>, vector<1x16xf32>,
          %swap3A_384 = vector.shape_cast %swap3A_383 : vector<1x16xf32> to vector<16xf32>
          %swap3A_385 = vector.shape_cast %mul3A_380 : vector<16xf32> to vector<1x16xf32>
          tpu.vector_store %arg16[%swap3A_381, %swap3A_382], %swap3A_385 {strides = array<i32>} : memref<128x32xf32, #tpu.memory_space<vmem>>, vector<1x16xf32>,
          %get3A_386 = arith.index_cast %add3A_375 : i32 to index
          %get3A_387 = arith.constant 16 : index
          %get3A_388 = tpu.vector_load %arg16[%get3A_386, %get3A_387] {strides = array<i32>} : memref<128x32xf32, #tpu.memory_space<vmem>>, vector<1x16xf32>,
          %get3A_389 = vector.shape_cast %get3A_388 : vector<1x16xf32> to vector<16xf32>
          %mul3A_390 = arith.mulf %get3A_389, %broadcast_in_dim3A_373 : vector<16xf32>
          %swap3A_391 = arith.index_cast %add3A_375 : i32 to index
          %swap3A_392 = arith.constant 16 : index
          %swap3A_393 = tpu.vector_load %arg16[%swap3A_391, %swap3A_392] {strides = array<i32>} : memref<128x32xf32, #tpu.memory_space<vmem>>, vector<1x16xf32>,
          %swap3A_394 = vector.shape_cast %swap3A_393 : vector<1x16xf32> to vector<16xf32>
          %swap3A_395 = vector.shape_cast %mul3A_390 : vector<16xf32> to vector<1x16xf32>
          tpu.vector_store %arg16[%swap3A_391, %swap3A_392], %swap3A_395 {strides = array<i32>} : memref<128x32xf32, #tpu.memory_space<vmem>>, vector<1x16xf32>,
          %slice3A_396 = vector.extract_strided_slice %get3A_71 {offsets = [13], sizes = [1], strides = [1]} : vector<16xf32> to vector<1xf32>
          %broadcast_in_dim3A_397 = vector.shape_cast %slice3A_396 : vector<1xf32> to vector<1xf32>
          %broadcast_in_dim3A_398 = vector.broadcast %broadcast_in_dim3A_397 : vector<1xf32> to vector<16xf32>
          %add3A_399 = arith.constant 13 : i32
          %add3A_400 = arith.addi %mul3A_73, %add3A_399 : i32
          %get3A_401 = arith.index_cast %add3A_400 : i32 to index
          %get3A_402 = arith.constant 0 : index
          %get3A_403 = tpu.vector_load %arg16[%get3A_401, %get3A_402] {strides = array<i32>} : memref<128x32xf32, #tpu.memory_space<vmem>>, vector<1x16xf32>,
          %get3A_404 = vector.shape_cast %get3A_403 : vector<1x16xf32> to vector<16xf32>
          %mul3A_405 = arith.mulf %get3A_404, %broadcast_in_dim3A_398 : vector<16xf32>
          %swap3A_406 = arith.index_cast %add3A_400 : i32 to index
          %swap3A_407 = arith.constant 0 : index
          %swap3A_408 = tpu.vector_load %arg16[%swap3A_406, %swap3A_407] {strides = array<i32>} : memref<128x32xf32, #tpu.memory_space<vmem>>, vector<1x16xf32>,
          %swap3A_409 = vector.shape_cast %swap3A_408 : vector<1x16xf32> to vector<16xf32>
          %swap3A_410 = vector.shape_cast %mul3A_405 : vector<16xf32> to vector<1x16xf32>
          tpu.vector_store %arg16[%swap3A_406, %swap3A_407], %swap3A_410 {strides = array<i32>} : memref<128x32xf32, #tpu.memory_space<vmem>>, vector<1x16xf32>,
          %get3A_411 = arith.index_cast %add3A_400 : i32 to index
          %get3A_412 = arith.constant 16 : index
          %get3A_413 = tpu.vector_load %arg16[%get3A_411, %get3A_412] {strides = array<i32>} : memref<128x32xf32, #tpu.memory_space<vmem>>, vector<1x16xf32>,
          %get3A_414 = vector.shape_cast %get3A_413 : vector<1x16xf32> to vector<16xf32>
          %mul3A_415 = arith.mulf %get3A_414, %broadcast_in_dim3A_398 : vector<16xf32>
          %swap3A_416 = arith.index_cast %add3A_400 : i32 to index
          %swap3A_417 = arith.constant 16 : index
          %swap3A_418 = tpu.vector_load %arg16[%swap3A_416, %swap3A_417] {strides = array<i32>} : memref<128x32xf32, #tpu.memory_space<vmem>>, vector<1x16xf32>,
          %swap3A_419 = vector.shape_cast %swap3A_418 : vector<1x16xf32> to vector<16xf32>
          %swap3A_420 = vector.shape_cast %mul3A_415 : vector<16xf32> to vector<1x16xf32>
          tpu.vector_store %arg16[%swap3A_416, %swap3A_417], %swap3A_420 {strides = array<i32>} : memref<128x32xf32, #tpu.memory_space<vmem>>, vector<1x16xf32>,
          %slice3A_421 = vector.extract_strided_slice %get3A_71 {offsets = [14], sizes = [1], strides = [1]} : vector<16xf32> to vector<1xf32>
          %broadcast_in_dim3A_422 = vector.shape_cast %slice3A_421 : vector<1xf32> to vector<1xf32>
          %broadcast_in_dim3A_423 = vector.broadcast %broadcast_in_dim3A_422 : vector<1xf32> to vector<16xf32>
          %add3A_424 = arith.constant 14 : i32
          %add3A_425 = arith.addi %mul3A_73, %add3A_424 : i32
          %get3A_426 = arith.index_cast %add3A_425 : i32 to index
          %get3A_427 = arith.constant 0 : index
          %get3A_428 = tpu.vector_load %arg16[%get3A_426, %get3A_427] {strides = array<i32>} : memref<128x32xf32, #tpu.memory_space<vmem>>, vector<1x16xf32>,
          %get3A_429 = vector.shape_cast %get3A_428 : vector<1x16xf32> to vector<16xf32>
          %mul3A_430 = arith.mulf %get3A_429, %broadcast_in_dim3A_423 : vector<16xf32>
          %swap3A_431 = arith.index_cast %add3A_425 : i32 to index
          %swap3A_432 = arith.constant 0 : index
          %swap3A_433 = tpu.vector_load %arg16[%swap3A_431, %swap3A_432] {strides = array<i32>} : memref<128x32xf32, #tpu.memory_space<vmem>>, vector<1x16xf32>,
          %swap3A_434 = vector.shape_cast %swap3A_433 : vector<1x16xf32> to vector<16xf32>
          %swap3A_435 = vector.shape_cast %mul3A_430 : vector<16xf32> to vector<1x16xf32>
          tpu.vector_store %arg16[%swap3A_431, %swap3A_432], %swap3A_435 {strides = array<i32>} : memref<128x32xf32, #tpu.memory_space<vmem>>, vector<1x16xf32>,
          %get3A_436 = arith.index_cast %add3A_425 : i32 to index
          %get3A_437 = arith.constant 16 : index
          %get3A_438 = tpu.vector_load %arg16[%get3A_436, %get3A_437] {strides = array<i32>} : memref<128x32xf32, #tpu.memory_space<vmem>>, vector<1x16xf32>,
          %get3A_439 = vector.shape_cast %get3A_438 : vector<1x16xf32> to vector<16xf32>
          %mul3A_440 = arith.mulf %get3A_439, %broadcast_in_dim3A_423 : vector<16xf32>
          %swap3A_441 = arith.index_cast %add3A_425 : i32 to index
          %swap3A_442 = arith.constant 16 : index
          %swap3A_443 = tpu.vector_load %arg16[%swap3A_441, %swap3A_442] {strides = array<i32>} : memref<128x32xf32, #tpu.memory_space<vmem>>, vector<1x16xf32>,
          %swap3A_444 = vector.shape_cast %swap3A_443 : vector<1x16xf32> to vector<16xf32>
          %swap3A_445 = vector.shape_cast %mul3A_440 : vector<16xf32> to vector<1x16xf32>
          tpu.vector_store %arg16[%swap3A_441, %swap3A_442], %swap3A_445 {strides = array<i32>} : memref<128x32xf32, #tpu.memory_space<vmem>>, vector<1x16xf32>,
          %slice3A_446 = vector.extract_strided_slice %get3A_71 {offsets = [15], sizes = [1], strides = [1]} : vector<16xf32> to vector<1xf32>
          %broadcast_in_dim3A_447 = vector.shape_cast %slice3A_446 : vector<1xf32> to vector<1xf32>
          %broadcast_in_dim3A_448 = vector.broadcast %broadcast_in_dim3A_447 : vector<1xf32> to vector<16xf32>
          %add3A_449 = arith.constant 15 : i32
          %add3A_450 = arith.addi %mul3A_73, %add3A_449 : i32
          %get3A_451 = arith.index_cast %add3A_450 : i32 to index
          %get3A_452 = arith.constant 0 : index
          %get3A_453 = tpu.vector_load %arg16[%get3A_451, %get3A_452] {strides = array<i32>} : memref<128x32xf32, #tpu.memory_space<vmem>>, vector<1x16xf32>,
          %get3A_454 = vector.shape_cast %get3A_453 : vector<1x16xf32> to vector<16xf32>
          %mul3A_455 = arith.mulf %get3A_454, %broadcast_in_dim3A_448 : vector<16xf32>
          %swap3A_456 = arith.index_cast %add3A_450 : i32 to index
          %swap3A_457 = arith.constant 0 : index
          %swap3A_458 = tpu.vector_load %arg16[%swap3A_456, %swap3A_457] {strides = array<i32>} : memref<128x32xf32, #tpu.memory_space<vmem>>, vector<1x16xf32>,
          %swap3A_459 = vector.shape_cast %swap3A_458 : vector<1x16xf32> to vector<16xf32>
          %swap3A_460 = vector.shape_cast %mul3A_455 : vector<16xf32> to vector<1x16xf32>
          tpu.vector_store %arg16[%swap3A_456, %swap3A_457], %swap3A_460 {strides = array<i32>} : memref<128x32xf32, #tpu.memory_space<vmem>>, vector<1x16xf32>,
          %get3A_461 = arith.index_cast %add3A_450 : i32 to index
          %get3A_462 = arith.constant 16 : index
          %get3A_463 = tpu.vector_load %arg16[%get3A_461, %get3A_462] {strides = array<i32>} : memref<128x32xf32, #tpu.memory_space<vmem>>, vector<1x16xf32>,
          %get3A_464 = vector.shape_cast %get3A_463 : vector<1x16xf32> to vector<16xf32>
          %mul3A_465 = arith.mulf %get3A_464, %broadcast_in_dim3A_448 : vector<16xf32>
          %swap3A_466 = arith.index_cast %add3A_450 : i32 to index
          %swap3A_467 = arith.constant 16 : index
          %swap3A_468 = tpu.vector_load %arg16[%swap3A_466, %swap3A_467] {strides = array<i32>} : memref<128x32xf32, #tpu.memory_space<vmem>>, vector<1x16xf32>,
          %swap3A_469 = vector.shape_cast %swap3A_468 : vector<1x16xf32> to vector<16xf32>
          %swap3A_470 = vector.shape_cast %mul3A_465 : vector<16xf32> to vector<1x16xf32>
          tpu.vector_store %arg16[%swap3A_466, %swap3A_467], %swap3A_470 {strides = array<i32>} : memref<128x32xf32, #tpu.memory_space<vmem>>, vector<1x16xf32>,
        }
        %scan3A_66 = arith.constant 8 : i32
        "tpu.region"() ({
          %run_scoped3A = tpu.sem_alloc : memref<!tpu.dma_semaphore, #tpu.memory_space<semaphore_mem>>
          %dma_start3A_67 = arith.constant 0 : i32
          %dma_start3A_68 = arith.constant 0 : i32
          %dma_start3A_69 = tpu.memref_slice %arg12[%dma_start3A_67, %dma_start3A_68] : memref<50000x32xf32, #tpu.memory_space<vmem_shared>> -> memref<50000x32xf32, #tpu.memory_space<vmem_shared>>
          tpu.enqueue_indirect_dma source(%arg16 : memref<128x32xf32, #tpu.memory_space<vmem>>) target(%dma_start3A_69 : memref<50000x32xf32, #tpu.memory_space<vmem_shared>>) offsets(%arg13 : memref<128xi32, #tpu.memory_space<vmem>>) semaphore(%run_scoped3A : memref<!tpu.dma_semaphore, #tpu.memory_space<semaphore_mem>>) {add = true}
          %dma_wait3A_70 = arith.constant 0 : i32
          %dma_wait3A_71 = arith.constant 0 : i32
          %dma_wait3A_72 = tpu.memref_slice %arg12[%dma_wait3A_70, %dma_wait3A_71] : memref<50000x32xf32, #tpu.memory_space<vmem_shared>> -> memref<50000x32xf32, #tpu.memory_space<vmem_shared>>
          tpu.wait_indirect_dma semaphore(%run_scoped3A : memref<!tpu.dma_semaphore, #tpu.memory_space<semaphore_mem>>) src(%arg16 : memref<128x32xf32, #tpu.memory_space<vmem>>) dst(%dma_wait3A_72 : memref<50000x32xf32, #tpu.memory_space<vmem_shared>>)
          tpu.yield
        }) : () -> ()
      }
      %scan3A_44 = arith.constant 391 : i32
      %barrier3A_45 = arith.constant 0 : index
      tpu.barrier barrier_id(%barrier3A_45)
      %scan3A_46 = arith.constant 0 : i32
      %scan3A_47 = arith.constant 0 : i32
      %scan3A_48 = arith.constant 8 : i32
      %scan3A_49 = arith.addi %scan3A_47, %scan3A_48 : i32
      %scan3A_50 = arith.constant 1 : i32
      scf.for %scan3A_53 = %scan3A_47 to %scan3A_49 step %scan3A_50  : i32 {
        %mul3A = arith.constant 16 : i32
        %mul3A_54 = arith.muli %scan3A_53, %mul3A : i32
        %add3A = arith.addi %arg1, %mul3A_54 : i32
        %lt3A = arith.constant 125 : i32
        %lt3A_55 = arith.cmpi slt, %add3A, %lt3A : i32
        %convert_element_type3A_56 = arith.extui %lt3A_55 : i1 to i32
        %cond3A_57 = arith.constant 0 : i32
        %cond3A_58 = arith.cmpi ne, %convert_element_type3A_56, %cond3A_57 : i32
        scf.if %cond3A_58 {
          %mul3A_59 = arith.constant 400 : i32
          %mul3A_60 = arith.muli %add3A, %mul3A_59 : i32
          "tpu.region"() ({
            %run_scoped3A = tpu.sem_alloc : memref<!tpu.dma_semaphore, #tpu.memory_space<semaphore_mem>>
            %dma_start3A = arith.constant 0 : i32
            %dma_start3A_61 = tpu.memref_slice %arg11[%arg0, %mul3A_60, %dma_start3A] : memref<2x50000x32xf32, #tpu.memory_space<hbm>> -> memref<1x400x32xf32, #tpu.memory_space<hbm>>
            %dma_start3A_62 = tpu.memref_squeeze %dma_start3A_61 : memref<1x400x32xf32, #tpu.memory_space<hbm>> -> memref<400x32xf32, #tpu.memory_space<hbm>>
            %dma_start3A_63 = arith.constant 0 : i32
            %dma_start3A_64 = tpu.memref_slice %arg12[%mul3A_60, %dma_start3A_63] : memref<50000x32xf32, #tpu.memory_space<vmem_shared>> -> memref<400x32xf32, #tpu.memory_space<vmem_shared>>
            tpu.enqueue_dma source(%dma_start3A_64 : memref<400x32xf32, #tpu.memory_space<vmem_shared>>) target(%dma_start3A_62 : memref<400x32xf32, #tpu.memory_space<hbm>>) target_semaphore(%run_scoped3A : memref<!tpu.dma_semaphore, #tpu.memory_space<semaphore_mem>>)
            %dma_wait3A = arith.constant 0 : i32
            %dma_wait3A_65 = tpu.memref_slice %arg11[%arg0, %mul3A_60, %dma_wait3A] : memref<2x50000x32xf32, #tpu.memory_space<hbm>> -> memref<1x400x32xf32, #tpu.memory_space<hbm>>
            %dma_wait3A_66 = tpu.memref_squeeze %dma_wait3A_65 : memref<1x400x32xf32, #tpu.memory_space<hbm>> -> memref<400x32xf32, #tpu.memory_space<hbm>>
            %dma_wait3A_67 = arith.constant 0 : i32
            %dma_wait3A_68 = tpu.memref_slice %arg12[%mul3A_60, %dma_wait3A_67] : memref<50000x32xf32, #tpu.memory_space<vmem_shared>> -> memref<400x32xf32, #tpu.memory_space<vmem_shared>>
            tpu.wait_dma2 semaphore(%run_scoped3A : memref<!tpu.dma_semaphore, #tpu.memory_space<semaphore_mem>>) src(%dma_wait3A_68 : memref<400x32xf32, #tpu.memory_space<vmem_shared>>) dst(%dma_wait3A_66 : memref<400x32xf32, #tpu.memory_space<hbm>>)
            tpu.yield
          }) : () -> ()
        } else {
        }
      }
      %scan3A_51 = arith.constant 8 : i32
      %barrier3A_52 = arith.constant 0 : index
      tpu.barrier barrier_id(%barrier3A_52)
    } else {
    }
    return
  }
}

</mosaic_0001>

<sc_bundles>
// kernel: kernel.3.cloned.1.call-start
scs
__scs_entry_jumppad:
0x0: {  	(pc) =	sbr.rel $0x88, $3  }
0x1: {  	(tag) =	ssettag $0x0;
	lr =	simm.s32 $0x1  }
0x2: {  	[smem:$0x3F9B] =	sst lr;
	_ =	strace $0xD0000000  }
0x3: {  	_ = 	snop  }
0x4: {  	_ = 	snop  }
0x5: {  	_ = 	snop  }
0x6: {  	_ = 	snop  }
0x7: {  	_ = 	snop  }
__scs_overlays_trampoline_lowered:
0x8: {  	[smem:$0x3FAA] =	sst s0  }
0x9: {  	[smem:$0x3FAB] =	sst s1  }
0xa: {  	[smem:$0x3FAC] =	sst s2  }
0xb: {  	[smem:$0x3FAD] =	sst s3  }
0xc: {  	[smem:$0x3FAE] =	sst s4  }
0xd: {  	[smem:$0x3FAF] =	sst s5  }
0xe: {  	[smem:$0x3FB0] =	sst s6  }
0xf: {  	[smem:$0x3FB1] =	sst s7  }
0x10: {  	[smem:$0x3FB2] =	sst s8  }
0x11: {  	[smem:$0x3FB3] =	sst s9;
	s0 =	simm.s32 @!p0 $0x0  }
0x12: {  	s1 =	sld [smem:$0x3F99];
	s0 =	simm.s32 @p0 $0x1  }
0x13: {  	[smem:$0x3FB4] =	sst s0;
	s0 =	simm.s32 @!p1 $0x0  }
0x14: {  	s2 =	sld [smem:$0x3F98];
	s0 =	simm.s32 @p1 $0x1  }
0x15: {  	[smem:$0x3FB5] =	sst s0;
	s0 =	simm.s32 @!p2 $0x0  }
0x16: {  	s3 =	sld [smem:$0x3FDB];
	s0 =	simm.s32 @p2 $0x1  }
0x17: {  	s4 =	simm.s32 $0x1BF5;
	[smem:$0x3FB7] =	sst s0  }
0x18: {  	s0 =	sld [smem:$0x3F9A];
	_ =	swait.ge [sflag:s4], $0x0  }
0x19: {  	s7 =	sld [smem:$0x3F9B]  }
0x1a: {  	s8 =	sadd.s32 $0xFFFFE003, lr  }
0x1b: {  	s9 =	sadd.s32 $0xFFFFFEF7, lr;
	s5 =	simm.s32 $0xFFFFFFFF;
	p2 =	slt.u32 s8, $0xFFFFF086  }
0x1c: {  	p1 =	slt.u32 s9, $0xF7A;
	s5 =	simm.s32 @!p2 $0x0  }
0x1d: {  	s5 =	simm.s32 @p1 $0x1;
	p0 =	seq.s32 s7, s2  }
0x1e: {  	s7 =	smul.u32 @!p0 $0xF7A, s2;
	p2 =	seq.s32 @!p0 s5, $0x0  }
0x1f: {  	s9 =	smul.u32 $0xF7A, s1;
	s8 =	simm.s32 @!p0 $0x1BF5;
	p2 =	por !p2, p0  }
0x20: {  	[sflag:s8] =	ssyncset.s32 @!p0 $0xFFFFF086;
	s6 =	sadd.s32 @!p0 s3, s7;
	s7 =	simm.s32 @!p0 $0x108  }
0x21: {  	s3 =	sadd.s32 s3, s9;
	s6 =	sadd.s32 @!p0 $0x88, s6;
	s7 =	simm.s32 @p2 $0x1082  }
0x22: {  	[simem:s7], [sflag:s8] =	dma.local @!p0 [hbm:s6], $0xF7A  }
0x23: {  	s9 =	sor.u32 $0xD0000000, s2;
	s6 =	simm.s32 $0x108;
	_ =	swait.ge @!p0 [sflag:s8], $0x0  }
0x24: {  	s3 =	sadd.s32 $0x88, s3;
	s6 =	simm.s32 @!p1 $0x1082;
	[sflag:s4] =	ssyncset.s32 $0xFFFFF086  }
0x25: {  	[simem:s6], [sflag:s4] =	dma.local [hbm:s3], $0xF7A  }
0x26: {  	[smem:$0x3F9B] =	sst s1;
	(tag) =	ssettag s2;
	_ =	strace s9  }
0x27: {  	s1 =	sld [smem:$0x3FAB]  }
0x28: {  	s2 =	sld [smem:$0x3FAC]  }
0x29: {  	s4 =	sld [smem:$0x3FAE]  }
0x2a: {  	p0 =	seq.s32 s5, $0x0;
	s5 =	sld [smem:$0x3FAF]  }
0x2b: {  	s6 =	sld [smem:$0x3FB0]  }
0x2c: {  	s7 =	sld [smem:$0x3FB1]  }
0x2d: {  	s3 =	simm.s32 $0x108;
	s8 =	sld [smem:$0x3FB2]  }
0x2e: {  	s3 =	simm.s32 @!p0 $0x1082;
	s9 =	sld [smem:$0x3FB3]  }
0x2f: {  	lr =	sadd.s32 s0, s3;
	s0 =	sld [smem:$0x3FAA]  }
0x30: {  	s3 =	sld [smem:$0x3FAD]  }
0x31: {  	[smem:$0x3FB6] =	sst s10  }
0x32: {  	s10 =	sld [smem:$0x3FB4];
	_ =	sdelay $0x3  }
0x33: {  	p0 =	seq.s32 s10, $0x1;
	s10 =	sld [smem:$0x3FB6];
	_ =	sdelay $0x3  }
0x34: {  	[smem:$0x3FB6] =	sst s10  }
0x35: {  	s10 =	sld [smem:$0x3FB5];
	_ =	sdelay $0x3  }
0x36: {  	p1 =	seq.s32 s10, $0x1;
	s10 =	sld [smem:$0x3FB6];
	_ =	sdelay $0x3  }
0x37: {  	[smem:$0x3FB6] =	sst s10  }
0x38: {  	s10 =	sld [smem:$0x3FB7]  }
0x39: {  	_ = 	snop;
	(pc) =	sbr.ind lr, $3  }
0x3a: {  	_ = 	snop  }
0x3b: {  	_ = 	snop  }
0x3c: {  	p2 =	seq.s32 s10, $0x1;
	s10 =	sld [smem:$0x3FB6]  }
0x3d: {  	_ =	shalt  }
0x3e: {  	_ =	shalt  }
0x3f: {  	_ =	shalt  }
0x40: {  	_ =	shalt  }
0x41: {  	_ =	shalt  }
0x42: {  	_ =	shalt  }
0x43: {  	_ =	shalt  }
0x44: {  	_ =	shalt  }
0x45: {  	_ =	shalt  }
0x46: {  	_ =	shalt  }
0x47: {  	_ =	shalt  }
0x48: {  	_ =	shalt  }
0x49: {  	_ =	shalt  }
0x4a: {  	_ =	shalt  }
0x4b: {  	_ =	shalt  }
0x4c: {  	_ =	shalt  }
0x4d: {  	_ =	shalt  }
0x4e: {  	_ =	shalt  }
0x4f: {  	_ =	shalt  }
0x50: {  	_ =	shalt  }
0x51: {  	_ =	shalt  }
0x52: {  	_ =	shalt  }
0x53: {  	_ =	shalt  }
0x54: {  	_ =	shalt  }
0x55: {  	_ =	shalt  }
0x56: {  	_ =	shalt  }
0x57: {  	_ =	shalt  }
0x58: {  	_ =	shalt  }
0x59: {  	_ =	shalt  }
0x5a: {  	_ =	shalt  }
0x5b: {  	_ =	shalt  }
0x5c: {  	_ =	shalt  }
0x5d: {  	_ =	shalt  }
0x5e: {  	_ =	shalt  }
0x5f: {  	_ =	shalt  }
0x60: {  	_ =	shalt  }
0x61: {  	_ =	shalt  }
0x62: {  	_ =	shalt  }
0x63: {  	_ =	shalt  }
0x64: {  	_ =	shalt  }
0x65: {  	_ =	shalt  }
0x66: {  	_ =	shalt  }
0x67: {  	_ =	shalt  }
0x68: {  	_ =	shalt  }
0x69: {  	_ =	shalt  }
0x6a: {  	_ =	shalt  }
0x6b: {  	_ =	shalt  }
0x6c: {  	_ =	shalt  }
0x6d: {  	_ =	shalt  }
0x6e: {  	_ =	shalt  }
0x6f: {  	_ =	shalt  }
0x70: {  	_ =	shalt  }
0x71: {  	_ =	shalt  }
0x72: {  	_ =	shalt  }
0x73: {  	_ =	shalt  }
0x74: {  	_ =	shalt  }
0x75: {  	_ =	shalt  }
0x76: {  	_ =	shalt  }
0x77: {  	_ =	shalt  }
0x78: {  	_ =	shalt  }
0x79: {  	_ =	shalt  }
0x7a: {  	_ =	shalt  }
0x7b: {  	_ =	shalt  }
0x7c: {  	_ =	shalt  }
0x7d: {  	_ =	shalt  }
0x7e: {  	_ =	shalt  }
0x7f: {  	_ =	shalt  }
0x80: {  	_ =	shalt  }
0x81: {  	_ =	shalt  }
0x82: {  	_ =	shalt  }
0x83: {  	_ =	shalt  }
0x84: {  	_ =	shalt  }
0x85: {  	_ =	shalt  }
0x86: {  	_ =	shalt  }
0x87: {  	_ =	shalt  }
.Lfunc_end0:
.L_simem_size_0:
called_computation_lowered:
.L_overlay_start_0:
0x88: {  	s2 =	sld [smem:$0x3FD9]  }
0x89: {  	s3 =	sld [smem:$0x3FFE];
	_ =	sdelay $0x1  }
0x8a: {  	s1 =	srdreg.scid  }
0x8b: {  	s0 =	sand.u32 $0x1, s1  }
0x8c: {  	s14 =	sshll.u32 s0, $0xA;
	s2 =	sadd.s32 s3, s2  }
0x8d: {  	s2 =	sadd.s32 s2, s14  }
0x8e: {  	[smem:$0x3FC2] =	sst s2  }
0x8f: {  	_ = 	snop  }
0x90: {  	s2 =	sld [smem:$0x3FD0];
	_ =	sdelay $0x2  }
0x91: {  	s15 =	simm.s32 $0xA;
	s4 =	simm.s32 $0x10  }
0x92: {  	[smem:s4], [sflag:s15] =	dma.local [hbm:s2], $0x1  }
0x93: {  	_ =	swait.eq [sflag:s15], $0x1  }
0x94: {  	s16 =	sld [smem:$0x10];
	[sflag:s15] =	ssyncset.done $0x0  }
0x95: {  	s17 =	sld [smem:$0x11];
	[sflag:s15] =	ssyncadd.s32 $0xFFFFFFFF  }
0x96: {  	s18 =	sld [smem:$0x12];
	(tm) =	ssettm $0x1  }
0x97: {  	s5 =	sld [smem:$0x3FFB];
	_ =	sdelay $0x3  }
0x98: {  	_ =	strace s5  }
0x99: {  	s5 =	sld [smem:$0x3FFC];
	_ =	sdelay $0x3  }
0x9a: {  	_ =	strace s5  }
0x9b: {  	s5 =	sld [smem:$0x3FFD];
	_ =	sdelay $0x3  }
0x9c: {  	_ =	strace s5  }
0x9d: {  	_ =	strace $0x8FFFFFFF  }
0x9e: {  	s19 =	sld [smem:$0x3FDB];
	_ =	sdelay $0x1  }
0x9f: {  	s6 =	simm.s32 $_scs_section_size  }
0xa0: {  	s7 =	simm.s32 $_size__tile_overlayer_lowered;
	s8 =	simm.s32 $_tile_overlayer_lowered  }
0xa1: {  	s22 =	simm.s32 $0x1BFF;
	s21 =	sshll.u32 s8, $0x1;
	s5 =	sadd.s32 s6, s19  }
0xa2: {  	s9 =	simm.s32 $0x0;
	s20 =	sshll.u32 s7, $0x1;
	s7 =	sadd.s32 s21, s5  }
0xa3: {  	[timem:s9], [sflag:s22] =	dma.local [hbm:s7], s20  }
0xa4: {  	_ =	swait.ge [sflag:s22], s20  }
0xa5: {  	s6 =	ssub.s32 $0x0, s20;
	[sflag:s22] =	ssyncset.done $0x0  }
0xa6: {  	[sflag:s22] =	ssyncadd.s32 s6;
	_ =	sdelay $0x1  }
0xa7: {  	s23 =	simm.s32 $0x1B8B  }
0xa8: {  	_ =	swait.ge [sflag:s23], $0x1  }
0xa9: {  	[sflag:s23] =	ssyncset.done $0x0  }
0xaa: {  	s25 =	simm.s32 $0x1B8E;
	s24 =	sld [smem:$0x3FFE];
	[sflag:s23] =	ssyncadd.s32 $0xFFFFFFFF  }
0xab: {  	s26 =	simm.s32 $execute0_lowered;
	[smem:$0x3FD2] =	sst s25  }
0xac: {  	s7 =	sshll.u32 s26, $0x1;
	_ =	strace $0x80000046;
	[dreg:$0x1] =	wrdreg $0xFFFFFFFF  }
0xad: {  	s28 =	simm.s32 $_size_execute0_lowered;
	s5 =	sadd.s32 s5, s7;
	[dreg:$0x0] =	wrdreg $0x0  }
0xae: {  	s7 =	sshll.u32 s28, $0x1;
	[dreg:$0x2] =	wrdreg s5  }
0xaf: {  	[dreg:$0x3] =	wrdreg s7  }
0xb0: {  	[dreg:$0x4] =	wrdreg $0xC0  }
0xb1: {  	_ =	task [dreg:s9], $0x5FFFF  }
0xb2: {  	[dreg:$0x1] =	wrdreg $0xFFFFFFFF  }
0xb3: {  	[dreg:$0x0] =	wrdreg $0x60  }
0xb4: {  	[dreg:$0x2] =	wrdreg s17  }
0xb5: {  	[dreg:$0x3] =	wrdreg s16  }
0xb6: {  	[dreg:$0x4] =	wrdreg s24  }
0xb7: {  	[dreg:$0x5] =	wrdreg s18  }
0xb8: {  	[dreg:$0x6] =	wrdreg $0x0  }
0xb9: {  	[dreg:$0x7] =	wrdreg $0x9  }
0xba: {  	_ =	task.clear_ibuf [dreg:s9], $0x8FFFF;
	_ =	strace $0x90000046  }
0xbb: {  	s29 =	simm.s32 $0x9;
	_ =	strace $0x80000048  }
0xbc: {  	_ =	swait.ge [sflag:s29], $0x1  }
0xbd: {  	[sflag:s29] =	ssyncadd.s32 $0xFFFFFFFF  }
0xbe: {  	_ =	strace $0x90000048  }
0xbf: {  	_ =	sfence  }
0xc0: {  	s30 =	sld [smem:$0x0];
	_ =	sdelay $0x2  }
0xc1: {  	s31 =	sshll.u32 s1, $0xD;
	s1 =	sshrl.u32 s1, $0x2  }
0xc2: {  	s3 =	sand.u32 $0x4000, s31;
	s1 =	sadd.s32 s1, s30  }
0xc3: {  	s0 =	sor.u32 s3, s0;
	s1 =	sshll.u32 s1, $0x11  }
0xc4: {  	s0 =	sor.u32 s1, s0  }
0xc5: {  	s0 =	sadd.s32 $0x8F2B, s0  }
0xc6: {  	[sflag:s0] =	ssyncadd.remote.s32 $0x1  }
0xc7: {  	_ =	sfence.sel $0xFFFF  }
0xc8: {  	[dreg:$0x0] =	wrdreg $0xFFFFFFFF;
	(pc) =	sbr.abs _section_cstart, $3  }
0xc9: {  	[dreg:$0x1] =	wrdreg $0xFFFFFFFF  }
0xca: {  	_ =	task.clear_ibuf [dreg:s9], $0x2FFFF;
	_ =	strace $0x9FFFFFFF  }
0xcb: {  	(tm) =	ssettm $0x7FFFFFFF  }
tec
execute0_lowered:
.L_overlay_start_1:
0x0: {  	(tag) =	ssettag $0x1  }
0x1: {  	s1 =	rddreg [dreg:$0x0]  }
0x2: {  	s2 =	rddreg [dreg:$0x1]  }
0x3: {  	s7 =	rddreg [dreg:$0x2]  }
0x4: {  	s0 =	rddreg [dreg:$0x3]  }
0x5: {  	s3 =	rddreg [dreg:$0x4];
	s4 =	simm.s32 $0x0;
	s10 =	srdreg.scid  }
0x6: {  	s23 =	stileid.u32;
	[smem:$0x7FF] =	sst s4  }
0x7: {  	s5 =	sadd.s32 $0x4F200, s7;
	s6 =	sadd.s32 $0x36A00, s7;
	s8 =	sadd.s32 $0x5A00, s7  }
0x8: {  	s9 =	sadd.s32 $0x80200, s7;
	s12 =	sand.u32 $0x1, s10;
	s10 =	sadd.s32 $0x67A00, s7  }
0x9: {  	s11 =	sadd.s32 $0x1E200, s7;
	s15 =	smul.u32 $0xC800, s23;
	s16 =	sor.u32 $0x40, s23  }
0xa: {  	s24 =	sadd.s32 $0x15C200, s7;
	s18 =	sor.u32 $0x50, s23;
	s17 =	smul.u32 $0xC800, s16  }
0xb: {  	_ =	strace $0x80000047;
	s13 =	ssub.s32 $0x2, s12;
	s28 =	smul.u32 $0xC800, s18  }
0xc: {  	[dreg:$0x6] =	wrdreg s24;
	s14 =	sshrl.u32 s13, $0x1;
	s20 =	sshrl.u32 s15, $0x2  }
0xd: {  	s15 =	sor.u32 $0x30, s23;
	s19 =	ssub.s32 s13, s14;
	s13 =	sor.u32 $0x10, s23  }
0xe: {  	s30 =	sadd.s32 s20, s3;
	s26 =	smul.u32 $0xC800, s15;
	s17 =	sshrl.u32 s17, $0x2  }
0xf: {  	s21 =	smul.u32 $0xC800, s13;
	s7 =	smax.u32 s19, $0x1;
	s19 =	sor.u32 $0x60, s23  }
0x10: {  	s29 =	sadd.s32 s17, s3;
	[dreg:$0x7] =	wrdreg s7;
	s20 =	smul.u32 $0xC800, s19  }
0x11: {  	s7 =	sor.u32 $0x20, s23;
	[dreg:$0xc] =	wrdreg s29;
	s29 =	smul.u32 $0x3200, s13  }
0x12: {  	p0 =	seq.s32 s12, $0x1;
	[dreg:$0x8] =	wrdreg s30;
	s25 =	smul.u32 $0xC800, s7  }
0x13: {  	s22 =	sshrl.u32 s21, $0x2;
	s21 =	sor.u32 $0x70, s23;
	s7 =	smul.u32 $0x3200, s7  }
0x14: {  	s12 =	sadd.s32 s22, s3;
	s22 =	smul.u32 $0xC800, s21;
	s20 =	sshrl.u32 s20, $0x2  }
0x15: {  	p1 =	sgt.u32 s21, $0x7C;
	p2 =	slt.u32 s21, $0x7D;
	s21 =	smul.u32 $0x3200, s21  }
0x16: {  	[dreg:$0x9] =	wrdreg s12;
	s14 =	sshrl.u32 s25, $0x2;
	s12 =	sshrl.u32 s26, $0x2  }
0x17: {  	s26 =	smul.u32 $0x3200, s23;
	s20 =	sadd.s32 s20, s3;
	[dreg:$0x14] =	wrdreg s21  }
0x18: {  	s14 =	sadd.s32 s14, s3;
	s12 =	sadd.s32 s12, s3;
	[dreg:$0xe] =	wrdreg s20  }
0x19: {  	s25 =	sshrl.u32 s22, $0x2;
	[dreg:$0xa] =	wrdreg s14;
	s14 =	sshrl.u32 s28, $0x2  }
0x1a: {  	[dreg:$0xb] =	wrdreg s12;
	s28 =	sadd.s32 s25, s3;
	s13 =	sshrl.u32 s26, $0x3  }
0x1b: {  	s22 =	sadd.s32 s26, s3;
	s12 =	sadd.s32 s29, s3;
	[dreg:$0xf] =	wrdreg s28  }
0x1c: {  	s25 =	smul.u32 $0x3200, s15;
	s15 =	sshrl.u32 s7, $0x3;
	[dreg:$0x10] =	wrdreg s22  }
0x1d: {  	s7 =	sadd.s32 s7, s3;
	s26 =	smul.u32 $0x3200, s16;
	[dreg:$0x11] =	wrdreg s12  }
0x1e: {  	s17 =	sadd.s32 s14, s3;
	s14 =	sshrl.u32 s29, $0x3;
	[dreg:$0x12] =	wrdreg s7  }
0x1f: {  	s28 =	smul.u32 $0x3200, s18;
	[dreg:$0xd] =	wrdreg s17;
	s12 =	sadd.s32 s25, s3  }
0x20: {  	s22 =	sshrl.u32 s21, $0x3;
	s7 =	sadd.s32 s26, s3;
	[dreg:$0x13] =	wrdreg s12  }
0x21: {  	s16 =	sshrl.u32 s25, $0x3;
	s25 =	sadd.s32 s0, s22;
	[dreg:$0x15] =	wrdreg s7  }
0x22: {  	s17 =	sshrl.u32 s26, $0x3;
	s26 =	sadd.s32 s0, s13;
	[dreg:$0x18] =	wrdreg s25  }
0x23: {  	s29 =	smul.u32 $0x3200, s19;
	s22 =	sadd.s32 s0, s15;
	[dreg:$0x19] =	wrdreg s26  }
0x24: {  	s12 =	sadd.s32 s28, s3;
	[dreg:$0x1d] =	wrdreg s22  }
0x25: {  	s7 =	sadd.s32 s29, s3;
	[dreg:$0x16] =	wrdreg s12  }
0x26: {  	s18 =	sshrl.u32 s28, $0x3;
	s28 =	sadd.s32 s24, s13;
	[dreg:$0x17] =	wrdreg s7  }
0x27: {  	s19 =	sshrl.u32 s29, $0x3;
	s29 =	sadd.s32 s0, s14;
	[dreg:$0x1a] =	wrdreg s28  }
0x28: {  	s25 =	sadd.s32 s24, s15;
	[dreg:$0x1b] =	wrdreg s29  }
0x29: {  	s26 =	sadd.s32 s0, s16;
	[dreg:$0x1e] =	wrdreg s25  }
0x2a: {  	s7 =	sadd.s32 $0x30D40, s13;
	s13 =	sadd.s32 s24, s14;
	[dreg:$0x1f] =	wrdreg s26  }
0x2b: {  	s28 =	sadd.s32 s24, s16;
	[dreg:$0x1c] =	wrdreg s13  }
0x2c: {  	s12 =	sadd.s32 $0x30D40, s14;
	s29 =	sadd.s32 s0, s17;
	[smem:$0x7E6] =	sst s28  }
0x2d: {  	s14 =	sadd.s32 $0x30D40, s16;
	s16 =	sadd.s32 s24, s17;
	[smem:$0x7E7] =	sst s29  }
0x2e: {  	s22 =	sadd.s32 s0, s18;
	[smem:$0x7E8] =	sst s16  }
0x2f: {  	s25 =	sadd.s32 s24, s18;
	[smem:$0x7E9] =	sst s22  }
0x30: {  	s26 =	sadd.s32 $0x186A00, s21;
	[smem:$0x7EA] =	sst s25  }
0x31: {  	s13 =	sadd.s32 $0x30D40, s15;
	s28 =	sadd.s32 s0, s19;
	[smem:$0x7EC] =	sst s26  }
0x32: {  	s16 =	sadd.s32 $0x30D40, s18;
	s29 =	sadd.s32 s24, s19;
	[smem:$0x7EB] =	sst s28  }
0x33: {  	s18 =	sadd.s32 $0x30D40, s19;
	s19 =	sadd.s32 s0, s7;
	[smem:$0x7ED] =	sst s29  }
0x34: {  	s15 =	sadd.s32 $0x30D40, s17;
	s22 =	sadd.s32 s0, s12;
	[smem:$0x7EF] =	sst s19  }
0x35: {  	s17 =	sshrl.u32 s26, $0x3;
	s26 =	sadd.s32 s0, s14;
	[smem:$0x7F0] =	sst s22  }
0x36: {  	s7 =	sadd.s32 s24, s7;
	[smem:$0x7F2] =	sst s26  }
0x37: {  	s17 =	sadd.s32 s0, s17;
	[smem:$0x7F6] =	sst s7  }
0x38: {  	s25 =	sadd.s32 s0, s13;
	[smem:$0x7EE] =	sst s17  }
0x39: {  	s28 =	sadd.s32 s0, s15;
	[smem:$0x7F1] =	sst s25  }
0x3a: {  	s29 =	sadd.s32 s0, s16;
	[smem:$0x7F3] =	sst s28  }
0x3b: {  	s31 =	smul.u32 $0xC380, s23;
	s0 =	sadd.s32 s0, s18;
	[smem:$0x7F4] =	sst s29  }
0x3c: {  	s23 =	simm.s32 $0x80;
	s19 =	sadd.s32 s24, s13;
	[smem:$0x7F5] =	sst s0  }
0x3d: {  	s22 =	sadd.s32 s24, s14;
	s26 =	sadd.s32 s24, s16;
	[smem:$0x7F8] =	sst s19  }
0x3e: {  	v0 =	vimm.f32 $0.0e+00;
	v1 =	vimm.s32 $0x0;
	s7 =	simm.s32 $0x2;
	s13 =	simm.s32 $0x186A0;
	[smem:$0x7F9] =	sst s22  }
.Ltmp0:
0x3f: {  	v2 =	vimm.s32 $0x1;
	v3 =	vimm.s32 $0x2;
	v4 =	vimm.s32 $0x3;
	s17 =	sadd.s32 s24, s12;
	[smem:$0x7FB] =	sst s26;
	(pc) =	sbr.rel .LBB2_1-.Ltmp0, $4  }
0x40: {  	v5 =	vimm.s32 $0x4;
	v6 =	vimm.s32 $0x5;
	v7 =	vimm.s32 $0x6;
	s25 =	sadd.s32 s24, s15;
	s28 =	sadd.s32 s24, s18;
	[smem:$0x7F7] =	sst s17  }
0x41: {  	v8 =	vimm.s32 $0x7;
	v9 =	vimm.s32 $0x8;
	v10 =	vimm.s32 $0x9;
	s29 =	sadd.s32 s21, s3;
	s26 =	simm.s32 $0x19820;
	[smem:$0x7FA] =	sst s25  }
0x42: {  	v11 =	vimm.s32 $0xA;
	v12 =	vimm.s32 $0xB;
	v13 =	vimm.s32 $0xC;
	s12 =	simm.s32 $0x18720;
	s22 =	simm.s32 $0x187A0;
	[smem:$0x7FC] =	sst s28  }
0x43: {  	v14 =	vimm.s32 $0xD;
	v15 =	vimm.s32 $0xE;
	v16 =	vimm.s32 $0xF;
	s24 =	simm.s32 $0x18820;
	[smem:$0x7FD] =	sst s29;
	s25 =	simm.s32 $0x1  }
.LBB2_22:
0x44: {  	s30 =	sld [smem:$0x7FD]  }
0x45: {  	s14 =	stileid.u32  }
0x46: {  	s0 =	sshrl.u32 s0, $0x3;
	s15 =	rddreg [dreg:$0x6];
	s14 =	sshll.u32 s14, $0x6  }
0x47: {  	s0 =	sadd.s32 s15, s0;
	s14 =	sor.u32 $0x1C02, s14;
	s15 =	sshrl.u32 s30, $0x3  }
0x48: {  	[hbm:s0], [sflag:s14] =	dma.local [spmem:s15], $0x640  }
0x49: {  	_ =	swait.ge [sflag:s7], $0x640  }
0x4a: {  	[sflag:s7] =	ssyncset.done $0x0  }
0x4b: {  	[sflag:s7] =	ssyncadd.s32 $0xFFFFF9C0  }
.LBB2_23:
0x4c: {  	s4 =	sadd.s32 $0x1, s4;
	s0 =	rddreg [dreg:$0x7]  }
0x4d: {  	p3 =	sne.s32 s4, s0  }
.Ltmp1:
0x4e: {  	_ = 	snop;
	(pc) =	sbr.rel @!p3 .LBB2_24-.Ltmp1, $4  }
0x4f: {  	_ = 	snop  }
0x50: {  	[bflag:$0x0] =	sbarrier.arrive $0xFFFF  }
0x51: {  	s30 =	rddreg [dreg:$0x8]  }
0x52: {  	s20 =	rddreg [dreg:$0xe]  }
.LBB2_1:
0x53: {  	s0 =	simm.s32 $0x80;
	s14 =	simm.s32 $0x0  }
.LBB2_2:
0x54: {  	p3 =	sne.s32 s0, $0xC780;
	[tilespmem:s14+$0x19820] =	vst v0;
	s15 =	smov.u32 s0;
	s0 =	sadd.s32 $0x80, s0  }
.Ltmp2:
0x55: {  	[tilespmem:s14+$0x19830] =	vst v0;
	(pc) =	sbr.rel @p3 .LBB2_2-.Ltmp2, $2  }
0x56: {  	_ =	sdelay $0x2  }
0x57: {  	s14 =	sshra.s32 s15, $0x2  }
.Ltmp3:
0x58: {  	(pc) =	sbr.rel @!p0 .LBB2_4-.Ltmp3, $3  }
0x59: {  	s0 =	sld [smem:$0x7FD];
	_ =	sdelay $0x1  }
0x5a: {  	[tilespmem:s14+$0x19820] =	vst v0  }
0x5b: {  	[tilespmem:s14+$0x19830] =	vst v0;
	s28 =	sshrl.u32 @!p1 s0, $0x3  }
0x5c: {  	[spmem:s30] =	stream.linear.scatter [tilespmem:s26], [sflag:$0x2], $0x3200, $0x38;
	[tilespmem:$0x1CA20] =	vst v63  }
0x5d: {  	_ =	swait.ge [sflag:s7], $0x3200  }
0x5e: {  	[sflag:s7] =	ssyncset.done $0x0  }
0x5f: {  	s0 =	rddreg [dreg:$0x9];
	[sflag:s7] =	ssyncadd.s32 $0xFFFFCE00  }
0x60: {  	[spmem:s0] =	stream.linear.scatter [tilespmem:s26], [sflag:$0x2], $0x3200, $0x38;
	[tilespmem:$0x1CA20] =	vst v63  }
0x61: {  	_ =	swait.ge [sflag:s7], $0x3200  }
0x62: {  	[sflag:s7] =	ssyncset.done $0x0  }
0x63: {  	s18 =	rddreg [dreg:$0xa];
	[sflag:s7] =	ssyncadd.s32 $0xFFFFCE00  }
0x64: {  	[spmem:s18] =	stream.linear.scatter [tilespmem:s26], [sflag:$0x2], $0x3200, $0x38;
	[tilespmem:$0x1CA20] =	vst v63  }
0x65: {  	_ =	swait.ge [sflag:s7], $0x3200  }
0x66: {  	[sflag:s7] =	ssyncset.done $0x0  }
0x67: {  	s19 =	rddreg [dreg:$0xb];
	[sflag:s7] =	ssyncadd.s32 $0xFFFFCE00  }
0x68: {  	[spmem:s19] =	stream.linear.scatter [tilespmem:s26], [sflag:$0x2], $0x3200, $0x38;
	[tilespmem:$0x1CA20] =	vst v63  }
0x69: {  	_ =	swait.ge [sflag:s7], $0x3200  }
0x6a: {  	[sflag:s7] =	ssyncset.done $0x0  }
0x6b: {  	s21 =	rddreg [dreg:$0xc];
	[sflag:s7] =	ssyncadd.s32 $0xFFFFCE00  }
0x6c: {  	[spmem:s21] =	stream.linear.scatter [tilespmem:s26], [sflag:$0x2], $0x3200, $0x38;
	[tilespmem:$0x1CA20] =	vst v63  }
0x6d: {  	_ =	swait.ge [sflag:s7], $0x3200  }
0x6e: {  	[sflag:s7] =	ssyncset.done $0x0  }
0x6f: {  	s29 =	rddreg [dreg:$0xd];
	[sflag:s7] =	ssyncadd.s32 $0xFFFFCE00  }
0x70: {  	[spmem:s29] =	stream.linear.scatter [tilespmem:s26], [sflag:$0x2], $0x3200, $0x38;
	[tilespmem:$0x1CA20] =	vst v63  }
0x71: {  	_ =	swait.ge [sflag:s7], $0x3200  }
0x72: {  	[sflag:s7] =	ssyncset.done $0x0  }
0x73: {  	[sflag:s7] =	ssyncadd.s32 $0xFFFFCE00  }
0x74: {  	[spmem:s20] =	stream.linear.scatter [tilespmem:s26], [sflag:$0x2], $0x3200, $0x38;
	[tilespmem:$0x1CA20] =	vst v63  }
0x75: {  	_ =	swait.ge [sflag:s7], $0x3200  }
0x76: {  	[sflag:s7] =	ssyncset.done $0x0  }
0x77: {  	s0 =	simm.s32 @!p1 $0x19820;
	s14 =	rddreg [dreg:$0xf];
	[sflag:s7] =	ssyncadd.s32 $0xFFFFCE00  }
0x78: {  	[spmem:s14] =	stream.linear.scatter @!p1 [tilespmem:s0], [sflag:$0x2], $0x3200, $0x38;
	[tilespmem:$0x1CA20] =	vst v63  }
0x79: {  	s0 =	simm.s32 @!p1 $0x2  }
0x7a: {  	_ =	swait.ge @!p1 [sflag:s0], $0x3200  }
0x7b: {  	[sflag:s0] =	ssyncset.done @!p1 $0x0  }
0x7c: {  	[sflag:s0] =	ssyncadd.s32 @!p1 $0xFFFFCE00  }
0x7d: {  	s14 =	simm.s32 $0x0;
	s0 =	simm.s32 $0x0;
	[bflag:$0x0] =	sbarrier.arrive $0xFFFF  }
.LBB2_14:
0x7e: {  	s15 =	sshll.u32 s14, $0x7  }
0x7f: {  	s15 =	sadd.s32 s31, s15  }
0x80: {  	s15 =	sshrl.u32 s15, $0x3  }
0x81: {  	s16 =	sadd.s32 s6, s15  }
0x82: {  	[tilespmem:s12], [sflag:$0x2] =	stream.linear.gather [hbm4b:s16+s0], $0x80, $0x38;
	[tilespmem:$0x1CA20] =	vst v63  }
0x83: {  	_ =	swait.ge [sflag:s7], $0x80  }
0x84: {  	[sflag:s7] =	ssyncset.done $0x0  }
0x85: {  	s21 =	sadd.s32 s5, s15;
	[sflag:s7] =	ssyncadd.s32 $0xFFFFFF80  }
0x86: {  	[tilespmem:s13], [sflag:$0x2] =	stream.linear.gather [hbm4b:s21+s0], $0x80, $0x38;
	[tilespmem:$0x1CA20] =	vst v63  }
0x87: {  	_ =	swait.ge [sflag:s7], $0x80  }
0x88: {  	[sflag:s7] =	ssyncset.done $0x0  }
0x89: {  	s15 =	sadd.s32 s8, s15;
	[sflag:s7] =	ssyncadd.s32 $0xFFFFFF80  }
0x8a: {  	[tilespmem:s22], [sflag:$0x2] =	stream.linear.gather [hbm4b:s15+s0], $0x80, $0x38;
	[tilespmem:$0x1CA20] =	vst v63  }
0x8b: {  	_ =	swait.ge [sflag:s7], $0x80  }
0x8c: {  	[sflag:s7] =	ssyncset.done $0x0  }
0x8d: {  	[sflag:s7] =	ssyncadd.s32 $0xFFFFFF80  }
0x8e: {  	[tilespmem:s24], [sflag:$0x1] =	stream.indirect.gather [hbm4b:s2+s23], $0x20, s12, s23, $0xb8;
	[tilespmem:$0x1CA20] =	vst v63  }
0x8f: {  	_ =	swait.ge [sflag:s25], $0x1000  }
0x90: {  	[sflag:s25] =	ssyncset.done $0x0  }
0x91: {  	s15 =	simm.s32 $0x18920;
	[sflag:s25] =	ssyncadd.s32 $0xFFFFF000  }
0x92: {  	v22 =	vld [tilespmem:s15+$0xFFFFFFA0]  }
0x93: {  	v20 =	vld [tilespmem:s15+$0xFFFFFFF0]  }
0x94: {  	v17 =	vld [tilespmem:s15+$0xFFFFFF60]  }
0x95: {  	v23 =	vld [tilespmem:s15+$0xFFFFFFD0]  }
0x96: {  	v24 =	vld [tilespmem:s15+$0x80]  }
0x97: {  	v27 =	vld [tilespmem:s15+$0xFFFFFF10]  }
0x98: {  	v31 =	vld [tilespmem:s15+$0xE0]  }
0x99: {  	v26 =	vld [tilespmem:s15+$0xFFFFFF40]  }
0x9a: {  	s29 =	simm.s32 $0x0;
	v18 =	vld [tilespmem:s15+$0xFFFFFF90]  }
0x9b: {  	v19 =	vld [tilespmem:s29+$0x187A0]  }
0x9c: {  	v25 =	vld [tilespmem:s15+$0xFFFFFFC0]  }
0x9d: {  	v28 =	vld [tilespmem:s15+$0xFFFFFF00]  }
0x9e: {  	v29 =	vld [tilespmem:s15+$0xD0]  }
0x9f: {  	v38 =	vld [tilespmem:s15+$0xC0]  }
0xa0: {  	v36 =	vld [tilespmem:s15+$0x90];
	v34 =	vperm.xlane v19, v1;
	v21 =	vperm.xlane v19, v16  }
0xa1: {  	v37 =	vld [tilespmem:s15+$0xFFFFFF50];
	v35 =	vperm.xlane v19, v3;
	v33 =	vperm.xlane v19, v15  }
0xa2: {  	v32 =	vld [tilespmem:s15+$0xB0];
	v30 =	vperm.xlane v19, v13;
	v40 =	vmul.f32 v34, v28  }
0xa3: {  	s17 =	simm.s32 $0x18920;
	s16 =	simm.s32 $0x40;
	v28 =	vperm.xlane v19, v14;
	v39 =	vmul.f32 v35, v26;
	v26 =	vld [tilespmem:s15+$0x60]  }
.LBB2_15:
0xa4: {  	p3 =	sne.s32 s16, $0x1C0  }
0xa5: {  	[tilespmem:s15+$0xFFFFFF00] =	vst v40;
	v40 =	vld [tilespmem:s15+$0xFFFFFFB0];
	v38 =	vmul.f32 v33, v38;
	v31 =	vmul.f32 v21, v31;
	s17 =	sadd.s32 $0x200, s17;
	s18 =	smov.u32 s16;
	s16 =	sadd.s32 $0x40, s16  }
0xa6: {  	[tilespmem:s15+$0xFFFFFF40] =	vst v39;
	v39 =	vperm.xlane v19, v11;
	v36 =	vmul.f32 v30, v36;
	v41 =	vld [tilespmem:s15+$0xA0]  }
0xa7: {  	v27 =	vmul.f32 v34, v27;
	v34 =	vmul.f32 v35, v37;
	v35 =	vld [tilespmem:s15+$0x70];
	[tilespmem:s15+$0xE0] =	vst v31  }
0xa8: {  	v31 =	vperm.xlane v19, v6;
	v37 =	vld [tilespmem:s15+$0xFFFFFFE0];
	v32 =	vmul.f32 v28, v32;
	[tilespmem:s15+$0xC0] =	vst v38  }
0xa9: {  	v29 =	vmul.f32 v33, v29;
	[tilespmem:s15+$0xFFFFFF10] =	vst v27;
	v27 =	vperm.xlane v19, v7;
	v38 =	vld [tilespmem:s15+$0x40]  }
0xaa: {  	v42 =	vperm.xlane v19, v12;
	v22 =	vmul.f32 v31, v22;
	v33 =	vld [tilespmem:s15+$0xFFFFFF20];
	[tilespmem:s15+$0x90] =	vst v36  }
0xab: {  	[tilespmem:s15+$0xFFFFFF50] =	vst v34;
	v34 =	vperm.xlane v19, v10;
	v36 =	vld [tilespmem:s15+$0x20];
	v28 =	vmul.f32 v28, v41  }
0xac: {  	v31 =	vmul.f32 v31, v40;
	v40 =	vld [tilespmem:s15+$0x50];
	v35 =	vmul.f32 v42, v35;
	[tilespmem:s15+$0xD0] =	vst v29  }
0xad: {  	v24 =	vmul.f32 v30, v24;
	v29 =	vperm.xlane v19, v8;
	v41 =	vld [tilespmem:s15+$0x30];
	[tilespmem:s15+$0xA0] =	vst v28  }
0xae: {  	v25 =	vmul.f32 v27, v25;
	v28 =	vperm.xlane v19, v4;
	v30 =	vld [tilespmem:s15+$0x0];
	[tilespmem:s15+$0x70] =	vst v35  }
0xaf: {  	v26 =	vmul.f32 v42, v26;
	v23 =	vmul.f32 v27, v23;
	v27 =	vld [tilespmem:s15+$0x10];
	[tilespmem:s15+$0x80] =	vst v24  }
0xb0: {  	v35 =	vperm.xlane v19, v9;
	v38 =	vmul.f32 v39, v38;
	v24 =	vld [tilespmem:s15+$0xFFFFFF30];
	[tilespmem:s15+$0xB0] =	vst v32  }
0xb1: {  	v32 =	vperm.xlane v19, v2;
	v42 =	vld [tilespmem:s15+$0xFFFFFF70];
	[tilespmem:s15+$0xFFFFFFD0] =	vst v23;
	v39 =	vmul.f32 v39, v40  }
0xb2: {  	v20 =	vmul.f32 v29, v20;
	v23 =	vmul.f32 v29, v37;
	[tilespmem:s15+$0xFFFFFFC0] =	vst v25;
	v25 =	vld [tilespmem:s15+$0xF0]  }
0xb3: {  	v37 =	vmul.f32 v34, v41;
	v29 =	vld [tilespmem:s15+$0xFFFFFF80];
	[tilespmem:s15+$0xFFFFFFA0] =	vst v22;
	v30 =	vmul.f32 v35, v30  }
0xb4: {  	v22 =	vld [tilespmem:s17+$0xFFFFFFA0];
	[tilespmem:s15+$0xFFFFFFF0] =	vst v20;
	v35 =	vmul.f32 v35, v27;
	v27 =	vmul.f32 v34, v36  }
0xb5: {  	v20 =	vmul.f32 v32, v33;
	v32 =	vmul.f32 v32, v24;
	[tilespmem:s15+$0x60] =	vst v26  }
0xb6: {  	v17 =	vmul.f32 v28, v17;
	v24 =	vmul.f32 v28, v42;
	[tilespmem:s15+$0xFFFFFFB0] =	vst v31  }
0xb7: {  	v19 =	vperm.xlane v19, v5;
	[tilespmem:s15+$0xFFFFFF20] =	vst v20;
	v20 =	vmul.f32 v21, v25  }
0xb8: {  	[tilespmem:s15+$0xFFFFFF60] =	vst v17  }
0xb9: {  	v21 =	vmul.f32 v19, v29;
	v17 =	vmul.f32 v19, v18;
	[tilespmem:s15+$0x40] =	vst v38  }
0xba: {  	[tilespmem:s15+$0xFFFFFFE0] =	vst v23  }
0xbb: {  	[tilespmem:s15+$0xF0] =	vst v20  }
0xbc: {  	[tilespmem:s15+$0xFFFFFF90] =	vst v17  }
0xbd: {  	v20 =	vld [tilespmem:s17+$0xFFFFFFF0];
	[tilespmem:s15+$0xFFFFFF70] =	vst v24  }
0xbe: {  	v17 =	vld [tilespmem:s17+$0xFFFFFF60];
	[tilespmem:s15+$0x20] =	vst v27  }
0xbf: {  	v23 =	vld [tilespmem:s17+$0xFFFFFFD0];
	[tilespmem:s15+$0x30] =	vst v37  }
0xc0: {  	v24 =	vld [tilespmem:s17+$0x80];
	[tilespmem:s15+$0xFFFFFF80] =	vst v21  }
0xc1: {  	v27 =	vld [tilespmem:s17+$0xFFFFFF10];
	[tilespmem:s15+$0x50] =	vst v39  }
0xc2: {  	v31 =	vld [tilespmem:s17+$0xE0];
	[tilespmem:s15+$0x0] =	vst v30  }
0xc3: {  	v26 =	vld [tilespmem:s17+$0xFFFFFF40];
	[tilespmem:s15+$0xFFFFFF30] =	vst v32  }
0xc4: {  	s18 =	sshra.s32 s18, $0x2;
	v18 =	vld [tilespmem:s17+$0xFFFFFF90];
	[tilespmem:s15+$0x10] =	vst v35;
	s15 =	smov.u32 s17  }
0xc5: {  	v19 =	vld [tilespmem:s18+$0x187A0]  }
0xc6: {  	v25 =	vld [tilespmem:s17+$0xFFFFFFC0]  }
0xc7: {  	v28 =	vld [tilespmem:s17+$0xFFFFFF00]  }
0xc8: {  	v29 =	vld [tilespmem:s17+$0xD0]  }
.Ltmp4:
0xc9: {  	v38 =	vld [tilespmem:s17+$0xC0];
	(pc) =	sbr.rel @p3 .LBB2_15-.Ltmp4, $4  }
0xca: {  	v34 =	vperm.xlane v19, v1;
	v36 =	vld [tilespmem:s17+$0x90];
	v21 =	vperm.xlane v19, v16  }
0xcb: {  	v35 =	vperm.xlane v19, v3;
	v33 =	vperm.xlane v19, v15;
	v37 =	vld [tilespmem:s17+$0xFFFFFF50]  }
0xcc: {  	v40 =	vmul.f32 v34, v28;
	v28 =	vperm.xlane v19, v14;
	v32 =	vld [tilespmem:s17+$0xB0]  }
0xcd: {  	v30 =	vperm.xlane v19, v13;
	v39 =	vmul.f32 v35, v26;
	v26 =	vld [tilespmem:s17+$0x60]  }
0xce: {  	[tilespmem:s15+$0xFFFFFF00] =	vst v40;
	v31 =	vmul.f32 v21, v31  }
0xcf: {  	v38 =	vmul.f32 v33, v38;
	[tilespmem:s15+$0xFFFFFF40] =	vst v39  }
0xd0: {  	v27 =	vmul.f32 v34, v27;
	[tilespmem:s15+$0xE0] =	vst v31  }
0xd1: {  	v59 =	vmul.f32 v33, v29;
	[tilespmem:s15+$0xC0] =	vst v38  }
0xd2: {  	v57 =	vmul.f32 v30, v36;
	[tilespmem:s15+$0xFFFFFF10] =	vst v27  }
0xd3: {  	v41 =	vperm.xlane v19, v7;
	v24 =	vmul.f32 v30, v24;
	[tilespmem:s15+$0xD0] =	vst v59  }
0xd4: {  	v35 =	vmul.f32 v35, v37;
	[tilespmem:s15+$0x90] =	vst v57  }
0xd5: {  	v45 =	vperm.xlane v19, v6;
	v23 =	vmul.f32 v41, v23;
	[tilespmem:s15+$0x80] =	vst v24  }
0xd6: {  	v47 =	vperm.xlane v19, v8;
	v25 =	vmul.f32 v41, v25;
	[tilespmem:s15+$0xFFFFFF50] =	vst v35  }
0xd7: {  	v54 =	vperm.xlane v19, v4;
	v22 =	vmul.f32 v45, v22;
	[tilespmem:s15+$0xFFFFFFD0] =	vst v23  }
0xd8: {  	v55 =	vld [tilespmem:s15+$0xA0];
	v20 =	vmul.f32 v47, v20;
	[tilespmem:s15+$0xFFFFFFC0] =	vst v25  }
0xd9: {  	v56 =	vld [tilespmem:s15+$0x70];
	v61 =	vperm.xlane v19, v12;
	v17 =	vmul.f32 v54, v17;
	[tilespmem:s15+$0xFFFFFFA0] =	vst v22  }
0xda: {  	v58 =	vld [tilespmem:s15+$0xFFFFFFB0];
	v59 =	vperm.xlane v19, v5;
	v43 =	vmul.f32 v28, v32;
	[tilespmem:s15+$0xFFFFFFF0] =	vst v20  }
0xdb: {  	v60 =	vld [tilespmem:s15+$0xFFFFFF20];
	v26 =	vmul.f32 v61, v26;
	[tilespmem:s15+$0xFFFFFF60] =	vst v17  }
0xdc: {  	v62 =	vld [tilespmem:s15+$0xFFFFFFE0];
	v18 =	vmul.f32 v59, v18;
	[tilespmem:s15+$0xB0] =	vst v43  }
0xdd: {  	v49 =	vld [tilespmem:s15+$0xFFFFFF70];
	v63 =	vmul.f32 v28, v55;
	[tilespmem:s15+$0x60] =	vst v26  }
0xde: {  	v50 =	vld [tilespmem:s15+$0xFFFFFF80];
	v52 =	vperm.xlane v19, v2;
	v34 =	vmul.f32 v61, v56;
	[tilespmem:s15+$0xFFFFFF90] =	vst v18  }
0xdf: {  	v40 =	vld [tilespmem:s15+$0x40];
	v53 =	vmul.f32 v45, v58;
	[tilespmem:s15+$0xA0] =	vst v63  }
0xe0: {  	v55 =	vld [tilespmem:s15+$0xF0];
	v29 =	vmul.f32 v52, v60;
	[tilespmem:s15+$0x70] =	vst v34  }
0xe1: {  	v46 =	vld [tilespmem:s15+$0x30];
	v24 =	vmul.f32 v47, v62;
	[tilespmem:s15+$0xFFFFFFB0] =	vst v53  }
0xe2: {  	v44 =	vld [tilespmem:s15+$0x20];
	v56 =	vperm.xlane v19, v11;
	v61 =	vmul.f32 v54, v49;
	[tilespmem:s15+$0xFFFFFF20] =	vst v29  }
0xe3: {  	v57 =	vld [tilespmem:s15+$0xFFFFFF30];
	v62 =	vmul.f32 v59, v50;
	[tilespmem:s15+$0xFFFFFFE0] =	vst v24  }
0xe4: {  	v42 =	vld [tilespmem:s15+$0x50];
	v60 =	vperm.xlane v19, v10;
	v58 =	vmul.f32 v56, v40;
	[tilespmem:s15+$0xFFFFFF70] =	vst v61  }
0xe5: {  	v48 =	vld [tilespmem:s15+$0x0];
	[tilespmem:s15+$0xFFFFFF80] =	vst v62;
	v17 =	vmul.f32 v21, v55  }
0xe6: {  	v51 =	vld [tilespmem:s15+$0x10];
	v18 =	vmul.f32 v60, v46;
	[tilespmem:s15+$0x40] =	vst v58  }
0xe7: {  	[tilespmem:s15+$0xF0] =	vst v17;
	v17 =	vmul.f32 v60, v44  }
0xe8: {  	v19 =	vperm.xlane v19, v9;
	v63 =	vmul.f32 v52, v57;
	[tilespmem:s15+$0x30] =	vst v18  }
0xe9: {  	[tilespmem:s15+$0x20] =	vst v17;
	v17 =	vmul.f32 v56, v42  }
0xea: {  	v18 =	vmul.f32 v19, v48;
	[tilespmem:s15+$0xFFFFFF30] =	vst v63  }
0xeb: {  	s14 =	sadd.s32 $0x1, s14;
	[tilespmem:s15+$0x50] =	vst v17;
	v17 =	vmul.f32 v19, v51  }
0xec: {  	p3 =	sne.s32 s14, $0x187;
	[tilespmem:s15+$0x0] =	vst v18  }
.Ltmp5:
0xed: {  	[tilespmem:s15+$0x10] =	vst v17;
	(pc) =	sbr.rel @p3 .LBB2_14-.Ltmp5, $4  }
0xee: {  	[spmem:s3] =	stream.indirect.scatter.add.f32 [tilespmem:s24], [sflag:$0x2], $0x20, s13, s23, $0xb8;
	[tilespmem:$0x1CA20] =	vst v63  }
0xef: {  	_ =	swait.ge [sflag:s7], $0x1000  }
0xf0: {  	[sflag:s7] =	ssyncset.done $0x0  }
0xf1: {  	[sflag:s7] =	ssyncadd.s32 $0xFFFFF000  }
0xf2: {  	[bflag:$0x0] =	sbarrier.arrive $0xFFFF  }
0xf3: {  	s14 =	rddreg [dreg:$0x10]  }
0xf4: {  	s0 =	stileid.u32;
	s15 =	sld [smem:$0x7EF]  }
0xf5: {  	s0 =	sshll.u32 s0, $0x6;
	s14 =	sshrl.u32 s14, $0x3  }
0xf6: {  	s29 =	sor.u32 $0x1C02, s0;
	[smem:$0x7E2] =	sst s14  }
0xf7: {  	[hbm:s15], [sflag:s29] =	dma.local [spmem:s14], $0x640  }
0xf8: {  	_ =	swait.ge [sflag:s7], $0x640  }
0xf9: {  	s16 =	rddreg [dreg:$0x11]  }
0xfa: {  	s18 =	sld [smem:$0x7F0]  }
0xfb: {  	[sflag:s7] =	ssyncset.done $0x0;
	s17 =	sshrl.u32 s16, $0x3  }
0xfc: {  	[sflag:s7] =	ssyncadd.s32 $0xFFFFF9C0;
	[smem:$0x7E3] =	sst s17  }
0xfd: {  	[hbm:s18], [sflag:s29] =	dma.local [spmem:s17], $0x640  }
0xfe: {  	_ =	swait.ge [sflag:s7], $0x640  }
0xff: {  	s21 =	sld [smem:$0x7F1]  }
0x100: {  	[sflag:s7] =	ssyncset.done $0x0;
	s19 =	rddreg [dreg:$0x12]  }
0x101: {  	[sflag:s7] =	ssyncadd.s32 $0xFFFFF9C0;
	s14 =	sshrl.u32 s19, $0x3  }
0x102: {  	[hbm:s21], [sflag:s29] =	dma.local [spmem:s14], $0x640  }
0x103: {  	_ =	swait.ge [sflag:s7], $0x640  }
0x104: {  	s16 =	sld [smem:$0x7F2]  }
0x105: {  	[sflag:s7] =	ssyncset.done $0x0;
	s15 =	rddreg [dreg:$0x13]  }
0x106: {  	[sflag:s7] =	ssyncadd.s32 $0xFFFFF9C0;
	s15 =	sshrl.u32 s15, $0x3  }
0x107: {  	[hbm:s16], [sflag:s29] =	dma.local [spmem:s15], $0x640  }
0x108: {  	_ =	swait.ge [sflag:s7], $0x640  }
0x109: {  	s18 =	sld [smem:$0x7F3]  }
0x10a: {  	[sflag:s7] =	ssyncset.done $0x0;
	s17 =	rddreg [dreg:$0x15]  }
0x10b: {  	[sflag:s7] =	ssyncadd.s32 $0xFFFFF9C0;
	s16 =	sshrl.u32 s17, $0x3  }
0x10c: {  	[hbm:s18], [sflag:s29] =	dma.local [spmem:s16], $0x640  }
0x10d: {  	_ =	swait.ge [sflag:s7], $0x640  }
0x10e: {  	s21 =	sld [smem:$0x7F4]  }
0x10f: {  	[sflag:s7] =	ssyncset.done $0x0;
	s19 =	rddreg [dreg:$0x16]  }
0x110: {  	[sflag:s7] =	ssyncadd.s32 $0xFFFFF9C0;
	s17 =	sshrl.u32 s19, $0x3  }
0x111: {  	[hbm:s21], [sflag:s29] =	dma.local [spmem:s17], $0x640  }
0x112: {  	_ =	swait.ge [sflag:s7], $0x640  }
0x113: {  	s19 =	sld [smem:$0x7F5]  }
0x114: {  	[sflag:s7] =	ssyncset.done $0x0;
	s18 =	rddreg [dreg:$0x17]  }
0x115: {  	[sflag:s7] =	ssyncadd.s32 $0xFFFFF9C0;
	s18 =	sshrl.u32 s18, $0x3  }
0x116: {  	[hbm:s19], [sflag:s29] =	dma.local [spmem:s18], $0x640  }
0x117: {  	_ =	swait.ge [sflag:s7], $0x640  }
0x118: {  	s0 =	sld [smem:$0x7EE]  }
0x119: {  	[sflag:s7] =	ssyncset.done $0x0  }
0x11a: {  	[sflag:s7] =	ssyncadd.s32 $0xFFFFF9C0  }
0x11b: {  	[hbm:s0], [sflag:s29] =	dma.local @!p1 [spmem:s28], $0x640  }
0x11c: {  	s0 =	simm.s32 @!p1 $0x2  }
0x11d: {  	_ =	swait.ge @!p1 [sflag:s0], $0x640  }
0x11e: {  	[sflag:s0] =	ssyncset.done @!p1 $0x0  }
0x11f: {  	[sflag:s0] =	ssyncadd.s32 @!p1 $0xFFFFF9C0  }
0x120: {  	[bflag:$0x0] =	sbarrier.arrive $0xFFFF  }
0x121: {  	[spmem:s30] =	stream.linear.scatter [tilespmem:s26], [sflag:$0x2], $0x3200, $0x38;
	[tilespmem:$0x1CA20] =	vst v63  }
0x122: {  	_ =	swait.ge [sflag:s7], $0x3200  }
0x123: {  	[sflag:s7] =	ssyncset.done $0x0  }
0x124: {  	s19 =	rddreg [dreg:$0x9];
	[sflag:s7] =	ssyncadd.s32 $0xFFFFCE00  }
0x125: {  	[spmem:s19] =	stream.linear.scatter [tilespmem:s26], [sflag:$0x2], $0x3200, $0x38;
	[tilespmem:$0x1CA20] =	vst v63  }
0x126: {  	_ =	swait.ge [sflag:s7], $0x3200  }
0x127: {  	[sflag:s7] =	ssyncset.done $0x0  }
0x128: {  	s21 =	rddreg [dreg:$0xa];
	[sflag:s7] =	ssyncadd.s32 $0xFFFFCE00  }
0x129: {  	[spmem:s21] =	stream.linear.scatter [tilespmem:s26], [sflag:$0x2], $0x3200, $0x38;
	[tilespmem:$0x1CA20] =	vst v63  }
0x12a: {  	_ =	swait.ge [sflag:s7], $0x3200  }
0x12b: {  	[sflag:s7] =	ssyncset.done $0x0  }
0x12c: {  	s30 =	rddreg [dreg:$0xb];
	[sflag:s7] =	ssyncadd.s32 $0xFFFFCE00  }
0x12d: {  	[spmem:s30] =	stream.linear.scatter [tilespmem:s26], [sflag:$0x2], $0x3200, $0x38;
	[tilespmem:$0x1CA20] =	vst v63  }
0x12e: {  	_ =	swait.ge [sflag:s7], $0x3200  }
0x12f: {  	[sflag:s7] =	ssyncset.done $0x0  }
0x130: {  	s21 =	rddreg [dreg:$0xc];
	[sflag:s7] =	ssyncadd.s32 $0xFFFFCE00  }
0x131: {  	[spmem:s21] =	stream.linear.scatter [tilespmem:s26], [sflag:$0x2], $0x3200, $0x38;
	[tilespmem:$0x1CA20] =	vst v63  }
0x132: {  	_ =	swait.ge [sflag:s7], $0x3200  }
0x133: {  	[sflag:s7] =	ssyncset.done $0x0  }
0x134: {  	s30 =	rddreg [dreg:$0xd];
	[sflag:s7] =	ssyncadd.s32 $0xFFFFCE00  }
0x135: {  	[spmem:s30] =	stream.linear.scatter [tilespmem:s26], [sflag:$0x2], $0x3200, $0x38;
	[tilespmem:$0x1CA20] =	vst v63  }
0x136: {  	_ =	swait.ge [sflag:s7], $0x3200  }
0x137: {  	[sflag:s7] =	ssyncset.done $0x0  }
0x138: {  	[sflag:s7] =	ssyncadd.s32 $0xFFFFCE00  }
0x139: {  	[spmem:s20] =	stream.linear.scatter [tilespmem:s26], [sflag:$0x2], $0x3200, $0x38;
	[tilespmem:$0x1CA20] =	vst v63  }
0x13a: {  	_ =	swait.ge [sflag:s7], $0x3200  }
0x13b: {  	[sflag:s7] =	ssyncset.done $0x0  }
0x13c: {  	s19 =	simm.s32 @!p1 $0x19820;
	s20 =	rddreg [dreg:$0xf];
	[sflag:s7] =	ssyncadd.s32 $0xFFFFCE00  }
0x13d: {  	[spmem:s20] =	stream.linear.scatter @!p1 [tilespmem:s19], [sflag:$0x2], $0x3200, $0x38;
	[tilespmem:$0x1CA20] =	vst v63  }
0x13e: {  	_ =	swait.ge @!p1 [sflag:s0], $0x3200  }
0x13f: {  	[sflag:s0] =	ssyncset.done @!p1 $0x0  }
0x140: {  	[sflag:s0] =	ssyncadd.s32 @!p1 $0xFFFFCE00  }
0x141: {  	s28 =	simm.s32 $0x0;
	s19 =	simm.s32 $0x0;
	[bflag:$0x0] =	sbarrier.arrive $0xFFFF  }
.LBB2_18:
0x142: {  	s0 =	sshll.u32 s19, $0x7  }
0x143: {  	s0 =	sadd.s32 s31, s0  }
0x144: {  	s0 =	sshrl.u32 s0, $0x3  }
0x145: {  	s20 =	sadd.s32 s10, s0  }
0x146: {  	[tilespmem:s12], [sflag:$0x2] =	stream.linear.gather [hbm4b:s20+s28], $0x80, $0x38;
	[tilespmem:$0x1CA20] =	vst v63  }
0x147: {  	_ =	swait.ge [sflag:s7], $0x80  }
0x148: {  	[sflag:s7] =	ssyncset.done $0x0  }
0x149: {  	s21 =	sadd.s32 s9, s0;
	[sflag:s7] =	ssyncadd.s32 $0xFFFFFF80  }
0x14a: {  	[tilespmem:s13], [sflag:$0x2] =	stream.linear.gather [hbm4b:s21+s28], $0x80, $0x38;
	[tilespmem:$0x1CA20] =	vst v63  }
0x14b: {  	_ =	swait.ge [sflag:s7], $0x80  }
0x14c: {  	[sflag:s7] =	ssyncset.done $0x0  }
0x14d: {  	s0 =	sadd.s32 s11, s0;
	[sflag:s7] =	ssyncadd.s32 $0xFFFFFF80  }
0x14e: {  	[tilespmem:s22], [sflag:$0x2] =	stream.linear.gather [hbm4b:s0+s28], $0x80, $0x38;
	[tilespmem:$0x1CA20] =	vst v63  }
0x14f: {  	_ =	swait.ge [sflag:s7], $0x80  }
0x150: {  	[sflag:s7] =	ssyncset.done $0x0  }
0x151: {  	[sflag:s7] =	ssyncadd.s32 $0xFFFFFF80  }
0x152: {  	[tilespmem:s24], [sflag:$0x1] =	stream.indirect.gather [hbm4b:s2+s23], $0x20, s12, s23, $0xb8;
	[tilespmem:$0x1CA20] =	vst v63  }
0x153: {  	_ =	swait.ge [sflag:s25], $0x1000  }
0x154: {  	[sflag:s25] =	ssyncset.done $0x0  }
0x155: {  	s20 =	simm.s32 $0x18920;
	[sflag:s25] =	ssyncadd.s32 $0xFFFFF000  }
0x156: {  	v22 =	vld [tilespmem:s20+$0xFFFFFFA0]  }
0x157: {  	v20 =	vld [tilespmem:s20+$0xFFFFFFF0]  }
0x158: {  	v17 =	vld [tilespmem:s20+$0xFFFFFF60]  }
0x159: {  	v23 =	vld [tilespmem:s20+$0xFFFFFFD0]  }
0x15a: {  	v24 =	vld [tilespmem:s20+$0x80]  }
0x15b: {  	v27 =	vld [tilespmem:s20+$0xFFFFFF10]  }
0x15c: {  	v31 =	vld [tilespmem:s20+$0xE0]  }
0x15d: {  	v26 =	vld [tilespmem:s20+$0xFFFFFF40]  }
0x15e: {  	s21 =	simm.s32 $0x0;
	v18 =	vld [tilespmem:s20+$0xFFFFFF90]  }
0x15f: {  	v19 =	vld [tilespmem:s21+$0x187A0]  }
0x160: {  	v25 =	vld [tilespmem:s20+$0xFFFFFFC0]  }
0x161: {  	v28 =	vld [tilespmem:s20+$0xFFFFFF00]  }
0x162: {  	v29 =	vld [tilespmem:s20+$0xD0]  }
0x163: {  	v38 =	vld [tilespmem:s20+$0xC0]  }
0x164: {  	v36 =	vld [tilespmem:s20+$0x90];
	v34 =	vperm.xlane v19, v1;
	v21 =	vperm.xlane v19, v16  }
0x165: {  	v37 =	vld [tilespmem:s20+$0xFFFFFF50];
	v35 =	vperm.xlane v19, v3;
	v33 =	vperm.xlane v19, v15  }
0x166: {  	v32 =	vld [tilespmem:s20+$0xB0];
	v30 =	vperm.xlane v19, v13;
	v40 =	vmul.f32 v34, v28  }
0x167: {  	s30 =	simm.s32 $0x18920;
	s21 =	simm.s32 $0x40;
	v28 =	vperm.xlane v19, v14;
	v39 =	vmul.f32 v35, v26;
	v26 =	vld [tilespmem:s20+$0x60]  }
.LBB2_19:
0x168: {  	p3 =	sne.s32 s21, $0x1C0  }
0x169: {  	[tilespmem:s20+$0xFFFFFF00] =	vst v40;
	v40 =	vld [tilespmem:s20+$0xFFFFFFB0];
	v38 =	vmul.f32 v33, v38;
	v31 =	vmul.f32 v21, v31;
	s30 =	sadd.s32 $0x200, s30;
	s0 =	smov.u32 s21;
	s21 =	sadd.s32 $0x40, s21  }
0x16a: {  	[tilespmem:s20+$0xFFFFFF40] =	vst v39;
	v39 =	vperm.xlane v19, v11;
	v36 =	vmul.f32 v30, v36;
	v41 =	vld [tilespmem:s20+$0xA0]  }
0x16b: {  	v27 =	vmul.f32 v34, v27;
	v34 =	vmul.f32 v35, v37;
	v35 =	vld [tilespmem:s20+$0x70];
	[tilespmem:s20+$0xE0] =	vst v31  }
0x16c: {  	v31 =	vperm.xlane v19, v6;
	v37 =	vld [tilespmem:s20+$0xFFFFFFE0];
	v32 =	vmul.f32 v28, v32;
	[tilespmem:s20+$0xC0] =	vst v38  }
0x16d: {  	v29 =	vmul.f32 v33, v29;
	[tilespmem:s20+$0xFFFFFF10] =	vst v27;
	v27 =	vperm.xlane v19, v7;
	v38 =	vld [tilespmem:s20+$0x40]  }
0x16e: {  	v42 =	vperm.xlane v19, v12;
	v22 =	vmul.f32 v31, v22;
	v33 =	vld [tilespmem:s20+$0xFFFFFF20];
	[tilespmem:s20+$0x90] =	vst v36  }
0x16f: {  	[tilespmem:s20+$0xFFFFFF50] =	vst v34;
	v34 =	vperm.xlane v19, v10;
	v36 =	vld [tilespmem:s20+$0x20];
	v28 =	vmul.f32 v28, v41  }
0x170: {  	v31 =	vmul.f32 v31, v40;
	v40 =	vld [tilespmem:s20+$0x50];
	v35 =	vmul.f32 v42, v35;
	[tilespmem:s20+$0xD0] =	vst v29  }
0x171: {  	v24 =	vmul.f32 v30, v24;
	v29 =	vperm.xlane v19, v8;
	v41 =	vld [tilespmem:s20+$0x30];
	[tilespmem:s20+$0xA0] =	vst v28  }
0x172: {  	v25 =	vmul.f32 v27, v25;
	v28 =	vperm.xlane v19, v4;
	v30 =	vld [tilespmem:s20+$0x0];
	[tilespmem:s20+$0x70] =	vst v35  }
0x173: {  	v26 =	vmul.f32 v42, v26;
	v23 =	vmul.f32 v27, v23;
	v27 =	vld [tilespmem:s20+$0x10];
	[tilespmem:s20+$0x80] =	vst v24  }
0x174: {  	v35 =	vperm.xlane v19, v9;
	v38 =	vmul.f32 v39, v38;
	v24 =	vld [tilespmem:s20+$0xFFFFFF30];
	[tilespmem:s20+$0xB0] =	vst v32  }
0x175: {  	v32 =	vperm.xlane v19, v2;
	v42 =	vld [tilespmem:s20+$0xFFFFFF70];
	[tilespmem:s20+$0xFFFFFFD0] =	vst v23;
	v39 =	vmul.f32 v39, v40  }
0x176: {  	v20 =	vmul.f32 v29, v20;
	v23 =	vmul.f32 v29, v37;
	[tilespmem:s20+$0xFFFFFFC0] =	vst v25;
	v25 =	vld [tilespmem:s20+$0xF0]  }
0x177: {  	v37 =	vmul.f32 v34, v41;
	v29 =	vld [tilespmem:s20+$0xFFFFFF80];
	[tilespmem:s20+$0xFFFFFFA0] =	vst v22;
	v30 =	vmul.f32 v35, v30  }
0x178: {  	v22 =	vld [tilespmem:s30+$0xFFFFFFA0];
	[tilespmem:s20+$0xFFFFFFF0] =	vst v20;
	v35 =	vmul.f32 v35, v27;
	v27 =	vmul.f32 v34, v36  }
0x179: {  	v20 =	vmul.f32 v32, v33;
	v32 =	vmul.f32 v32, v24;
	[tilespmem:s20+$0x60] =	vst v26  }
0x17a: {  	v17 =	vmul.f32 v28, v17;
	v24 =	vmul.f32 v28, v42;
	[tilespmem:s20+$0xFFFFFFB0] =	vst v31  }
0x17b: {  	v19 =	vperm.xlane v19, v5;
	[tilespmem:s20+$0xFFFFFF20] =	vst v20;
	v20 =	vmul.f32 v21, v25  }
0x17c: {  	[tilespmem:s20+$0xFFFFFF60] =	vst v17  }
0x17d: {  	v21 =	vmul.f32 v19, v29;
	v17 =	vmul.f32 v19, v18;
	[tilespmem:s20+$0x40] =	vst v38  }
0x17e: {  	[tilespmem:s20+$0xFFFFFFE0] =	vst v23  }
0x17f: {  	[tilespmem:s20+$0xF0] =	vst v20  }
0x180: {  	[tilespmem:s20+$0xFFFFFF90] =	vst v17  }
0x181: {  	v20 =	vld [tilespmem:s30+$0xFFFFFFF0];
	[tilespmem:s20+$0xFFFFFF70] =	vst v24  }
0x182: {  	v17 =	vld [tilespmem:s30+$0xFFFFFF60];
	[tilespmem:s20+$0x20] =	vst v27  }
0x183: {  	v23 =	vld [tilespmem:s30+$0xFFFFFFD0];
	[tilespmem:s20+$0x30] =	vst v37  }
0x184: {  	v24 =	vld [tilespmem:s30+$0x80];
	[tilespmem:s20+$0xFFFFFF80] =	vst v21  }
0x185: {  	v27 =	vld [tilespmem:s30+$0xFFFFFF10];
	[tilespmem:s20+$0x50] =	vst v39  }
0x186: {  	v31 =	vld [tilespmem:s30+$0xE0];
	[tilespmem:s20+$0x0] =	vst v30  }
0x187: {  	v26 =	vld [tilespmem:s30+$0xFFFFFF40];
	[tilespmem:s20+$0xFFFFFF30] =	vst v32  }
0x188: {  	s0 =	sshra.s32 s0, $0x2;
	v18 =	vld [tilespmem:s30+$0xFFFFFF90];
	[tilespmem:s20+$0x10] =	vst v35;
	s20 =	smov.u32 s30  }
0x189: {  	v19 =	vld [tilespmem:s0+$0x187A0]  }
0x18a: {  	v25 =	vld [tilespmem:s30+$0xFFFFFFC0]  }
0x18b: {  	v28 =	vld [tilespmem:s30+$0xFFFFFF00]  }
0x18c: {  	v29 =	vld [tilespmem:s30+$0xD0]  }
.Ltmp6:
0x18d: {  	v38 =	vld [tilespmem:s30+$0xC0];
	(pc) =	sbr.rel @p3 .LBB2_19-.Ltmp6, $4  }
0x18e: {  	v34 =	vperm.xlane v19, v1;
	v36 =	vld [tilespmem:s30+$0x90];
	v21 =	vperm.xlane v19, v16  }
0x18f: {  	v35 =	vperm.xlane v19, v3;
	v33 =	vperm.xlane v19, v15;
	v37 =	vld [tilespmem:s30+$0xFFFFFF50]  }
0x190: {  	v40 =	vmul.f32 v34, v28;
	v28 =	vperm.xlane v19, v14;
	v32 =	vld [tilespmem:s30+$0xB0]  }
0x191: {  	v30 =	vperm.xlane v19, v13;
	v39 =	vmul.f32 v35, v26;
	v26 =	vld [tilespmem:s30+$0x60]  }
0x192: {  	[tilespmem:s20+$0xFFFFFF00] =	vst v40;
	v31 =	vmul.f32 v21, v31  }
0x193: {  	v38 =	vmul.f32 v33, v38;
	[tilespmem:s20+$0xFFFFFF40] =	vst v39  }
0x194: {  	v27 =	vmul.f32 v34, v27;
	[tilespmem:s20+$0xE0] =	vst v31  }
0x195: {  	v59 =	vmul.f32 v33, v29;
	[tilespmem:s20+$0xC0] =	vst v38  }
0x196: {  	v57 =	vmul.f32 v30, v36;
	[tilespmem:s20+$0xFFFFFF10] =	vst v27  }
0x197: {  	v41 =	vperm.xlane v19, v7;
	v24 =	vmul.f32 v30, v24;
	[tilespmem:s20+$0xD0] =	vst v59  }
0x198: {  	v35 =	vmul.f32 v35, v37;
	[tilespmem:s20+$0x90] =	vst v57  }
0x199: {  	v45 =	vperm.xlane v19, v6;
	v23 =	vmul.f32 v41, v23;
	[tilespmem:s20+$0x80] =	vst v24  }
0x19a: {  	v47 =	vperm.xlane v19, v8;
	v25 =	vmul.f32 v41, v25;
	[tilespmem:s20+$0xFFFFFF50] =	vst v35  }
0x19b: {  	v54 =	vperm.xlane v19, v4;
	v22 =	vmul.f32 v45, v22;
	[tilespmem:s20+$0xFFFFFFD0] =	vst v23  }
0x19c: {  	v55 =	vld [tilespmem:s20+$0xA0];
	v20 =	vmul.f32 v47, v20;
	[tilespmem:s20+$0xFFFFFFC0] =	vst v25  }
0x19d: {  	v56 =	vld [tilespmem:s20+$0x70];
	v61 =	vperm.xlane v19, v12;
	v17 =	vmul.f32 v54, v17;
	[tilespmem:s20+$0xFFFFFFA0] =	vst v22  }
0x19e: {  	v58 =	vld [tilespmem:s20+$0xFFFFFFB0];
	v59 =	vperm.xlane v19, v5;
	v43 =	vmul.f32 v28, v32;
	[tilespmem:s20+$0xFFFFFFF0] =	vst v20  }
0x19f: {  	v60 =	vld [tilespmem:s20+$0xFFFFFF20];
	v26 =	vmul.f32 v61, v26;
	[tilespmem:s20+$0xFFFFFF60] =	vst v17  }
0x1a0: {  	v62 =	vld [tilespmem:s20+$0xFFFFFFE0];
	v18 =	vmul.f32 v59, v18;
	[tilespmem:s20+$0xB0] =	vst v43  }
0x1a1: {  	v49 =	vld [tilespmem:s20+$0xFFFFFF70];
	v63 =	vmul.f32 v28, v55;
	[tilespmem:s20+$0x60] =	vst v26  }
0x1a2: {  	v50 =	vld [tilespmem:s20+$0xFFFFFF80];
	v52 =	vperm.xlane v19, v2;
	v34 =	vmul.f32 v61, v56;
	[tilespmem:s20+$0xFFFFFF90] =	vst v18  }
0x1a3: {  	v40 =	vld [tilespmem:s20+$0x40];
	v53 =	vmul.f32 v45, v58;
	[tilespmem:s20+$0xA0] =	vst v63  }
0x1a4: {  	v55 =	vld [tilespmem:s20+$0xF0];
	v29 =	vmul.f32 v52, v60;
	[tilespmem:s20+$0x70] =	vst v34  }
0x1a5: {  	v46 =	vld [tilespmem:s20+$0x30];
	v24 =	vmul.f32 v47, v62;
	[tilespmem:s20+$0xFFFFFFB0] =	vst v53  }
0x1a6: {  	v44 =	vld [tilespmem:s20+$0x20];
	v56 =	vperm.xlane v19, v11;
	v61 =	vmul.f32 v54, v49;
	[tilespmem:s20+$0xFFFFFF20] =	vst v29  }
0x1a7: {  	v57 =	vld [tilespmem:s20+$0xFFFFFF30];
	v62 =	vmul.f32 v59, v50;
	[tilespmem:s20+$0xFFFFFFE0] =	vst v24  }
0x1a8: {  	v42 =	vld [tilespmem:s20+$0x50];
	v60 =	vperm.xlane v19, v10;
	v58 =	vmul.f32 v56, v40;
	[tilespmem:s20+$0xFFFFFF70] =	vst v61  }
0x1a9: {  	v48 =	vld [tilespmem:s20+$0x0];
	[tilespmem:s20+$0xFFFFFF80] =	vst v62;
	v17 =	vmul.f32 v21, v55  }
0x1aa: {  	v51 =	vld [tilespmem:s20+$0x10];
	v18 =	vmul.f32 v60, v46;
	[tilespmem:s20+$0x40] =	vst v58  }
0x1ab: {  	[tilespmem:s20+$0xF0] =	vst v17;
	v17 =	vmul.f32 v60, v44  }
0x1ac: {  	v19 =	vperm.xlane v19, v9;
	v63 =	vmul.f32 v52, v57;
	[tilespmem:s20+$0x30] =	vst v18  }
0x1ad: {  	[tilespmem:s20+$0x20] =	vst v17;
	v17 =	vmul.f32 v56, v42  }
0x1ae: {  	v18 =	vmul.f32 v19, v48;
	[tilespmem:s20+$0xFFFFFF30] =	vst v63  }
0x1af: {  	s19 =	sadd.s32 $0x1, s19;
	[tilespmem:s20+$0x50] =	vst v17;
	v17 =	vmul.f32 v19, v51  }
0x1b0: {  	p3 =	sne.s32 s19, $0x187;
	[tilespmem:s20+$0x0] =	vst v18  }
.Ltmp7:
0x1b1: {  	[tilespmem:s20+$0x10] =	vst v17;
	(pc) =	sbr.rel @p3 .LBB2_18-.Ltmp7, $4  }
0x1b2: {  	[spmem:s3] =	stream.indirect.scatter.add.f32 [tilespmem:s24], [sflag:$0x2], $0x20, s13, s23, $0xb8;
	[tilespmem:$0x1CA20] =	vst v63  }
0x1b3: {  	_ =	swait.ge [sflag:s7], $0x1000  }
0x1b4: {  	[sflag:s7] =	ssyncset.done $0x0  }
0x1b5: {  	[sflag:s7] =	ssyncadd.s32 $0xFFFFF000  }
0x1b6: {  	[bflag:$0x0] =	sbarrier.arrive $0xFFFF  }
0x1b7: {  	s0 =	sld [smem:$0x7F6]  }
0x1b8: {  	s19 =	sld [smem:$0x7E2];
	_ =	sdelay $0x2  }
0x1b9: {  	[hbm:s0], [sflag:s29] =	dma.local [spmem:s19], $0x640  }
0x1ba: {  	_ =	swait.ge [sflag:s7], $0x640  }
0x1bb: {  	s28 =	sld [smem:$0x7F7]  }
0x1bc: {  	s30 =	sld [smem:$0x7E3]  }
0x1bd: {  	[sflag:s7] =	ssyncset.done $0x0  }
0x1be: {  	[sflag:s7] =	ssyncadd.s32 $0xFFFFF9C0  }
0x1bf: {  	[hbm:s28], [sflag:s29] =	dma.local [spmem:s30], $0x640  }
0x1c0: {  	_ =	swait.ge [sflag:s7], $0x640  }
0x1c1: {  	s19 =	sld [smem:$0x7F8]  }
0x1c2: {  	[sflag:s7] =	ssyncset.done $0x0  }
0x1c3: {  	[sflag:s7] =	ssyncadd.s32 $0xFFFFF9C0  }
0x1c4: {  	[hbm:s19], [sflag:s29] =	dma.local [spmem:s14], $0x640  }
0x1c5: {  	_ =	swait.ge [sflag:s7], $0x640  }
0x1c6: {  	s20 =	sld [smem:$0x7F9]  }
0x1c7: {  	[sflag:s7] =	ssyncset.done $0x0  }
0x1c8: {  	[sflag:s7] =	ssyncadd.s32 $0xFFFFF9C0  }
0x1c9: {  	[hbm:s20], [sflag:s29] =	dma.local [spmem:s15], $0x640  }
0x1ca: {  	_ =	swait.ge [sflag:s7], $0x640  }
0x1cb: {  	s21 =	sld [smem:$0x7FA]  }
0x1cc: {  	[sflag:s7] =	ssyncset.done $0x0  }
0x1cd: {  	[sflag:s7] =	ssyncadd.s32 $0xFFFFF9C0  }
0x1ce: {  	[hbm:s21], [sflag:s29] =	dma.local [spmem:s16], $0x640  }
0x1cf: {  	_ =	swait.ge [sflag:s7], $0x640  }
0x1d0: {  	s28 =	sld [smem:$0x7FB]  }
0x1d1: {  	[sflag:s7] =	ssyncset.done $0x0  }
0x1d2: {  	[sflag:s7] =	ssyncadd.s32 $0xFFFFF9C0  }
0x1d3: {  	[hbm:s28], [sflag:s29] =	dma.local [spmem:s17], $0x640  }
0x1d4: {  	_ =	swait.ge [sflag:s7], $0x640  }
0x1d5: {  	s30 =	sld [smem:$0x7FC]  }
0x1d6: {  	[sflag:s7] =	ssyncset.done $0x0  }
0x1d7: {  	[sflag:s7] =	ssyncadd.s32 $0xFFFFF9C0  }
0x1d8: {  	[hbm:s30], [sflag:s29] =	dma.local [spmem:s18], $0x640  }
.Ltmp8:
0x1d9: {  	_ = 	snop;
	(pc) =	sbr.rel @p1 .LBB2_23-.Ltmp8, $4  }
.Ltmp9:
0x1da: {  	_ = 	snop;
	(pc) =	sbr.rel @!p1 .LBB2_22-.Ltmp9, $4  }
0x1db: {  	_ =	swait.ge [sflag:s7], $0x640  }
0x1dc: {  	[sflag:s7] =	ssyncset.done $0x0  }
0x1dd: {  	s0 =	sld [smem:$0x7EC];
	[sflag:s7] =	ssyncadd.s32 $0xFFFFF9C0  }
0x1de: {  	_ = 	snop  }
.LBB2_4:
0x1df: {  	[spmem:s30] =	stream.linear.scatter [tilespmem:s26], [sflag:$0x2], $0x3200, $0x38;
	[tilespmem:$0x1CA20] =	vst v63  }
0x1e0: {  	_ =	swait.ge [sflag:s7], $0x3200  }
0x1e1: {  	[sflag:s7] =	ssyncset.done $0x0  }
0x1e2: {  	s0 =	rddreg [dreg:$0x9];
	[sflag:s7] =	ssyncadd.s32 $0xFFFFCE00  }
0x1e3: {  	[spmem:s0] =	stream.linear.scatter [tilespmem:s26], [sflag:$0x2], $0x3200, $0x38;
	[tilespmem:$0x1CA20] =	vst v63  }
0x1e4: {  	_ =	swait.ge [sflag:s7], $0x3200  }
0x1e5: {  	[sflag:s7] =	ssyncset.done $0x0  }
0x1e6: {  	s18 =	rddreg [dreg:$0xa];
	[sflag:s7] =	ssyncadd.s32 $0xFFFFCE00  }
0x1e7: {  	[spmem:s18] =	stream.linear.scatter [tilespmem:s26], [sflag:$0x2], $0x3200, $0x38;
	[tilespmem:$0x1CA20] =	vst v63  }
0x1e8: {  	_ =	swait.ge [sflag:s7], $0x3200  }
0x1e9: {  	[sflag:s7] =	ssyncset.done $0x0  }
0x1ea: {  	s19 =	rddreg [dreg:$0xb];
	[sflag:s7] =	ssyncadd.s32 $0xFFFFCE00  }
0x1eb: {  	[spmem:s19] =	stream.linear.scatter [tilespmem:s26], [sflag:$0x2], $0x3200, $0x38;
	[tilespmem:$0x1CA20] =	vst v63  }
0x1ec: {  	_ =	swait.ge [sflag:s7], $0x3200  }
0x1ed: {  	[sflag:s7] =	ssyncset.done $0x0  }
0x1ee: {  	s21 =	rddreg [dreg:$0xc];
	[sflag:s7] =	ssyncadd.s32 $0xFFFFCE00  }
0x1ef: {  	[spmem:s21] =	stream.linear.scatter [tilespmem:s26], [sflag:$0x2], $0x3200, $0x38;
	[tilespmem:$0x1CA20] =	vst v63  }
0x1f0: {  	_ =	swait.ge [sflag:s7], $0x3200  }
0x1f1: {  	[sflag:s7] =	ssyncset.done $0x0  }
0x1f2: {  	s29 =	rddreg [dreg:$0xd];
	[sflag:s7] =	ssyncadd.s32 $0xFFFFCE00  }
0x1f3: {  	[spmem:s29] =	stream.linear.scatter [tilespmem:s26], [sflag:$0x2], $0x3200, $0x38;
	[tilespmem:$0x1CA20] =	vst v63  }
0x1f4: {  	_ =	swait.ge [sflag:s7], $0x3200  }
0x1f5: {  	[sflag:s7] =	ssyncset.done $0x0  }
0x1f6: {  	[sflag:s7] =	ssyncadd.s32 $0xFFFFCE00  }
0x1f7: {  	[spmem:s20] =	stream.linear.scatter [tilespmem:s26], [sflag:$0x2], $0x3200, $0x38;
	[tilespmem:$0x1CA20] =	vst v63  }
0x1f8: {  	_ =	swait.ge [sflag:s7], $0x3200  }
0x1f9: {  	[sflag:s7] =	ssyncset.done $0x0  }
0x1fa: {  	s0 =	simm.s32 @!p1 $0x19820;
	s14 =	rddreg [dreg:$0xf];
	[sflag:s7] =	ssyncadd.s32 $0xFFFFCE00  }
0x1fb: {  	[spmem:s14] =	stream.linear.scatter @!p1 [tilespmem:s0], [sflag:$0x2], $0x3200, $0x38;
	[tilespmem:$0x1CA20] =	vst v63  }
0x1fc: {  	s0 =	simm.s32 @!p1 $0x2  }
0x1fd: {  	_ =	swait.ge @!p1 [sflag:s0], $0x3200  }
0x1fe: {  	[sflag:s0] =	ssyncset.done @!p1 $0x0  }
0x1ff: {  	[sflag:s0] =	ssyncadd.s32 @!p1 $0xFFFFCE00  }
0x200: {  	s14 =	simm.s32 $0x0;
	s0 =	simm.s32 $0x0;
	[bflag:$0x0] =	sbarrier.arrive $0xFFFF  }
.LBB2_5:
0x201: {  	s15 =	sshll.u32 s14, $0x7  }
0x202: {  	s15 =	sadd.s32 s31, s15  }
0x203: {  	s15 =	sshrl.u32 s15, $0x3  }
0x204: {  	s16 =	sadd.s32 s6, s15  }
0x205: {  	[tilespmem:s12], [sflag:$0x2] =	stream.linear.gather [hbm4b:s16+s0], $0x80, $0x38;
	[tilespmem:$0x1CA20] =	vst v63  }
0x206: {  	_ =	swait.ge [sflag:s7], $0x80  }
0x207: {  	[sflag:s7] =	ssyncset.done $0x0  }
0x208: {  	s21 =	sadd.s32 s5, s15;
	[sflag:s7] =	ssyncadd.s32 $0xFFFFFF80  }
0x209: {  	[tilespmem:s13], [sflag:$0x2] =	stream.linear.gather [hbm4b:s21+s0], $0x80, $0x38;
	[tilespmem:$0x1CA20] =	vst v63  }
0x20a: {  	_ =	swait.ge [sflag:s7], $0x80  }
0x20b: {  	[sflag:s7] =	ssyncset.done $0x0  }
0x20c: {  	s15 =	sadd.s32 s8, s15;
	[sflag:s7] =	ssyncadd.s32 $0xFFFFFF80  }
0x20d: {  	[tilespmem:s22], [sflag:$0x2] =	stream.linear.gather [hbm4b:s15+s0], $0x80, $0x38;
	[tilespmem:$0x1CA20] =	vst v63  }
0x20e: {  	_ =	swait.ge [sflag:s7], $0x80  }
0x20f: {  	[sflag:s7] =	ssyncset.done $0x0  }
0x210: {  	[sflag:s7] =	ssyncadd.s32 $0xFFFFFF80  }
0x211: {  	[tilespmem:s24], [sflag:$0x1] =	stream.indirect.gather [hbm4b:s1+s23], $0x20, s12, s23, $0xb8;
	[tilespmem:$0x1CA20] =	vst v63  }
0x212: {  	_ =	swait.ge [sflag:s25], $0x1000  }
0x213: {  	[sflag:s25] =	ssyncset.done $0x0  }
0x214: {  	s15 =	simm.s32 $0x18920;
	[sflag:s25] =	ssyncadd.s32 $0xFFFFF000  }
0x215: {  	v22 =	vld [tilespmem:s15+$0xFFFFFFA0]  }
0x216: {  	v20 =	vld [tilespmem:s15+$0xFFFFFFF0]  }
0x217: {  	v17 =	vld [tilespmem:s15+$0xFFFFFF60]  }
0x218: {  	v23 =	vld [tilespmem:s15+$0xFFFFFFD0]  }
0x219: {  	v24 =	vld [tilespmem:s15+$0x80]  }
0x21a: {  	v27 =	vld [tilespmem:s15+$0xFFFFFF10]  }
0x21b: {  	v31 =	vld [tilespmem:s15+$0xE0]  }
0x21c: {  	v26 =	vld [tilespmem:s15+$0xFFFFFF40]  }
0x21d: {  	s29 =	simm.s32 $0x0;
	v18 =	vld [tilespmem:s15+$0xFFFFFF90]  }
0x21e: {  	v19 =	vld [tilespmem:s29+$0x187A0]  }
0x21f: {  	v25 =	vld [tilespmem:s15+$0xFFFFFFC0]  }
0x220: {  	v28 =	vld [tilespmem:s15+$0xFFFFFF00]  }
0x221: {  	v29 =	vld [tilespmem:s15+$0xD0]  }
0x222: {  	v38 =	vld [tilespmem:s15+$0xC0]  }
0x223: {  	v36 =	vld [tilespmem:s15+$0x90];
	v34 =	vperm.xlane v19, v1;
	v21 =	vperm.xlane v19, v16  }
0x224: {  	v37 =	vld [tilespmem:s15+$0xFFFFFF50];
	v35 =	vperm.xlane v19, v3;
	v33 =	vperm.xlane v19, v15  }
0x225: {  	v32 =	vld [tilespmem:s15+$0xB0];
	v30 =	vperm.xlane v19, v13;
	v40 =	vmul.f32 v34, v28  }
0x226: {  	s17 =	simm.s32 $0x18920;
	s16 =	simm.s32 $0x40;
	v28 =	vperm.xlane v19, v14;
	v39 =	vmul.f32 v35, v26;
	v26 =	vld [tilespmem:s15+$0x60]  }
.LBB2_6:
0x227: {  	p3 =	sne.s32 s16, $0x1C0  }
0x228: {  	[tilespmem:s15+$0xFFFFFF00] =	vst v40;
	v40 =	vld [tilespmem:s15+$0xFFFFFFB0];
	v38 =	vmul.f32 v33, v38;
	v31 =	vmul.f32 v21, v31;
	s17 =	sadd.s32 $0x200, s17;
	s18 =	smov.u32 s16;
	s16 =	sadd.s32 $0x40, s16  }
0x229: {  	[tilespmem:s15+$0xFFFFFF40] =	vst v39;
	v39 =	vperm.xlane v19, v11;
	v36 =	vmul.f32 v30, v36;
	v41 =	vld [tilespmem:s15+$0xA0]  }
0x22a: {  	v27 =	vmul.f32 v34, v27;
	v34 =	vmul.f32 v35, v37;
	v35 =	vld [tilespmem:s15+$0x70];
	[tilespmem:s15+$0xE0] =	vst v31  }
0x22b: {  	v31 =	vperm.xlane v19, v6;
	v37 =	vld [tilespmem:s15+$0xFFFFFFE0];
	v32 =	vmul.f32 v28, v32;
	[tilespmem:s15+$0xC0] =	vst v38  }
0x22c: {  	v29 =	vmul.f32 v33, v29;
	[tilespmem:s15+$0xFFFFFF10] =	vst v27;
	v27 =	vperm.xlane v19, v7;
	v38 =	vld [tilespmem:s15+$0x40]  }
0x22d: {  	v42 =	vperm.xlane v19, v12;
	v22 =	vmul.f32 v31, v22;
	v33 =	vld [tilespmem:s15+$0xFFFFFF20];
	[tilespmem:s15+$0x90] =	vst v36  }
0x22e: {  	[tilespmem:s15+$0xFFFFFF50] =	vst v34;
	v34 =	vperm.xlane v19, v10;
	v36 =	vld [tilespmem:s15+$0x20];
	v28 =	vmul.f32 v28, v41  }
0x22f: {  	v31 =	vmul.f32 v31, v40;
	v40 =	vld [tilespmem:s15+$0x50];
	v35 =	vmul.f32 v42, v35;
	[tilespmem:s15+$0xD0] =	vst v29  }
0x230: {  	v24 =	vmul.f32 v30, v24;
	v29 =	vperm.xlane v19, v8;
	v41 =	vld [tilespmem:s15+$0x30];
	[tilespmem:s15+$0xA0] =	vst v28  }
0x231: {  	v25 =	vmul.f32 v27, v25;
	v28 =	vperm.xlane v19, v4;
	v30 =	vld [tilespmem:s15+$0x0];
	[tilespmem:s15+$0x70] =	vst v35  }
0x232: {  	v26 =	vmul.f32 v42, v26;
	v23 =	vmul.f32 v27, v23;
	v27 =	vld [tilespmem:s15+$0x10];
	[tilespmem:s15+$0x80] =	vst v24  }
0x233: {  	v35 =	vperm.xlane v19, v9;
	v38 =	vmul.f32 v39, v38;
	v24 =	vld [tilespmem:s15+$0xFFFFFF30];
	[tilespmem:s15+$0xB0] =	vst v32  }
0x234: {  	v32 =	vperm.xlane v19, v2;
	v42 =	vld [tilespmem:s15+$0xFFFFFF70];
	[tilespmem:s15+$0xFFFFFFD0] =	vst v23;
	v39 =	vmul.f32 v39, v40  }
0x235: {  	v20 =	vmul.f32 v29, v20;
	v23 =	vmul.f32 v29, v37;
	[tilespmem:s15+$0xFFFFFFC0] =	vst v25;
	v25 =	vld [tilespmem:s15+$0xF0]  }
0x236: {  	v37 =	vmul.f32 v34, v41;
	v29 =	vld [tilespmem:s15+$0xFFFFFF80];
	[tilespmem:s15+$0xFFFFFFA0] =	vst v22;
	v30 =	vmul.f32 v35, v30  }
0x237: {  	v22 =	vld [tilespmem:s17+$0xFFFFFFA0];
	[tilespmem:s15+$0xFFFFFFF0] =	vst v20;
	v35 =	vmul.f32 v35, v27;
	v27 =	vmul.f32 v34, v36  }
0x238: {  	v20 =	vmul.f32 v32, v33;
	v32 =	vmul.f32 v32, v24;
	[tilespmem:s15+$0x60] =	vst v26  }
0x239: {  	v17 =	vmul.f32 v28, v17;
	v24 =	vmul.f32 v28, v42;
	[tilespmem:s15+$0xFFFFFFB0] =	vst v31  }
0x23a: {  	v19 =	vperm.xlane v19, v5;
	[tilespmem:s15+$0xFFFFFF20] =	vst v20;
	v20 =	vmul.f32 v21, v25  }
0x23b: {  	[tilespmem:s15+$0xFFFFFF60] =	vst v17  }
0x23c: {  	v21 =	vmul.f32 v19, v29;
	v17 =	vmul.f32 v19, v18;
	[tilespmem:s15+$0x40] =	vst v38  }
0x23d: {  	[tilespmem:s15+$0xFFFFFFE0] =	vst v23  }
0x23e: {  	[tilespmem:s15+$0xF0] =	vst v20  }
0x23f: {  	[tilespmem:s15+$0xFFFFFF90] =	vst v17  }
0x240: {  	v20 =	vld [tilespmem:s17+$0xFFFFFFF0];
	[tilespmem:s15+$0xFFFFFF70] =	vst v24  }
0x241: {  	v17 =	vld [tilespmem:s17+$0xFFFFFF60];
	[tilespmem:s15+$0x20] =	vst v27  }
0x242: {  	v23 =	vld [tilespmem:s17+$0xFFFFFFD0];
	[tilespmem:s15+$0x30] =	vst v37  }
0x243: {  	v24 =	vld [tilespmem:s17+$0x80];
	[tilespmem:s15+$0xFFFFFF80] =	vst v21  }
0x244: {  	v27 =	vld [tilespmem:s17+$0xFFFFFF10];
	[tilespmem:s15+$0x50] =	vst v39  }
0x245: {  	v31 =	vld [tilespmem:s17+$0xE0];
	[tilespmem:s15+$0x0] =	vst v30  }
0x246: {  	v26 =	vld [tilespmem:s17+$0xFFFFFF40];
	[tilespmem:s15+$0xFFFFFF30] =	vst v32  }
0x247: {  	s18 =	sshra.s32 s18, $0x2;
	v18 =	vld [tilespmem:s17+$0xFFFFFF90];
	[tilespmem:s15+$0x10] =	vst v35;
	s15 =	smov.u32 s17  }
0x248: {  	v19 =	vld [tilespmem:s18+$0x187A0]  }
0x249: {  	v25 =	vld [tilespmem:s17+$0xFFFFFFC0]  }
0x24a: {  	v28 =	vld [tilespmem:s17+$0xFFFFFF00]  }
0x24b: {  	v29 =	vld [tilespmem:s17+$0xD0]  }
.Ltmp10:
0x24c: {  	v38 =	vld [tilespmem:s17+$0xC0];
	(pc) =	sbr.rel @p3 .LBB2_6-.Ltmp10, $4  }
0x24d: {  	v34 =	vperm.xlane v19, v1;
	v36 =	vld [tilespmem:s17+$0x90];
	v21 =	vperm.xlane v19, v16  }
0x24e: {  	v35 =	vperm.xlane v19, v3;
	v33 =	vperm.xlane v19, v15;
	v37 =	vld [tilespmem:s17+$0xFFFFFF50]  }
0x24f: {  	v40 =	vmul.f32 v34, v28;
	v28 =	vperm.xlane v19, v14;
	v32 =	vld [tilespmem:s17+$0xB0]  }
0x250: {  	v30 =	vperm.xlane v19, v13;
	v39 =	vmul.f32 v35, v26;
	v26 =	vld [tilespmem:s17+$0x60]  }
0x251: {  	[tilespmem:s15+$0xFFFFFF00] =	vst v40;
	v31 =	vmul.f32 v21, v31  }
0x252: {  	v38 =	vmul.f32 v33, v38;
	[tilespmem:s15+$0xFFFFFF40] =	vst v39  }
0x253: {  	v27 =	vmul.f32 v34, v27;
	[tilespmem:s15+$0xE0] =	vst v31  }
0x254: {  	v59 =	vmul.f32 v33, v29;
	[tilespmem:s15+$0xC0] =	vst v38  }
0x255: {  	v57 =	vmul.f32 v30, v36;
	[tilespmem:s15+$0xFFFFFF10] =	vst v27  }
0x256: {  	v41 =	vperm.xlane v19, v7;
	v24 =	vmul.f32 v30, v24;
	[tilespmem:s15+$0xD0] =	vst v59  }
0x257: {  	v35 =	vmul.f32 v35, v37;
	[tilespmem:s15+$0x90] =	vst v57  }
0x258: {  	v45 =	vperm.xlane v19, v6;
	v23 =	vmul.f32 v41, v23;
	[tilespmem:s15+$0x80] =	vst v24  }
0x259: {  	v47 =	vperm.xlane v19, v8;
	v25 =	vmul.f32 v41, v25;
	[tilespmem:s15+$0xFFFFFF50] =	vst v35  }
0x25a: {  	v54 =	vperm.xlane v19, v4;
	v22 =	vmul.f32 v45, v22;
	[tilespmem:s15+$0xFFFFFFD0] =	vst v23  }
0x25b: {  	v55 =	vld [tilespmem:s15+$0xA0];
	v20 =	vmul.f32 v47, v20;
	[tilespmem:s15+$0xFFFFFFC0] =	vst v25  }
0x25c: {  	v56 =	vld [tilespmem:s15+$0x70];
	v61 =	vperm.xlane v19, v12;
	v17 =	vmul.f32 v54, v17;
	[tilespmem:s15+$0xFFFFFFA0] =	vst v22  }
0x25d: {  	v58 =	vld [tilespmem:s15+$0xFFFFFFB0];
	v59 =	vperm.xlane v19, v5;
	v43 =	vmul.f32 v28, v32;
	[tilespmem:s15+$0xFFFFFFF0] =	vst v20  }
0x25e: {  	v60 =	vld [tilespmem:s15+$0xFFFFFF20];
	v26 =	vmul.f32 v61, v26;
	[tilespmem:s15+$0xFFFFFF60] =	vst v17  }
0x25f: {  	v62 =	vld [tilespmem:s15+$0xFFFFFFE0];
	v18 =	vmul.f32 v59, v18;
	[tilespmem:s15+$0xB0] =	vst v43  }
0x260: {  	v49 =	vld [tilespmem:s15+$0xFFFFFF70];
	v63 =	vmul.f32 v28, v55;
	[tilespmem:s15+$0x60] =	vst v26  }
0x261: {  	v50 =	vld [tilespmem:s15+$0xFFFFFF80];
	v52 =	vperm.xlane v19, v2;
	v34 =	vmul.f32 v61, v56;
	[tilespmem:s15+$0xFFFFFF90] =	vst v18  }
0x262: {  	v40 =	vld [tilespmem:s15+$0x40];
	v53 =	vmul.f32 v45, v58;
	[tilespmem:s15+$0xA0] =	vst v63  }
0x263: {  	v55 =	vld [tilespmem:s15+$0xF0];
	v29 =	vmul.f32 v52, v60;
	[tilespmem:s15+$0x70] =	vst v34  }
0x264: {  	v46 =	vld [tilespmem:s15+$0x30];
	v24 =	vmul.f32 v47, v62;
	[tilespmem:s15+$0xFFFFFFB0] =	vst v53  }
0x265: {  	v44 =	vld [tilespmem:s15+$0x20];
	v56 =	vperm.xlane v19, v11;
	v61 =	vmul.f32 v54, v49;
	[tilespmem:s15+$0xFFFFFF20] =	vst v29  }
0x266: {  	v57 =	vld [tilespmem:s15+$0xFFFFFF30];
	v62 =	vmul.f32 v59, v50;
	[tilespmem:s15+$0xFFFFFFE0] =	vst v24  }
0x267: {  	v42 =	vld [tilespmem:s15+$0x50];
	v60 =	vperm.xlane v19, v10;
	v58 =	vmul.f32 v56, v40;
	[tilespmem:s15+$0xFFFFFF70] =	vst v61  }
0x268: {  	v48 =	vld [tilespmem:s15+$0x0];
	[tilespmem:s15+$0xFFFFFF80] =	vst v62;
	v17 =	vmul.f32 v21, v55  }
0x269: {  	v51 =	vld [tilespmem:s15+$0x10];
	v18 =	vmul.f32 v60, v46;
	[tilespmem:s15+$0x40] =	vst v58  }
0x26a: {  	[tilespmem:s15+$0xF0] =	vst v17;
	v17 =	vmul.f32 v60, v44  }
0x26b: {  	v19 =	vperm.xlane v19, v9;
	v63 =	vmul.f32 v52, v57;
	[tilespmem:s15+$0x30] =	vst v18  }
0x26c: {  	[tilespmem:s15+$0x20] =	vst v17;
	v17 =	vmul.f32 v56, v42  }
0x26d: {  	v18 =	vmul.f32 v19, v48;
	[tilespmem:s15+$0xFFFFFF30] =	vst v63  }
0x26e: {  	s14 =	sadd.s32 $0x1, s14;
	[tilespmem:s15+$0x50] =	vst v17;
	v17 =	vmul.f32 v19, v51  }
0x26f: {  	p3 =	sne.s32 s14, $0x187;
	[tilespmem:s15+$0x0] =	vst v18  }
.Ltmp11:
0x270: {  	[tilespmem:s15+$0x10] =	vst v17;
	(pc) =	sbr.rel @p3 .LBB2_5-.Ltmp11, $4  }
0x271: {  	[spmem:s3] =	stream.indirect.scatter.add.f32 [tilespmem:s24], [sflag:$0x2], $0x20, s13, s23, $0xb8;
	[tilespmem:$0x1CA20] =	vst v63  }
0x272: {  	_ =	swait.ge [sflag:s7], $0x1000  }
0x273: {  	[sflag:s7] =	ssyncset.done $0x0  }
0x274: {  	[sflag:s7] =	ssyncadd.s32 $0xFFFFF000  }
0x275: {  	[bflag:$0x0] =	sbarrier.arrive $0xFFFF  }
0x276: {  	s0 =	stileid.u32;
	s14 =	rddreg [dreg:$0x10]  }
0x277: {  	s0 =	sshll.u32 s0, $0x6;
	s15 =	rddreg [dreg:$0x19];
	s14 =	sshrl.u32 s14, $0x3  }
0x278: {  	s29 =	sor.u32 $0x1C02, s0;
	[smem:$0x7E4] =	sst s14  }
0x279: {  	[hbm:s15], [sflag:s29] =	dma.local [spmem:s14], $0x640  }
0x27a: {  	_ =	swait.ge [sflag:s7], $0x640  }
0x27b: {  	s16 =	rddreg [dreg:$0x11]  }
0x27c: {  	[sflag:s7] =	ssyncset.done $0x0;
	s18 =	rddreg [dreg:$0x1b];
	s17 =	sshrl.u32 s16, $0x3  }
0x27d: {  	[sflag:s7] =	ssyncadd.s32 $0xFFFFF9C0;
	[smem:$0x7E5] =	sst s17  }
0x27e: {  	[hbm:s18], [sflag:s29] =	dma.local [spmem:s17], $0x640  }
0x27f: {  	_ =	swait.ge [sflag:s7], $0x640  }
0x280: {  	[sflag:s7] =	ssyncset.done $0x0;
	s19 =	rddreg [dreg:$0x12]  }
0x281: {  	s21 =	rddreg [dreg:$0x1d];
	[sflag:s7] =	ssyncadd.s32 $0xFFFFF9C0;
	s14 =	sshrl.u32 s19, $0x3  }
0x282: {  	[hbm:s21], [sflag:s29] =	dma.local [spmem:s14], $0x640  }
0x283: {  	_ =	swait.ge [sflag:s7], $0x640  }
0x284: {  	[sflag:s7] =	ssyncset.done $0x0;
	s15 =	rddreg [dreg:$0x13]  }
0x285: {  	s16 =	rddreg [dreg:$0x1f];
	[sflag:s7] =	ssyncadd.s32 $0xFFFFF9C0;
	s15 =	sshrl.u32 s15, $0x3  }
0x286: {  	[hbm:s16], [sflag:s29] =	dma.local [spmem:s15], $0x640  }
0x287: {  	_ =	swait.ge [sflag:s7], $0x640  }
0x288: {  	s18 =	sld [smem:$0x7E7]  }
0x289: {  	[sflag:s7] =	ssyncset.done $0x0;
	s17 =	rddreg [dreg:$0x15]  }
0x28a: {  	[sflag:s7] =	ssyncadd.s32 $0xFFFFF9C0;
	s16 =	sshrl.u32 s17, $0x3  }
0x28b: {  	[hbm:s18], [sflag:s29] =	dma.local [spmem:s16], $0x640  }
0x28c: {  	_ =	swait.ge [sflag:s7], $0x640  }
0x28d: {  	s21 =	sld [smem:$0x7E9]  }
0x28e: {  	[sflag:s7] =	ssyncset.done $0x0;
	s19 =	rddreg [dreg:$0x16]  }
0x28f: {  	[sflag:s7] =	ssyncadd.s32 $0xFFFFF9C0;
	s17 =	sshrl.u32 s19, $0x3  }
0x290: {  	[hbm:s21], [sflag:s29] =	dma.local [spmem:s17], $0x640  }
0x291: {  	_ =	swait.ge [sflag:s7], $0x640  }
0x292: {  	s19 =	sld [smem:$0x7EB]  }
0x293: {  	[sflag:s7] =	ssyncset.done $0x0;
	s18 =	rddreg [dreg:$0x17]  }
0x294: {  	[sflag:s7] =	ssyncadd.s32 $0xFFFFF9C0;
	s18 =	sshrl.u32 s18, $0x3  }
0x295: {  	[hbm:s19], [sflag:s29] =	dma.local [spmem:s18], $0x640  }
0x296: {  	_ =	swait.ge [sflag:s7], $0x640  }
0x297: {  	[sflag:s7] =	ssyncset.done $0x0  }
0x298: {  	s0 =	rddreg [dreg:$0x18];
	[sflag:s7] =	ssyncadd.s32 $0xFFFFF9C0  }
0x299: {  	[hbm:s0], [sflag:s29] =	dma.local @!p1 [spmem:s28], $0x640  }
0x29a: {  	s0 =	simm.s32 @!p1 $0x2  }
0x29b: {  	_ =	swait.ge @!p1 [sflag:s0], $0x640  }
0x29c: {  	[sflag:s0] =	ssyncset.done @!p1 $0x0  }
0x29d: {  	[sflag:s0] =	ssyncadd.s32 @!p1 $0xFFFFF9C0  }
0x29e: {  	[bflag:$0x0] =	sbarrier.arrive $0xFFFF  }
0x29f: {  	[spmem:s30] =	stream.linear.scatter [tilespmem:s26], [sflag:$0x2], $0x3200, $0x38;
	[tilespmem:$0x1CA20] =	vst v63  }
0x2a0: {  	_ =	swait.ge [sflag:s7], $0x3200  }
0x2a1: {  	[sflag:s7] =	ssyncset.done $0x0  }
0x2a2: {  	s19 =	rddreg [dreg:$0x9];
	[sflag:s7] =	ssyncadd.s32 $0xFFFFCE00  }
0x2a3: {  	[spmem:s19] =	stream.linear.scatter [tilespmem:s26], [sflag:$0x2], $0x3200, $0x38;
	[tilespmem:$0x1CA20] =	vst v63  }
0x2a4: {  	_ =	swait.ge [sflag:s7], $0x3200  }
0x2a5: {  	[sflag:s7] =	ssyncset.done $0x0  }
0x2a6: {  	s21 =	rddreg [dreg:$0xa];
	[sflag:s7] =	ssyncadd.s32 $0xFFFFCE00  }
0x2a7: {  	[spmem:s21] =	stream.linear.scatter [tilespmem:s26], [sflag:$0x2], $0x3200, $0x38;
	[tilespmem:$0x1CA20] =	vst v63  }
0x2a8: {  	_ =	swait.ge [sflag:s7], $0x3200  }
0x2a9: {  	[sflag:s7] =	ssyncset.done $0x0  }
0x2aa: {  	s30 =	rddreg [dreg:$0xb];
	[sflag:s7] =	ssyncadd.s32 $0xFFFFCE00  }
0x2ab: {  	[spmem:s30] =	stream.linear.scatter [tilespmem:s26], [sflag:$0x2], $0x3200, $0x38;
	[tilespmem:$0x1CA20] =	vst v63  }
0x2ac: {  	_ =	swait.ge [sflag:s7], $0x3200  }
0x2ad: {  	[sflag:s7] =	ssyncset.done $0x0  }
0x2ae: {  	s21 =	rddreg [dreg:$0xc];
	[sflag:s7] =	ssyncadd.s32 $0xFFFFCE00  }
0x2af: {  	[spmem:s21] =	stream.linear.scatter [tilespmem:s26], [sflag:$0x2], $0x3200, $0x38;
	[tilespmem:$0x1CA20] =	vst v63  }
0x2b0: {  	_ =	swait.ge [sflag:s7], $0x3200  }
0x2b1: {  	[sflag:s7] =	ssyncset.done $0x0  }
0x2b2: {  	s30 =	rddreg [dreg:$0xd];
	[sflag:s7] =	ssyncadd.s32 $0xFFFFCE00  }
0x2b3: {  	[spmem:s30] =	stream.linear.scatter [tilespmem:s26], [sflag:$0x2], $0x3200, $0x38;
	[tilespmem:$0x1CA20] =	vst v63  }
0x2b4: {  	_ =	swait.ge [sflag:s7], $0x3200  }
0x2b5: {  	[sflag:s7] =	ssyncset.done $0x0  }
0x2b6: {  	[sflag:s7] =	ssyncadd.s32 $0xFFFFCE00  }
0x2b7: {  	[spmem:s20] =	stream.linear.scatter [tilespmem:s26], [sflag:$0x2], $0x3200, $0x38;
	[tilespmem:$0x1CA20] =	vst v63  }
0x2b8: {  	_ =	swait.ge [sflag:s7], $0x3200  }
0x2b9: {  	[sflag:s7] =	ssyncset.done $0x0  }
0x2ba: {  	s19 =	simm.s32 @!p1 $0x19820;
	s20 =	rddreg [dreg:$0xf];
	[sflag:s7] =	ssyncadd.s32 $0xFFFFCE00  }
0x2bb: {  	[spmem:s20] =	stream.linear.scatter @!p1 [tilespmem:s19], [sflag:$0x2], $0x3200, $0x38;
	[tilespmem:$0x1CA20] =	vst v63  }
0x2bc: {  	_ =	swait.ge @!p1 [sflag:s0], $0x3200  }
0x2bd: {  	[sflag:s0] =	ssyncset.done @!p1 $0x0  }
0x2be: {  	[sflag:s0] =	ssyncadd.s32 @!p1 $0xFFFFCE00  }
0x2bf: {  	s28 =	simm.s32 $0x0;
	s19 =	simm.s32 $0x0;
	[bflag:$0x0] =	sbarrier.arrive $0xFFFF  }
.LBB2_9:
0x2c0: {  	s0 =	sshll.u32 s19, $0x7  }
0x2c1: {  	s0 =	sadd.s32 s31, s0  }
0x2c2: {  	s0 =	sshrl.u32 s0, $0x3  }
0x2c3: {  	s20 =	sadd.s32 s10, s0  }
0x2c4: {  	[tilespmem:s12], [sflag:$0x2] =	stream.linear.gather [hbm4b:s20+s28], $0x80, $0x38;
	[tilespmem:$0x1CA20] =	vst v63  }
0x2c5: {  	_ =	swait.ge [sflag:s7], $0x80  }
0x2c6: {  	[sflag:s7] =	ssyncset.done $0x0  }
0x2c7: {  	s21 =	sadd.s32 s9, s0;
	[sflag:s7] =	ssyncadd.s32 $0xFFFFFF80  }
0x2c8: {  	[tilespmem:s13], [sflag:$0x2] =	stream.linear.gather [hbm4b:s21+s28], $0x80, $0x38;
	[tilespmem:$0x1CA20] =	vst v63  }
0x2c9: {  	_ =	swait.ge [sflag:s7], $0x80  }
0x2ca: {  	[sflag:s7] =	ssyncset.done $0x0  }
0x2cb: {  	s0 =	sadd.s32 s11, s0;
	[sflag:s7] =	ssyncadd.s32 $0xFFFFFF80  }
0x2cc: {  	[tilespmem:s22], [sflag:$0x2] =	stream.linear.gather [hbm4b:s0+s28], $0x80, $0x38;
	[tilespmem:$0x1CA20] =	vst v63  }
0x2cd: {  	_ =	swait.ge [sflag:s7], $0x80  }
0x2ce: {  	[sflag:s7] =	ssyncset.done $0x0  }
0x2cf: {  	[sflag:s7] =	ssyncadd.s32 $0xFFFFFF80  }
0x2d0: {  	[tilespmem:s24], [sflag:$0x1] =	stream.indirect.gather [hbm4b:s1+s23], $0x20, s12, s23, $0xb8;
	[tilespmem:$0x1CA20] =	vst v63  }
0x2d1: {  	_ =	swait.ge [sflag:s25], $0x1000  }
0x2d2: {  	[sflag:s25] =	ssyncset.done $0x0  }
0x2d3: {  	s20 =	simm.s32 $0x18920;
	[sflag:s25] =	ssyncadd.s32 $0xFFFFF000  }
0x2d4: {  	v22 =	vld [tilespmem:s20+$0xFFFFFFA0]  }
0x2d5: {  	v20 =	vld [tilespmem:s20+$0xFFFFFFF0]  }
0x2d6: {  	v17 =	vld [tilespmem:s20+$0xFFFFFF60]  }
0x2d7: {  	v23 =	vld [tilespmem:s20+$0xFFFFFFD0]  }
0x2d8: {  	v24 =	vld [tilespmem:s20+$0x80]  }
0x2d9: {  	v27 =	vld [tilespmem:s20+$0xFFFFFF10]  }
0x2da: {  	v31 =	vld [tilespmem:s20+$0xE0]  }
0x2db: {  	v26 =	vld [tilespmem:s20+$0xFFFFFF40]  }
0x2dc: {  	s21 =	simm.s32 $0x0;
	v18 =	vld [tilespmem:s20+$0xFFFFFF90]  }
0x2dd: {  	v19 =	vld [tilespmem:s21+$0x187A0]  }
0x2de: {  	v25 =	vld [tilespmem:s20+$0xFFFFFFC0]  }
0x2df: {  	v28 =	vld [tilespmem:s20+$0xFFFFFF00]  }
0x2e0: {  	v29 =	vld [tilespmem:s20+$0xD0]  }
0x2e1: {  	v38 =	vld [tilespmem:s20+$0xC0]  }
0x2e2: {  	v36 =	vld [tilespmem:s20+$0x90];
	v34 =	vperm.xlane v19, v1;
	v21 =	vperm.xlane v19, v16  }
0x2e3: {  	v37 =	vld [tilespmem:s20+$0xFFFFFF50];
	v35 =	vperm.xlane v19, v3;
	v33 =	vperm.xlane v19, v15  }
0x2e4: {  	v32 =	vld [tilespmem:s20+$0xB0];
	v30 =	vperm.xlane v19, v13;
	v40 =	vmul.f32 v34, v28  }
0x2e5: {  	s30 =	simm.s32 $0x18920;
	s21 =	simm.s32 $0x40;
	v28 =	vperm.xlane v19, v14;
	v39 =	vmul.f32 v35, v26;
	v26 =	vld [tilespmem:s20+$0x60]  }
.LBB2_10:
0x2e6: {  	p3 =	sne.s32 s21, $0x1C0  }
0x2e7: {  	[tilespmem:s20+$0xFFFFFF00] =	vst v40;
	v40 =	vld [tilespmem:s20+$0xFFFFFFB0];
	v38 =	vmul.f32 v33, v38;
	v31 =	vmul.f32 v21, v31;
	s30 =	sadd.s32 $0x200, s30;
	s0 =	smov.u32 s21;
	s21 =	sadd.s32 $0x40, s21  }
0x2e8: {  	[tilespmem:s20+$0xFFFFFF40] =	vst v39;
	v39 =	vperm.xlane v19, v11;
	v36 =	vmul.f32 v30, v36;
	v41 =	vld [tilespmem:s20+$0xA0]  }
0x2e9: {  	v27 =	vmul.f32 v34, v27;
	v34 =	vmul.f32 v35, v37;
	v35 =	vld [tilespmem:s20+$0x70];
	[tilespmem:s20+$0xE0] =	vst v31  }
0x2ea: {  	v31 =	vperm.xlane v19, v6;
	v37 =	vld [tilespmem:s20+$0xFFFFFFE0];
	v32 =	vmul.f32 v28, v32;
	[tilespmem:s20+$0xC0] =	vst v38  }
0x2eb: {  	v29 =	vmul.f32 v33, v29;
	[tilespmem:s20+$0xFFFFFF10] =	vst v27;
	v27 =	vperm.xlane v19, v7;
	v38 =	vld [tilespmem:s20+$0x40]  }
0x2ec: {  	v42 =	vperm.xlane v19, v12;
	v22 =	vmul.f32 v31, v22;
	v33 =	vld [tilespmem:s20+$0xFFFFFF20];
	[tilespmem:s20+$0x90] =	vst v36  }
0x2ed: {  	[tilespmem:s20+$0xFFFFFF50] =	vst v34;
	v34 =	vperm.xlane v19, v10;
	v36 =	vld [tilespmem:s20+$0x20];
	v28 =	vmul.f32 v28, v41  }
0x2ee: {  	v31 =	vmul.f32 v31, v40;
	v40 =	vld [tilespmem:s20+$0x50];
	v35 =	vmul.f32 v42, v35;
	[tilespmem:s20+$0xD0] =	vst v29  }
0x2ef: {  	v24 =	vmul.f32 v30, v24;
	v29 =	vperm.xlane v19, v8;
	v41 =	vld [tilespmem:s20+$0x30];
	[tilespmem:s20+$0xA0] =	vst v28  }
0x2f0: {  	v25 =	vmul.f32 v27, v25;
	v28 =	vperm.xlane v19, v4;
	v30 =	vld [tilespmem:s20+$0x0];
	[tilespmem:s20+$0x70] =	vst v35  }
0x2f1: {  	v26 =	vmul.f32 v42, v26;
	v23 =	vmul.f32 v27, v23;
	v27 =	vld [tilespmem:s20+$0x10];
	[tilespmem:s20+$0x80] =	vst v24  }
0x2f2: {  	v35 =	vperm.xlane v19, v9;
	v38 =	vmul.f32 v39, v38;
	v24 =	vld [tilespmem:s20+$0xFFFFFF30];
	[tilespmem:s20+$0xB0] =	vst v32  }
0x2f3: {  	v32 =	vperm.xlane v19, v2;
	v42 =	vld [tilespmem:s20+$0xFFFFFF70];
	[tilespmem:s20+$0xFFFFFFD0] =	vst v23;
	v39 =	vmul.f32 v39, v40  }
0x2f4: {  	v20 =	vmul.f32 v29, v20;
	v23 =	vmul.f32 v29, v37;
	[tilespmem:s20+$0xFFFFFFC0] =	vst v25;
	v25 =	vld [tilespmem:s20+$0xF0]  }
0x2f5: {  	v37 =	vmul.f32 v34, v41;
	v29 =	vld [tilespmem:s20+$0xFFFFFF80];
	[tilespmem:s20+$0xFFFFFFA0] =	vst v22;
	v30 =	vmul.f32 v35, v30  }
0x2f6: {  	v22 =	vld [tilespmem:s30+$0xFFFFFFA0];
	[tilespmem:s20+$0xFFFFFFF0] =	vst v20;
	v35 =	vmul.f32 v35, v27;
	v27 =	vmul.f32 v34, v36  }
0x2f7: {  	v20 =	vmul.f32 v32, v33;
	v32 =	vmul.f32 v32, v24;
	[tilespmem:s20+$0x60] =	vst v26  }
0x2f8: {  	v17 =	vmul.f32 v28, v17;
	v24 =	vmul.f32 v28, v42;
	[tilespmem:s20+$0xFFFFFFB0] =	vst v31  }
0x2f9: {  	v19 =	vperm.xlane v19, v5;
	[tilespmem:s20+$0xFFFFFF20] =	vst v20;
	v20 =	vmul.f32 v21, v25  }
0x2fa: {  	[tilespmem:s20+$0xFFFFFF60] =	vst v17  }
0x2fb: {  	v21 =	vmul.f32 v19, v29;
	v17 =	vmul.f32 v19, v18;
	[tilespmem:s20+$0x40] =	vst v38  }
0x2fc: {  	[tilespmem:s20+$0xFFFFFFE0] =	vst v23  }
0x2fd: {  	[tilespmem:s20+$0xF0] =	vst v20  }
0x2fe: {  	[tilespmem:s20+$0xFFFFFF90] =	vst v17  }
0x2ff: {  	v20 =	vld [tilespmem:s30+$0xFFFFFFF0];
	[tilespmem:s20+$0xFFFFFF70] =	vst v24  }
0x300: {  	v17 =	vld [tilespmem:s30+$0xFFFFFF60];
	[tilespmem:s20+$0x20] =	vst v27  }
0x301: {  	v23 =	vld [tilespmem:s30+$0xFFFFFFD0];
	[tilespmem:s20+$0x30] =	vst v37  }
0x302: {  	v24 =	vld [tilespmem:s30+$0x80];
	[tilespmem:s20+$0xFFFFFF80] =	vst v21  }
0x303: {  	v27 =	vld [tilespmem:s30+$0xFFFFFF10];
	[tilespmem:s20+$0x50] =	vst v39  }
0x304: {  	v31 =	vld [tilespmem:s30+$0xE0];
	[tilespmem:s20+$0x0] =	vst v30  }
0x305: {  	v26 =	vld [tilespmem:s30+$0xFFFFFF40];
	[tilespmem:s20+$0xFFFFFF30] =	vst v32  }
0x306: {  	s0 =	sshra.s32 s0, $0x2;
	v18 =	vld [tilespmem:s30+$0xFFFFFF90];
	[tilespmem:s20+$0x10] =	vst v35;
	s20 =	smov.u32 s30  }
0x307: {  	v19 =	vld [tilespmem:s0+$0x187A0]  }
0x308: {  	v25 =	vld [tilespmem:s30+$0xFFFFFFC0]  }
0x309: {  	v28 =	vld [tilespmem:s30+$0xFFFFFF00]  }
0x30a: {  	v29 =	vld [tilespmem:s30+$0xD0]  }
.Ltmp12:
0x30b: {  	v38 =	vld [tilespmem:s30+$0xC0];
	(pc) =	sbr.rel @p3 .LBB2_10-.Ltmp12, $4  }
0x30c: {  	v34 =	vperm.xlane v19, v1;
	v36 =	vld [tilespmem:s30+$0x90];
	v21 =	vperm.xlane v19, v16  }
0x30d: {  	v35 =	vperm.xlane v19, v3;
	v33 =	vperm.xlane v19, v15;
	v37 =	vld [tilespmem:s30+$0xFFFFFF50]  }
0x30e: {  	v40 =	vmul.f32 v34, v28;
	v28 =	vperm.xlane v19, v14;
	v32 =	vld [tilespmem:s30+$0xB0]  }
0x30f: {  	v30 =	vperm.xlane v19, v13;
	v39 =	vmul.f32 v35, v26;
	v26 =	vld [tilespmem:s30+$0x60]  }
0x310: {  	[tilespmem:s20+$0xFFFFFF00] =	vst v40;
	v31 =	vmul.f32 v21, v31  }
0x311: {  	v38 =	vmul.f32 v33, v38;
	[tilespmem:s20+$0xFFFFFF40] =	vst v39  }
0x312: {  	v27 =	vmul.f32 v34, v27;
	[tilespmem:s20+$0xE0] =	vst v31  }
0x313: {  	v59 =	vmul.f32 v33, v29;
	[tilespmem:s20+$0xC0] =	vst v38  }
0x314: {  	v57 =	vmul.f32 v30, v36;
	[tilespmem:s20+$0xFFFFFF10] =	vst v27  }
0x315: {  	v41 =	vperm.xlane v19, v7;
	v24 =	vmul.f32 v30, v24;
	[tilespmem:s20+$0xD0] =	vst v59  }
0x316: {  	v35 =	vmul.f32 v35, v37;
	[tilespmem:s20+$0x90] =	vst v57  }
0x317: {  	v45 =	vperm.xlane v19, v6;
	v23 =	vmul.f32 v41, v23;
	[tilespmem:s20+$0x80] =	vst v24  }
0x318: {  	v47 =	vperm.xlane v19, v8;
	v25 =	vmul.f32 v41, v25;
	[tilespmem:s20+$0xFFFFFF50] =	vst v35  }
0x319: {  	v54 =	vperm.xlane v19, v4;
	v22 =	vmul.f32 v45, v22;
	[tilespmem:s20+$0xFFFFFFD0] =	vst v23  }
0x31a: {  	v55 =	vld [tilespmem:s20+$0xA0];
	v20 =	vmul.f32 v47, v20;
	[tilespmem:s20+$0xFFFFFFC0] =	vst v25  }
0x31b: {  	v56 =	vld [tilespmem:s20+$0x70];
	v61 =	vperm.xlane v19, v12;
	v17 =	vmul.f32 v54, v17;
	[tilespmem:s20+$0xFFFFFFA0] =	vst v22  }
0x31c: {  	v58 =	vld [tilespmem:s20+$0xFFFFFFB0];
	v59 =	vperm.xlane v19, v5;
	v43 =	vmul.f32 v28, v32;
	[tilespmem:s20+$0xFFFFFFF0] =	vst v20  }
0x31d: {  	v60 =	vld [tilespmem:s20+$0xFFFFFF20];
	v26 =	vmul.f32 v61, v26;
	[tilespmem:s20+$0xFFFFFF60] =	vst v17  }
0x31e: {  	v62 =	vld [tilespmem:s20+$0xFFFFFFE0];
	v18 =	vmul.f32 v59, v18;
	[tilespmem:s20+$0xB0] =	vst v43  }
0x31f: {  	v49 =	vld [tilespmem:s20+$0xFFFFFF70];
	v63 =	vmul.f32 v28, v55;
	[tilespmem:s20+$0x60] =	vst v26  }
0x320: {  	v50 =	vld [tilespmem:s20+$0xFFFFFF80];
	v52 =	vperm.xlane v19, v2;
	v34 =	vmul.f32 v61, v56;
	[tilespmem:s20+$0xFFFFFF90] =	vst v18  }
0x321: {  	v40 =	vld [tilespmem:s20+$0x40];
	v53 =	vmul.f32 v45, v58;
	[tilespmem:s20+$0xA0] =	vst v63  }
0x322: {  	v55 =	vld [tilespmem:s20+$0xF0];
	v29 =	vmul.f32 v52, v60;
	[tilespmem:s20+$0x70] =	vst v34  }
0x323: {  	v46 =	vld [tilespmem:s20+$0x30];
	v24 =	vmul.f32 v47, v62;
	[tilespmem:s20+$0xFFFFFFB0] =	vst v53  }
0x324: {  	v44 =	vld [tilespmem:s20+$0x20];
	v56 =	vperm.xlane v19, v11;
	v61 =	vmul.f32 v54, v49;
	[tilespmem:s20+$0xFFFFFF20] =	vst v29  }
0x325: {  	v57 =	vld [tilespmem:s20+$0xFFFFFF30];
	v62 =	vmul.f32 v59, v50;
	[tilespmem:s20+$0xFFFFFFE0] =	vst v24  }
0x326: {  	v42 =	vld [tilespmem:s20+$0x50];
	v60 =	vperm.xlane v19, v10;
	v58 =	vmul.f32 v56, v40;
	[tilespmem:s20+$0xFFFFFF70] =	vst v61  }
0x327: {  	v48 =	vld [tilespmem:s20+$0x0];
	[tilespmem:s20+$0xFFFFFF80] =	vst v62;
	v17 =	vmul.f32 v21, v55  }
0x328: {  	v51 =	vld [tilespmem:s20+$0x10];
	v18 =	vmul.f32 v60, v46;
	[tilespmem:s20+$0x40] =	vst v58  }
0x329: {  	[tilespmem:s20+$0xF0] =	vst v17;
	v17 =	vmul.f32 v60, v44  }
0x32a: {  	v19 =	vperm.xlane v19, v9;
	v63 =	vmul.f32 v52, v57;
	[tilespmem:s20+$0x30] =	vst v18  }
0x32b: {  	[tilespmem:s20+$0x20] =	vst v17;
	v17 =	vmul.f32 v56, v42  }
0x32c: {  	v18 =	vmul.f32 v19, v48;
	[tilespmem:s20+$0xFFFFFF30] =	vst v63  }
0x32d: {  	s19 =	sadd.s32 $0x1, s19;
	[tilespmem:s20+$0x50] =	vst v17;
	v17 =	vmul.f32 v19, v51  }
0x32e: {  	p3 =	sne.s32 s19, $0x187;
	[tilespmem:s20+$0x0] =	vst v18  }
.Ltmp13:
0x32f: {  	[tilespmem:s20+$0x10] =	vst v17;
	(pc) =	sbr.rel @p3 .LBB2_9-.Ltmp13, $4  }
0x330: {  	[spmem:s3] =	stream.indirect.scatter.add.f32 [tilespmem:s24], [sflag:$0x2], $0x20, s13, s23, $0xb8;
	[tilespmem:$0x1CA20] =	vst v63  }
0x331: {  	_ =	swait.ge [sflag:s7], $0x1000  }
0x332: {  	[sflag:s7] =	ssyncset.done $0x0  }
0x333: {  	[sflag:s7] =	ssyncadd.s32 $0xFFFFF000  }
0x334: {  	[bflag:$0x0] =	sbarrier.arrive $0xFFFF  }
0x335: {  	s19 =	sld [smem:$0x7E4];
	_ =	sdelay $0x1  }
0x336: {  	s0 =	rddreg [dreg:$0x1a]  }
0x337: {  	[hbm:s0], [sflag:s29] =	dma.local [spmem:s19], $0x640  }
0x338: {  	_ =	swait.ge [sflag:s7], $0x640  }
0x339: {  	s30 =	sld [smem:$0x7E5]  }
0x33a: {  	[sflag:s7] =	ssyncset.done $0x0  }
0x33b: {  	s28 =	rddreg [dreg:$0x1c];
	[sflag:s7] =	ssyncadd.s32 $0xFFFFF9C0  }
0x33c: {  	[hbm:s28], [sflag:s29] =	dma.local [spmem:s30], $0x640  }
0x33d: {  	_ =	swait.ge [sflag:s7], $0x640  }
0x33e: {  	[sflag:s7] =	ssyncset.done $0x0  }
0x33f: {  	s19 =	rddreg [dreg:$0x1e];
	[sflag:s7] =	ssyncadd.s32 $0xFFFFF9C0  }
0x340: {  	[hbm:s19], [sflag:s29] =	dma.local [spmem:s14], $0x640  }
0x341: {  	_ =	swait.ge [sflag:s7], $0x640  }
0x342: {  	s20 =	sld [smem:$0x7E6]  }
0x343: {  	[sflag:s7] =	ssyncset.done $0x0  }
0x344: {  	[sflag:s7] =	ssyncadd.s32 $0xFFFFF9C0  }
0x345: {  	[hbm:s20], [sflag:s29] =	dma.local [spmem:s15], $0x640  }
0x346: {  	_ =	swait.ge [sflag:s7], $0x640  }
0x347: {  	s21 =	sld [smem:$0x7E8]  }
0x348: {  	[sflag:s7] =	ssyncset.done $0x0  }
0x349: {  	[sflag:s7] =	ssyncadd.s32 $0xFFFFF9C0  }
0x34a: {  	[hbm:s21], [sflag:s29] =	dma.local [spmem:s16], $0x640  }
0x34b: {  	_ =	swait.ge [sflag:s7], $0x640  }
0x34c: {  	s28 =	sld [smem:$0x7EA]  }
0x34d: {  	[sflag:s7] =	ssyncset.done $0x0  }
0x34e: {  	[sflag:s7] =	ssyncadd.s32 $0xFFFFF9C0  }
0x34f: {  	[hbm:s28], [sflag:s29] =	dma.local [spmem:s17], $0x640  }
0x350: {  	_ =	swait.ge [sflag:s7], $0x640  }
0x351: {  	s30 =	sld [smem:$0x7ED]  }
0x352: {  	[sflag:s7] =	ssyncset.done $0x0  }
0x353: {  	[sflag:s7] =	ssyncadd.s32 $0xFFFFF9C0  }
0x354: {  	[hbm:s30], [sflag:s29] =	dma.local [spmem:s18], $0x640  }
.Ltmp14:
0x355: {  	_ = 	snop;
	(pc) =	sbr.rel @p2 .LBB2_22-.Ltmp14, $4  }
.Ltmp15:
0x356: {  	_ = 	snop;
	(pc) =	sbr.rel @!p2 .LBB2_23-.Ltmp15, $4  }
0x357: {  	_ =	swait.ge [sflag:s7], $0x640  }
0x358: {  	[sflag:s7] =	ssyncset.done $0x0  }
0x359: {  	s0 =	rddreg [dreg:$0x14];
	[sflag:s7] =	ssyncadd.s32 $0xFFFFF9C0  }
0x35a: {  	_ = 	snop  }
.LBB2_24:
0x35b: {  	_ =	sfence.sel $0x180000  }
0x35c: {  	[bflag:$0x0] =	sbarrier.arrive $0xFFFF  }
0x35d: {  	_ =	strace $0x90000047  }
0x35e: {  	s0 =	stileid.u32;
	[bflag:$0x2] =	sbarrier.arrive $0xFFFF  }
0x35f: {  	p0 =	sne.s32 s0, $0x0;
	s0 =	rddreg [dreg:$0x5]  }
0x360: {  	s0 =	sadd.s32 @!p0 $0x100000, s0  }
0x361: {  	[sflag:s0] =	ssyncadd.tile.s32 @!p0 $0x1;
	_ =	shalt  }
.Lfunc_end2:
_tile_overlayer_lowered:
.L_overlay_start_2:
0x362: {  	(tag) =	ssettag $0x2  }
0x363: {  	s0 =	rddreg [dreg:$0x0];
	s2 =	stileid.u32  }
0x364: {  	s1 =	rddreg [dreg:$0x1];
	p0 =	sne.s32 s2, $0x0  }
0x365: {  	s3 =	rddreg [dreg:$0x2];
	[bflag:$0x3] =	sbarrier.arrive $0xFFFF;
	s2 =	simm.s32 @!p0 $0x1C02  }
0x366: {  	[timem:s3], [sflag:s2] =	dma.local @!p0 [hbm:s0], s1  }
0x367: {  	s0 =	simm.s32 @!p0 $0x2  }
0x368: {  	_ =	swait.ge @!p0 [sflag:s0], s1  }
0x369: {  	s1 =	ssub.s32 @!p0 $0x0, s1;
	[sflag:s0] =	ssyncset.done @!p0 $0x0  }
0x36a: {  	[sflag:s0] =	ssyncadd.s32 @!p0 s1  }
0x36b: {  	[bflag:$0x3] =	sbarrier.arrive $0xFFFF  }
0x36c: {  	_ =	shalt  }

</sc_bundles>
